<compile_context>
chip_gen: v7x
topology: tpu7x:2x2x1
jax: 0.10.2.dev20260603
libtpu: 0.0.44.dev20260713+nightly
codegen_flags: <defaults>
</compile_context>

<pallas_src>
import functools

import jax
import jax.numpy as jnp
import numpy as np
from jax import lax
from jax.experimental import pallas as pl
from jax.experimental.pallas import tpu as pltpu
from jax.experimental.pallas import tpu_sc as plsc

_SAMPLE_SIZE = 800
_NUM_PROJS = 7
_BUCKET_SIZE = 64
_SP = 1024
_QB = 256
_NW = 32
_CH = 128


def _unit_hamming(size_n):
    a = np.array([0, 1], dtype=np.int32)
    for i in range(1, size_n):
        a = np.concatenate([a, a[::-1] + 2 ** i])
    return a


def _raw_bins(mat, proj_dir):
    m = lax.stop_gradient(mat)
    proj_mat = (jnp.einsum('...nd,...dr->...nr', m, proj_dir) > 0.0).astype(m.dtype)
    enc = (2.0 ** jnp.arange(_NUM_PROJS, dtype=m.dtype)).reshape(1, 1, -1)
    return jnp.einsum('...nr,...r->...n', proj_mat, enc).astype(jnp.int32)


def _power_iter(A, rkey, itr_num=20):
    x = jax.random.normal(rkey, (A.shape[0], A.shape[1], A.shape[3]), dtype=A.dtype)
    x = x / jnp.linalg.norm(x, axis=2, keepdims=True)
    for _ in range(itr_num):
        y = jnp.einsum('bhnm,bhm->bhn', A, x)
        x = y / jnp.linalg.norm(y, axis=2, keepdims=True)
    return jnp.linalg.norm(y, axis=2)



def _sc_scatter1(tab, idx):
    nch = idx.shape[1]
    per_w = nch * _CH
    M = _NW * per_w
    W = tab.shape[1]
    mesh = plsc.VectorSubcoreMesh(core_axis_name="c", subcore_axis_name="s")

    @functools.partial(
        pl.kernel, mesh=mesh,
        out_type=jax.ShapeDtypeStruct((M, W), jnp.float32),
        scratch_types=[
            pltpu.VMEM((nch, _CH), jnp.int32),
            pltpu.VMEM((per_w, W), jnp.float32),
            pltpu.SemaphoreType.DMA,
        ],
    )
    def sk(t, ix, o, iv, rows, sem):
        wid = lax.axis_index("s") * 2 + lax.axis_index("c")
        rb = wid * per_w
        pltpu.sync_copy(ix.at[wid], iv)
        pltpu.sync_copy(t.at[pl.ds(rb, per_w)], rows)
        ds = [pltpu.async_copy(rows.at[pl.ds(j * _CH, _CH)],
                               o.at[iv.at[j]], sem)
              for j in range(nch)]
        for d in ds:
            d.wait()

    return sk(tab, idx)


def _sc_gather1(tab, idx):
    nch = idx.shape[1]
    per_w = nch * _CH
    M = _NW * per_w
    W = tab.shape[1]
    mesh = plsc.VectorSubcoreMesh(core_axis_name="c", subcore_axis_name="s")

    @functools.partial(
        pl.kernel, mesh=mesh,
        out_type=jax.ShapeDtypeStruct((M, W), jnp.float32),
        scratch_types=[
            pltpu.VMEM((nch, _CH), jnp.int32),
            pltpu.VMEM((per_w, W), jnp.float32),
            pltpu.SemaphoreType.DMA,
        ],
    )
    def gk(t, ix, o, iv, rows, sem):
        wid = lax.axis_index("s") * 2 + lax.axis_index("c")
        rb = wid * per_w
        pltpu.sync_copy(ix.at[wid], iv)
        ds = [pltpu.async_copy(t.at[iv.at[j]],
                               rows.at[pl.ds(j * _CH, _CH)], sem)
              for j in range(nch)]
        for d in ds:
            d.wait()
        pltpu.sync_copy(rows, o.at[pl.ds(rb, per_w)])

    return gk(tab, idx)


def _ranks_body(k_ref, o_ref, csum_ref):
    NV = 2 ** _NUM_PROJS
    nb = o_ref.shape[1]
    ipcol = lax.broadcasted_iota(jnp.int32, (NV, 1), 0)
    for s in (1, 2, 4):
        ipcol = ipcol ^ (ipcol >> s)
    utri = jnp.triu(jnp.ones((NV, NV), jnp.float32))
    sltri = jnp.tril(jnp.ones((NV, NV), jnp.float32), k=-1)
    prior = jnp.zeros((NV, 1), jnp.float32)
    for c in range(nb):
        keys_row = k_ref[0, c:c + 1, :]
        ohT = (ipcol == keys_row).astype(jnp.float32)
        csum_c = jnp.dot(ohT, utri, preferred_element_type=jnp.float32) + prior
        csum_ref[pl.ds(c * NV, NV), :] = csum_c
        prior = prior + jnp.sum(ohT, axis=1, keepdims=True)
    below = jnp.dot(sltri, prior, preferred_element_type=jnp.float32)
    for c in range(nb):
        keys_row = k_ref[0, c:c + 1, :]
        ohT = (ipcol == keys_row).astype(jnp.float32)
        val = csum_ref[pl.ds(c * NV, NV), :] + below
        rank_row = jnp.sum(ohT * val, axis=0, keepdims=True) - 1.0
        o_ref[0, c:c + 1, :] = rank_row.astype(jnp.int32)


def _ranks_tc(binids):
    BH, T = binids.shape
    NV = 2 ** _NUM_PROJS
    nb = T // NV
    k3 = binids.reshape(BH, nb, NV)
    out = pl.pallas_call(
        _ranks_body,
        grid=(BH,),
        in_specs=[pl.BlockSpec((1, nb, NV), lambda h: (h, 0, 0))],
        out_specs=pl.BlockSpec((1, nb, NV), lambda h: (h, 0, 0)),
        out_shape=jax.ShapeDtypeStruct((BH, nb, NV), jnp.int32),
        scratch_shapes=[pltpu.VMEM((T, NV), jnp.float32)],
    )(k3)
    return out.reshape(BH, T)



def _attn_body(q_ref, kv_ref, kvp_ref, mf_ref, bd_ref, o_ref):
    E = 64
    ng = _QB // _BUCKET_SIZE
    q = q_ref[0][:, :E]
    kv = kv_ref[0]
    k = kv[:, :E]
    v = kv[:, E:]
    dn = (((1,), (1,)), ((), ()))
    A = jnp.exp(lax.dot_general(q, k, dn, preferred_element_type=jnp.float32))
    A = A * bd_ref[...]
    num = jnp.dot(A, v, preferred_element_type=jnp.float32)
    den = jnp.sum(A, axis=1)

    kvp = kvp_ref[0]
    kp = kvp[:, :E]
    vp = kvp[:, E:]
    Ar = jnp.exp(lax.dot_general(q, kp, dn, preferred_element_type=jnp.float32))
    i = pl.program_id(1)
    Ar = jnp.concatenate(
        [Ar[g * _BUCKET_SIZE:(g + 1) * _BUCKET_SIZE]
         * mf_ref[0, pl.ds(i * ng + g, 1), :]
         for g in range(ng)], axis=0)
    num = num + jnp.dot(Ar, vp, preferred_element_type=jnp.float32)
    den = den + jnp.sum(Ar, axis=1)
    res = num / den[:, None]
    o_ref[0] = jnp.concatenate([res, jnp.zeros((_QB, E), jnp.float32)], axis=1)


def _tc_attention(qs, kvs, kvpi, maskf, bd):
    BH, T, W = qs.shape
    ng = _QB // _BUCKET_SIZE
    grid = (BH, T // _QB)
    return pl.pallas_call(
        _attn_body,
        grid=grid,
        in_specs=[
            pl.BlockSpec((1, _QB, W), lambda h, i: (h, i, 0)),
            pl.BlockSpec((1, _QB, W), lambda h, i: (h, i, 0)),
            pl.BlockSpec((1, _SP, W), lambda h, i: (h, 0, 0)),
            pl.BlockSpec((1, T // _BUCKET_SIZE, _SP), lambda h, i: (h, 0, 0)),
            pl.BlockSpec((_QB, _QB), lambda h, i: (0, 0)),
        ],
        out_specs=pl.BlockSpec((1, _QB, W), lambda h, i: (h, i, 0)),
        out_shape=jax.ShapeDtypeStruct((BH, T, W), jnp.float32),
    )(qs, kvs, kvpi, maskf, bd)


def kernel(query, key, value, proj_dir):
    B, T, H, E = query.shape
    BH = B * H
    n = T

    q_t = jnp.transpose(query, (0, 2, 1, 3))
    k_t = jnp.transpose(key, (0, 2, 1, 3))
    qkbins = jnp.concatenate(
        [_raw_bins(q_t, proj_dir).reshape(BH, T),
         _raw_bins(k_t, proj_dir).reshape(BH, T)], axis=0)
    qkranks = _ranks_tc(qkbins)
    qrank = qkranks[:BH].reshape(B, H, T)
    krank = qkranks[BH:].reshape(B, H, T)

    qtab = jnp.concatenate(
        [query.reshape(B * T * H, E),
         jnp.zeros((B * T * H, E), jnp.float32)], axis=1)
    kvtab = jnp.concatenate(
        [key.reshape(B * T * H, E), value.reshape(B * T * H, E)], axis=1)
    bhoff = ((jnp.arange(B, dtype=jnp.int32) * H)[:, None, None]
             + jnp.arange(H, dtype=jnp.int32)[None, None, :]) * T
    qgidx = (bhoff + jnp.transpose(qrank, (0, 2, 1))).reshape(_NW, -1, _CH)
    kgidx = (bhoff + jnp.transpose(krank, (0, 2, 1))).reshape(_NW, -1, _CH)

    kvs_f = _sc_scatter1(kvtab, kgidx)
    qs_f = _sc_scatter1(qtab, qgidx)

    rkey = jax.random.key(7)
    vsort4 = kvs_f[:, E:].reshape(B, H, T, E)
    value_sorted = jnp.concatenate(
        [vsort4, jnp.ones(vsort4.shape[:3] + (1,), dtype=vsort4.dtype)], axis=3)
    Gram_V = jnp.einsum('bhnt,bhnd->bhtd', value_sorted, value_sorted)
    V_norm = _power_iter(Gram_V, jax.random.fold_in(rkey, 1))[:, :, None]
    P = jnp.linalg.norm(value_sorted, axis=3) / V_norm
    P = P + 1.0 / n
    P = P / jnp.sum(jnp.abs(P), axis=2, keepdims=True)
    Pflat = P.reshape(-1, n)
    logits = jnp.log(lax.stop_gradient(Pflat))
    index = jax.random.categorical(
        jax.random.fold_in(rkey, 2), logits[:, None, :], axis=-1,
        shape=(Pflat.shape[0], _SAMPLE_SIZE)).astype(jnp.int32)

    Ppi = jnp.take_along_axis(Pflat, index, axis=1)
    sig_core = 1.0 / (Ppi * _SAMPLE_SIZE)
    sig = jnp.zeros((BH, _SP), jnp.float32).at[:, :_SAMPLE_SIZE].set(sig_core)
    sbid = jnp.full((BH, _SP), -1, jnp.int32).at[:, :_SAMPLE_SIZE].set(
        index // _BUCKET_SIZE)
    qblocks = jnp.arange(T // _BUCKET_SIZE, dtype=jnp.int32)
    maskf = ((qblocks[None, :, None] != sbid[:, None, :])
             .astype(jnp.float32) * sig[:, None, :])
    bd = ((jnp.arange(_QB, dtype=jnp.int32)[:, None] // _BUCKET_SIZE)
          == (jnp.arange(_QB, dtype=jnp.int32)[None, :] // _BUCKET_SIZE)
          ).astype(jnp.float32)

    samp = (jnp.arange(BH, dtype=jnp.int32)[:, None] * T + index)
    samp = jnp.concatenate(
        [samp, jnp.zeros((BH, _SP - _SAMPLE_SIZE), jnp.int32)], axis=1)
    kvpi_f = _sc_gather1(kvs_f, samp.reshape(_NW, -1, _CH))

    outs = _tc_attention(
        qs_f.reshape(BH, T, 2 * E), kvs_f.reshape(BH, T, 2 * E),
        kvpi_f.reshape(BH, _SP, 2 * E), maskf, bd)

    out_flat = _sc_gather1(outs.reshape(BH * T, 2 * E), qgidx)
    return out_flat[:, :E].reshape(B, T, H, E)

# --- scband reference (transcript-rebuilt; emitter-appended) ---
"""Pipeline reference for scband-kdeformer-90675349553509 (READ-ONLY COPY).

The authoritative reference and input builder live on the scoring server;
editing this copy changes nothing except your own understanding.
"""

import jax, jax.numpy as jnp
import numpy as np

SAMPLE_SIZE = 800
NUM_PROJS = 7
BUCKET_SIZE = 64


def unit_hamming_distance_array(size_n):
    a = np.array([0, 1], dtype=np.int32)
    for i in range(1, size_n):
        a = np.concatenate([a, a[::-1] + 2 ** i])
    return a


def select(matrix, indices):
    # matrix: (b,h,n,d), indices: (b,h,n) -> gather rows along axis 2
    return jnp.take_along_axis(matrix, indices[..., None], axis=2)


def lsh_hash(mat, proj_dir, perm):
    m = jax.lax.stop_gradient(mat)
    proj_mat = (jnp.einsum('...nd,...dr->...nr', m, proj_dir) > 0.0).astype(m.dtype)
    enc = (2.0 ** jnp.arange(NUM_PROJS, dtype=m.dtype)).reshape(1, 1, -1)
    bin_ids = jnp.einsum('...nr,...r->...n', proj_mat, enc).astype(jnp.int32)
    return perm[bin_ids]


def cosine_hamming_lsh(query, key_t, weight, K_sort_idx, Q_sort_idx):
    num_blocks = key_t.shape[2] // BUCKET_SIZE
    qbs = query.shape[2] // num_blocks
    qs = select(query, Q_sort_idx)
    ks = select(key_t, K_sort_idx)
    ws = select(weight, K_sort_idx)
    kb = ks.reshape(-1, BUCKET_SIZE, key_t.shape[3])
    qb = qs.reshape(-1, qbs, query.shape[3])
    wb = ws.reshape(-1, BUCKET_SIZE, weight.shape[3])
    A = jnp.exp(jnp.einsum('bnd,bmd->bnm', qb, kb))
    res = jnp.einsum('bnm,bmd->bnd', A, wb)
    res = res.reshape(query.shape[0], query.shape[1], query.shape[2], weight.shape[3])
    inv = jnp.argsort(Q_sort_idx, axis=2).astype(jnp.int32)
    return select(res, inv)


def power_method(A, rkey, itr_num=20):
    x = jax.random.normal(rkey, (A.shape[0], A.shape[1], A.shape[3]), dtype=A.dtype)
    x = x / jnp.linalg.norm(x, axis=2, keepdims=True)
    for _ in range(itr_num):
        y = jnp.einsum('bhnm,bhm->bhn', A, x)
        x = y / jnp.linalg.norm(y, axis=2, keepdims=True)
    return jnp.linalg.norm(y, axis=2)


def calc_A_res(key_t, query, Q_sort_idx, value, rkey):
    b, h = query.shape[0], query.shape[1]
    n = key_t.shape[2]
    Gram_V = jnp.einsum('bhnt,bhnd->bhtd', value, value)
    V_norm = power_method(Gram_V, jax.random.fold_in(rkey, 1))[:, :, None]
    P = jnp.linalg.norm(value, axis=3) / V_norm
    P = P + 1.0 / n
    P = P / jnp.sum(jnp.abs(P), axis=2, keepdims=True)
    Pflat = P.reshape(-1, n)
    logits = jnp.log(jax.lax.stop_gradient(Pflat))
    index = jax.random.categorical(jax.random.fold_in(rkey, 2), logits[:, None, :], axis=-1, shape=(Pflat.shape[0], SAMPLE_SIZE)).astype(jnp.int32)
    num_blocks = n // BUCKET_SIZE
    bsq = query.shape[2] // num_blocks
    sampled_set = index.reshape(b, h, -1)
    off = n * jnp.arange(h, dtype=jnp.int32)[None, :, None] + n * h * jnp.arange(b, dtype=jnp.int32)[:, None, None]
    sampled_flat = (sampled_set + off).reshape(-1)
    block_id = index // BUCKET_SIZE
    bucket_member = Q_sort_idx.reshape(-1, bsq)
    off2 = num_blocks * jnp.arange(block_id.shape[0], dtype=jnp.int32)[:, None]
    block_sample = (block_id + off2).reshape(-1)
    qsc = bucket_member[block_sample, :]
    off3 = query.shape[2] * jnp.arange(qsc.shape[0], dtype=jnp.int32)[:, None]
    qsc_flat = (qsc + off3).reshape(-1)
    mask = jnp.ones(b * h * SAMPLE_SIZE * query.shape[2], dtype=query.dtype).at[qsc_flat].set(0.0)
    mask = jnp.transpose(mask.reshape(b, h, SAMPLE_SIZE, query.shape[2]), (0, 1, 3, 2))
    Vpi = value.reshape(-1, value.shape[3])[sampled_flat].reshape(b, h, SAMPLE_SIZE, value.shape[3])
    Kpi = key_t.reshape(-1, key_t.shape[3])[sampled_flat].reshape(b, h, SAMPLE_SIZE, key_t.shape[3])
    Ppi = P.reshape(-1)[sampled_flat].reshape(b, h, SAMPLE_SIZE)
    sig = 1.0 / (Ppi * SAMPLE_SIZE)
    Api = jnp.exp(jnp.einsum('bhnd,bhsd->bhns', query, Kpi)) * mask
    return jnp.einsum('bhns,bhsp->bhnp', Api, sig[..., None] * Vpi)


def kdeformer_forward(query, key, value, proj_dir):
    q = jnp.transpose(query, (0, 2, 1, 3))
    k = jnp.transpose(key, (0, 2, 1, 3))
    v = jnp.transpose(value, (0, 2, 1, 3))
    perm = jnp.asarray(unit_hamming_distance_array(NUM_PROJS))
    K_sort_idx = jnp.argsort(lsh_hash(k, proj_dir, perm), axis=2).astype(jnp.int32)
    Q_sort_idx = jnp.argsort(lsh_hash(q, proj_dir, perm), axis=2).astype(jnp.int32)
    value_aug = jnp.concatenate([v, jnp.ones(v.shape[:3] + (1,), dtype=v.dtype)], axis=3)
    att_sparse = cosine_hamming_lsh(q, k, value_aug, K_sort_idx, Q_sort_idx)
    value_sorted = select(value_aug, K_sort_idx)
    key_sorted = select(k, K_sort_idx)
    att_res = calc_A_res(key_sorted, q, Q_sort_idx, value_sorted, jax.random.key(7))
    attn = att_sparse + att_res
    out = attn[..., :-1] / attn[..., -1:]
    return jnp.transpose(out, (0, 2, 1, 3))


def setup_inputs() -> dict:
    root = jax.random.key(0)
    k1, k2, k3, k4 = jax.random.split(root, 4)
    B, T, H, E = 1, 2048, 12, 64
    return {
        'query': jax.random.normal(k1, (B, T, H, E), dtype=jnp.float32),
        'key': jax.random.normal(k2, (B, T, H, E), dtype=jnp.float32),
        'value': jax.random.normal(k3, (B, T, H, E), dtype=jnp.float32),
        'proj_dir': jax.random.normal(k4, (B, H, E, NUM_PROJS), dtype=jnp.float32),
    }


def reference(query, key, value, proj_dir):
    return kdeformer_forward(query, key, value, proj_dir)

if __name__ == "__main__":
    import jax
    _d = setup_inputs()
    print(jax.jit(kernel)(*tuple(_d.values())))

</pallas_src>

<mosaic_0001>
#map = affine_map<(d0, d1) -> (0, 0)>
#map1 = affine_map<(d0, d1) -> (0, 0, 0)>
module attributes {stable_mosaic.version = 14 : i64} {
  func.func @sk(%arg0: i32, %arg1: i32, %arg2: memref<24576x128xf32, #tpu.memory_space<hbm>>, %arg3: memref<32x6x128xi32, #tpu.memory_space<hbm>>, %arg4: memref<24576x128xf32, #tpu.memory_space<hbm>>, %arg5: memref<6x128xi32, #tpu.memory_space<vmem>>, %arg6: memref<768x128xf32, #tpu.memory_space<vmem>>, %arg7: memref<!tpu.dma_semaphore, #tpu.memory_space<semaphore_mem>>) attributes {dimension_semantics = [#tpu.dimension_semantics<core_parallel>, #tpu.dimension_semantics<subcore_parallel>], iteration_bounds = array<i64: 2, 16>, scalar_prefetch = 0 : i64, scratch_operands = 3 : i64, tpu.core_type = #tpu.core_type<sc_vector_subcore>, window_params = [{transform_indices = #map}, {transform_indices = #map1}, {transform_indices = #map}]} {
    %mul3A = arith.constant 2 : i32
    %mul3A_0 = arith.muli %arg1, %mul3A : i32
    %add3A = arith.addi %mul3A_0, %arg0 : i32
    %mul3A_1 = arith.constant 768 : i32
    %mul3A_2 = arith.muli %add3A, %mul3A_1 : i32
    "tpu.region"() ({
      %run_scoped3A = tpu.sem_alloc : memref<!tpu.dma_semaphore, #tpu.memory_space<semaphore_mem>>
      %dma_start3A_121 = arith.constant 0 : i32
      %dma_start3A_122 = arith.constant 0 : i32
      %dma_start3A_123 = tpu.memref_slice %arg3[%add3A, %dma_start3A_121, %dma_start3A_122] : memref<32x6x128xi32, #tpu.memory_space<hbm>> -> memref<1x6x128xi32, #tpu.memory_space<hbm>>
      %dma_start3A_124 = tpu.memref_squeeze %dma_start3A_123 : memref<1x6x128xi32, #tpu.memory_space<hbm>> -> memref<6x128xi32, #tpu.memory_space<hbm>>
      %dma_start3A_125 = arith.constant 0 : i32
      %dma_start3A_126 = arith.constant 0 : i32
      %dma_start3A_127 = tpu.memref_slice %arg3[%add3A, %dma_start3A_125, %dma_start3A_126] : memref<32x6x128xi32, #tpu.memory_space<hbm>> -> memref<1x6x128xi32, #tpu.memory_space<hbm>>
      %dma_start3A_128 = tpu.memref_squeeze %dma_start3A_127 : memref<1x6x128xi32, #tpu.memory_space<hbm>> -> memref<6x128xi32, #tpu.memory_space<hbm>>
      tpu.enqueue_dma source(%dma_start3A_128 : memref<6x128xi32, #tpu.memory_space<hbm>>) target(%arg5 : memref<6x128xi32, #tpu.memory_space<vmem>>) target_semaphore(%run_scoped3A : memref<!tpu.dma_semaphore, #tpu.memory_space<semaphore_mem>>)
      %dma_wait3A_129 = arith.constant 0 : i32
      %dma_wait3A_130 = arith.constant 0 : i32
      %dma_wait3A_131 = tpu.memref_slice %arg3[%add3A, %dma_wait3A_129, %dma_wait3A_130] : memref<32x6x128xi32, #tpu.memory_space<hbm>> -> memref<1x6x128xi32, #tpu.memory_space<hbm>>
      %dma_wait3A_132 = tpu.memref_squeeze %dma_wait3A_131 : memref<1x6x128xi32, #tpu.memory_space<hbm>> -> memref<6x128xi32, #tpu.memory_space<hbm>>
      %dma_wait3A_133 = arith.constant 0 : i32
      %dma_wait3A_134 = arith.constant 0 : i32
      %dma_wait3A_135 = tpu.memref_slice %arg3[%add3A, %dma_wait3A_133, %dma_wait3A_134] : memref<32x6x128xi32, #tpu.memory_space<hbm>> -> memref<1x6x128xi32, #tpu.memory_space<hbm>>
      %dma_wait3A_136 = tpu.memref_squeeze %dma_wait3A_135 : memref<1x6x128xi32, #tpu.memory_space<hbm>> -> memref<6x128xi32, #tpu.memory_space<hbm>>
      tpu.wait_dma2 semaphore(%run_scoped3A : memref<!tpu.dma_semaphore, #tpu.memory_space<semaphore_mem>>) src(%dma_wait3A_136 : memref<6x128xi32, #tpu.memory_space<hbm>>) dst(%arg5 : memref<6x128xi32, #tpu.memory_space<vmem>>)
      tpu.yield
    }) : () -> ()
    "tpu.region"() ({
      %run_scoped3A = tpu.sem_alloc : memref<!tpu.dma_semaphore, #tpu.memory_space<semaphore_mem>>
      %dma_start3A_121 = arith.constant 0 : i32
      %dma_start3A_122 = tpu.memref_slice %arg2[%mul3A_2, %dma_start3A_121] : memref<24576x128xf32, #tpu.memory_space<hbm>> -> memref<768x128xf32, #tpu.memory_space<hbm>>
      %dma_start3A_123 = arith.constant 0 : i32
      %dma_start3A_124 = tpu.memref_slice %arg2[%mul3A_2, %dma_start3A_123] : memref<24576x128xf32, #tpu.memory_space<hbm>> -> memref<768x128xf32, #tpu.memory_space<hbm>>
      tpu.enqueue_dma source(%dma_start3A_124 : memref<768x128xf32, #tpu.memory_space<hbm>>) target(%arg6 : memref<768x128xf32, #tpu.memory_space<vmem>>) target_semaphore(%run_scoped3A : memref<!tpu.dma_semaphore, #tpu.memory_space<semaphore_mem>>)
      %dma_wait3A_125 = arith.constant 0 : i32
      %dma_wait3A_126 = tpu.memref_slice %arg2[%mul3A_2, %dma_wait3A_125] : memref<24576x128xf32, #tpu.memory_space<hbm>> -> memref<768x128xf32, #tpu.memory_space<hbm>>
      %dma_wait3A_127 = arith.constant 0 : i32
      %dma_wait3A_128 = tpu.memref_slice %arg2[%mul3A_2, %dma_wait3A_127] : memref<24576x128xf32, #tpu.memory_space<hbm>> -> memref<768x128xf32, #tpu.memory_space<hbm>>
      tpu.wait_dma2 semaphore(%run_scoped3A : memref<!tpu.dma_semaphore, #tpu.memory_space<semaphore_mem>>) src(%dma_wait3A_128 : memref<768x128xf32, #tpu.memory_space<hbm>>) dst(%arg6 : memref<768x128xf32, #tpu.memory_space<vmem>>)
      tpu.yield
    }) : () -> ()
    %dma_start3A = arith.constant 0 : i32
    %dma_start3A_3 = arith.constant 0 : i32
    %dma_start3A_4 = arith.constant 0 : i32
    %dma_start3A_5 = tpu.memref_slice %arg6[%dma_start3A_3, %dma_start3A_4] : memref<768x128xf32, #tpu.memory_space<vmem>> -> memref<128x128xf32, #tpu.memory_space<vmem>>
    %dma_start3A_6 = arith.constant 0 : i32
    %dma_start3A_7 = tpu.memref_slice %arg5[%dma_start3A, %dma_start3A_6] : memref<6x128xi32, #tpu.memory_space<vmem>> -> memref<1x128xi32, #tpu.memory_space<vmem>>
    %dma_start3A_8 = tpu.memref_squeeze %dma_start3A_7 : memref<1x128xi32, #tpu.memory_space<vmem>> -> memref<128xi32, #tpu.memory_space<vmem>>
    %dma_start3A_9 = arith.constant 0 : i32
    %dma_start3A_10 = arith.constant 0 : i32
    %dma_start3A_11 = tpu.memref_slice %arg4[%dma_start3A_9, %dma_start3A_10] : memref<24576x128xf32, #tpu.memory_space<hbm>> -> memref<24576x128xf32, #tpu.memory_space<hbm>>
    tpu.enqueue_indirect_dma source(%dma_start3A_5 : memref<128x128xf32, #tpu.memory_space<vmem>>) target(%dma_start3A_11 : memref<24576x128xf32, #tpu.memory_space<hbm>>) offsets(%dma_start3A_8 : memref<128xi32, #tpu.memory_space<vmem>>) semaphore(%arg7 : memref<!tpu.dma_semaphore, #tpu.memory_space<semaphore_mem>>)
    %dma_start3A_12 = arith.constant 1 : i32
    %dma_start3A_13 = arith.constant 128 : i32
    %dma_start3A_14 = arith.constant 0 : i32
    %dma_start3A_15 = tpu.memref_slice %arg6[%dma_start3A_13, %dma_start3A_14] : memref<768x128xf32, #tpu.memory_space<vmem>> -> memref<128x128xf32, #tpu.memory_space<vmem>>
    %dma_start3A_16 = arith.constant 0 : i32
    %dma_start3A_17 = tpu.memref_slice %arg5[%dma_start3A_12, %dma_start3A_16] : memref<6x128xi32, #tpu.memory_space<vmem>> -> memref<1x128xi32, #tpu.memory_space<vmem>>
    %dma_start3A_18 = tpu.memref_squeeze %dma_start3A_17 : memref<1x128xi32, #tpu.memory_space<vmem>> -> memref<128xi32, #tpu.memory_space<vmem>>
    %dma_start3A_19 = arith.constant 0 : i32
    %dma_start3A_20 = arith.constant 0 : i32
    %dma_start3A_21 = tpu.memref_slice %arg4[%dma_start3A_19, %dma_start3A_20] : memref<24576x128xf32, #tpu.memory_space<hbm>> -> memref<24576x128xf32, #tpu.memory_space<hbm>>
    tpu.enqueue_indirect_dma source(%dma_start3A_15 : memref<128x128xf32, #tpu.memory_space<vmem>>) target(%dma_start3A_21 : memref<24576x128xf32, #tpu.memory_space<hbm>>) offsets(%dma_start3A_18 : memref<128xi32, #tpu.memory_space<vmem>>) semaphore(%arg7 : memref<!tpu.dma_semaphore, #tpu.memory_space<semaphore_mem>>)
    %dma_start3A_22 = arith.constant 2 : i32
    %dma_start3A_23 = arith.constant 256 : i32
    %dma_start3A_24 = arith.constant 0 : i32
    %dma_start3A_25 = tpu.memref_slice %arg6[%dma_start3A_23, %dma_start3A_24] : memref<768x128xf32, #tpu.memory_space<vmem>> -> memref<128x128xf32, #tpu.memory_space<vmem>>
    %dma_start3A_26 = arith.constant 0 : i32
    %dma_start3A_27 = tpu.memref_slice %arg5[%dma_start3A_22, %dma_start3A_26] : memref<6x128xi32, #tpu.memory_space<vmem>> -> memref<1x128xi32, #tpu.memory_space<vmem>>
    %dma_start3A_28 = tpu.memref_squeeze %dma_start3A_27 : memref<1x128xi32, #tpu.memory_space<vmem>> -> memref<128xi32, #tpu.memory_space<vmem>>
    %dma_start3A_29 = arith.constant 0 : i32
    %dma_start3A_30 = arith.constant 0 : i32
    %dma_start3A_31 = tpu.memref_slice %arg4[%dma_start3A_29, %dma_start3A_30] : memref<24576x128xf32, #tpu.memory_space<hbm>> -> memref<24576x128xf32, #tpu.memory_space<hbm>>
    tpu.enqueue_indirect_dma source(%dma_start3A_25 : memref<128x128xf32, #tpu.memory_space<vmem>>) target(%dma_start3A_31 : memref<24576x128xf32, #tpu.memory_space<hbm>>) offsets(%dma_start3A_28 : memref<128xi32, #tpu.memory_space<vmem>>) semaphore(%arg7 : memref<!tpu.dma_semaphore, #tpu.memory_space<semaphore_mem>>)
    %dma_start3A_32 = arith.constant 3 : i32
    %dma_start3A_33 = arith.constant 384 : i32
    %dma_start3A_34 = arith.constant 0 : i32
    %dma_start3A_35 = tpu.memref_slice %arg6[%dma_start3A_33, %dma_start3A_34] : memref<768x128xf32, #tpu.memory_space<vmem>> -> memref<128x128xf32, #tpu.memory_space<vmem>>
    %dma_start3A_36 = arith.constant 0 : i32
    %dma_start3A_37 = tpu.memref_slice %arg5[%dma_start3A_32, %dma_start3A_36] : memref<6x128xi32, #tpu.memory_space<vmem>> -> memref<1x128xi32, #tpu.memory_space<vmem>>
    %dma_start3A_38 = tpu.memref_squeeze %dma_start3A_37 : memref<1x128xi32, #tpu.memory_space<vmem>> -> memref<128xi32, #tpu.memory_space<vmem>>
    %dma_start3A_39 = arith.constant 0 : i32
    %dma_start3A_40 = arith.constant 0 : i32
    %dma_start3A_41 = tpu.memref_slice %arg4[%dma_start3A_39, %dma_start3A_40] : memref<24576x128xf32, #tpu.memory_space<hbm>> -> memref<24576x128xf32, #tpu.memory_space<hbm>>
    tpu.enqueue_indirect_dma source(%dma_start3A_35 : memref<128x128xf32, #tpu.memory_space<vmem>>) target(%dma_start3A_41 : memref<24576x128xf32, #tpu.memory_space<hbm>>) offsets(%dma_start3A_38 : memref<128xi32, #tpu.memory_space<vmem>>) semaphore(%arg7 : memref<!tpu.dma_semaphore, #tpu.memory_space<semaphore_mem>>)
    %dma_start3A_42 = arith.constant 4 : i32
    %dma_start3A_43 = arith.constant 512 : i32
    %dma_start3A_44 = arith.constant 0 : i32
    %dma_start3A_45 = tpu.memref_slice %arg6[%dma_start3A_43, %dma_start3A_44] : memref<768x128xf32, #tpu.memory_space<vmem>> -> memref<128x128xf32, #tpu.memory_space<vmem>>
    %dma_start3A_46 = arith.constant 0 : i32
    %dma_start3A_47 = tpu.memref_slice %arg5[%dma_start3A_42, %dma_start3A_46] : memref<6x128xi32, #tpu.memory_space<vmem>> -> memref<1x128xi32, #tpu.memory_space<vmem>>
    %dma_start3A_48 = tpu.memref_squeeze %dma_start3A_47 : memref<1x128xi32, #tpu.memory_space<vmem>> -> memref<128xi32, #tpu.memory_space<vmem>>
    %dma_start3A_49 = arith.constant 0 : i32
    %dma_start3A_50 = arith.constant 0 : i32
    %dma_start3A_51 = tpu.memref_slice %arg4[%dma_start3A_49, %dma_start3A_50] : memref<24576x128xf32, #tpu.memory_space<hbm>> -> memref<24576x128xf32, #tpu.memory_space<hbm>>
    tpu.enqueue_indirect_dma source(%dma_start3A_45 : memref<128x128xf32, #tpu.memory_space<vmem>>) target(%dma_start3A_51 : memref<24576x128xf32, #tpu.memory_space<hbm>>) offsets(%dma_start3A_48 : memref<128xi32, #tpu.memory_space<vmem>>) semaphore(%arg7 : memref<!tpu.dma_semaphore, #tpu.memory_space<semaphore_mem>>)
    %dma_start3A_52 = arith.constant 5 : i32
    %dma_start3A_53 = arith.constant 640 : i32
    %dma_start3A_54 = arith.constant 0 : i32
    %dma_start3A_55 = tpu.memref_slice %arg6[%dma_start3A_53, %dma_start3A_54] : memref<768x128xf32, #tpu.memory_space<vmem>> -> memref<128x128xf32, #tpu.memory_space<vmem>>
    %dma_start3A_56 = arith.constant 0 : i32
    %dma_start3A_57 = tpu.memref_slice %arg5[%dma_start3A_52, %dma_start3A_56] : memref<6x128xi32, #tpu.memory_space<vmem>> -> memref<1x128xi32, #tpu.memory_space<vmem>>
    %dma_start3A_58 = tpu.memref_squeeze %dma_start3A_57 : memref<1x128xi32, #tpu.memory_space<vmem>> -> memref<128xi32, #tpu.memory_space<vmem>>
    %dma_start3A_59 = arith.constant 0 : i32
    %dma_start3A_60 = arith.constant 0 : i32
    %dma_start3A_61 = tpu.memref_slice %arg4[%dma_start3A_59, %dma_start3A_60] : memref<24576x128xf32, #tpu.memory_space<hbm>> -> memref<24576x128xf32, #tpu.memory_space<hbm>>
    tpu.enqueue_indirect_dma source(%dma_start3A_55 : memref<128x128xf32, #tpu.memory_space<vmem>>) target(%dma_start3A_61 : memref<24576x128xf32, #tpu.memory_space<hbm>>) offsets(%dma_start3A_58 : memref<128xi32, #tpu.memory_space<vmem>>) semaphore(%arg7 : memref<!tpu.dma_semaphore, #tpu.memory_space<semaphore_mem>>)
    %dma_wait3A = arith.constant 0 : i32
    %dma_wait3A_62 = arith.constant 0 : i32
    %dma_wait3A_63 = arith.constant 0 : i32
    %dma_wait3A_64 = tpu.memref_slice %arg6[%dma_wait3A_62, %dma_wait3A_63] : memref<768x128xf32, #tpu.memory_space<vmem>> -> memref<128x128xf32, #tpu.memory_space<vmem>>
    %dma_wait3A_65 = arith.constant 0 : i32
    %dma_wait3A_66 = tpu.memref_slice %arg5[%dma_wait3A, %dma_wait3A_65] : memref<6x128xi32, #tpu.memory_space<vmem>> -> memref<1x128xi32, #tpu.memory_space<vmem>>
    %dma_wait3A_67 = tpu.memref_squeeze %dma_wait3A_66 : memref<1x128xi32, #tpu.memory_space<vmem>> -> memref<128xi32, #tpu.memory_space<vmem>>
    %dma_wait3A_68 = arith.constant 0 : i32
    %dma_wait3A_69 = arith.constant 0 : i32
    %dma_wait3A_70 = tpu.memref_slice %arg4[%dma_wait3A_68, %dma_wait3A_69] : memref<24576x128xf32, #tpu.memory_space<hbm>> -> memref<24576x128xf32, #tpu.memory_space<hbm>>
    tpu.wait_indirect_dma semaphore(%arg7 : memref<!tpu.dma_semaphore, #tpu.memory_space<semaphore_mem>>) src(%dma_wait3A_64 : memref<128x128xf32, #tpu.memory_space<vmem>>) dst(%dma_wait3A_70 : memref<24576x128xf32, #tpu.memory_space<hbm>>)
    %dma_wait3A_71 = arith.constant 1 : i32
    %dma_wait3A_72 = arith.constant 128 : i32
    %dma_wait3A_73 = arith.constant 0 : i32
    %dma_wait3A_74 = tpu.memref_slice %arg6[%dma_wait3A_72, %dma_wait3A_73] : memref<768x128xf32, #tpu.memory_space<vmem>> -> memref<128x128xf32, #tpu.memory_space<vmem>>
    %dma_wait3A_75 = arith.constant 0 : i32
    %dma_wait3A_76 = tpu.memref_slice %arg5[%dma_wait3A_71, %dma_wait3A_75] : memref<6x128xi32, #tpu.memory_space<vmem>> -> memref<1x128xi32, #tpu.memory_space<vmem>>
    %dma_wait3A_77 = tpu.memref_squeeze %dma_wait3A_76 : memref<1x128xi32, #tpu.memory_space<vmem>> -> memref<128xi32, #tpu.memory_space<vmem>>
    %dma_wait3A_78 = arith.constant 0 : i32
    %dma_wait3A_79 = arith.constant 0 : i32
    %dma_wait3A_80 = tpu.memref_slice %arg4[%dma_wait3A_78, %dma_wait3A_79] : memref<24576x128xf32, #tpu.memory_space<hbm>> -> memref<24576x128xf32, #tpu.memory_space<hbm>>
    tpu.wait_indirect_dma semaphore(%arg7 : memref<!tpu.dma_semaphore, #tpu.memory_space<semaphore_mem>>) src(%dma_wait3A_74 : memref<128x128xf32, #tpu.memory_space<vmem>>) dst(%dma_wait3A_80 : memref<24576x128xf32, #tpu.memory_space<hbm>>)
    %dma_wait3A_81 = arith.constant 2 : i32
    %dma_wait3A_82 = arith.constant 256 : i32
    %dma_wait3A_83 = arith.constant 0 : i32
    %dma_wait3A_84 = tpu.memref_slice %arg6[%dma_wait3A_82, %dma_wait3A_83] : memref<768x128xf32, #tpu.memory_space<vmem>> -> memref<128x128xf32, #tpu.memory_space<vmem>>
    %dma_wait3A_85 = arith.constant 0 : i32
    %dma_wait3A_86 = tpu.memref_slice %arg5[%dma_wait3A_81, %dma_wait3A_85] : memref<6x128xi32, #tpu.memory_space<vmem>> -> memref<1x128xi32, #tpu.memory_space<vmem>>
    %dma_wait3A_87 = tpu.memref_squeeze %dma_wait3A_86 : memref<1x128xi32, #tpu.memory_space<vmem>> -> memref<128xi32, #tpu.memory_space<vmem>>
    %dma_wait3A_88 = arith.constant 0 : i32
    %dma_wait3A_89 = arith.constant 0 : i32
    %dma_wait3A_90 = tpu.memref_slice %arg4[%dma_wait3A_88, %dma_wait3A_89] : memref<24576x128xf32, #tpu.memory_space<hbm>> -> memref<24576x128xf32, #tpu.memory_space<hbm>>
    tpu.wait_indirect_dma semaphore(%arg7 : memref<!tpu.dma_semaphore, #tpu.memory_space<semaphore_mem>>) src(%dma_wait3A_84 : memref<128x128xf32, #tpu.memory_space<vmem>>) dst(%dma_wait3A_90 : memref<24576x128xf32, #tpu.memory_space<hbm>>)
    %dma_wait3A_91 = arith.constant 3 : i32
    %dma_wait3A_92 = arith.constant 384 : i32
    %dma_wait3A_93 = arith.constant 0 : i32
    %dma_wait3A_94 = tpu.memref_slice %arg6[%dma_wait3A_92, %dma_wait3A_93] : memref<768x128xf32, #tpu.memory_space<vmem>> -> memref<128x128xf32, #tpu.memory_space<vmem>>
    %dma_wait3A_95 = arith.constant 0 : i32
    %dma_wait3A_96 = tpu.memref_slice %arg5[%dma_wait3A_91, %dma_wait3A_95] : memref<6x128xi32, #tpu.memory_space<vmem>> -> memref<1x128xi32, #tpu.memory_space<vmem>>
    %dma_wait3A_97 = tpu.memref_squeeze %dma_wait3A_96 : memref<1x128xi32, #tpu.memory_space<vmem>> -> memref<128xi32, #tpu.memory_space<vmem>>
    %dma_wait3A_98 = arith.constant 0 : i32
    %dma_wait3A_99 = arith.constant 0 : i32
    %dma_wait3A_100 = tpu.memref_slice %arg4[%dma_wait3A_98, %dma_wait3A_99] : memref<24576x128xf32, #tpu.memory_space<hbm>> -> memref<24576x128xf32, #tpu.memory_space<hbm>>
    tpu.wait_indirect_dma semaphore(%arg7 : memref<!tpu.dma_semaphore, #tpu.memory_space<semaphore_mem>>) src(%dma_wait3A_94 : memref<128x128xf32, #tpu.memory_space<vmem>>) dst(%dma_wait3A_100 : memref<24576x128xf32, #tpu.memory_space<hbm>>)
    %dma_wait3A_101 = arith.constant 4 : i32
    %dma_wait3A_102 = arith.constant 512 : i32
    %dma_wait3A_103 = arith.constant 0 : i32
    %dma_wait3A_104 = tpu.memref_slice %arg6[%dma_wait3A_102, %dma_wait3A_103] : memref<768x128xf32, #tpu.memory_space<vmem>> -> memref<128x128xf32, #tpu.memory_space<vmem>>
    %dma_wait3A_105 = arith.constant 0 : i32
    %dma_wait3A_106 = tpu.memref_slice %arg5[%dma_wait3A_101, %dma_wait3A_105] : memref<6x128xi32, #tpu.memory_space<vmem>> -> memref<1x128xi32, #tpu.memory_space<vmem>>
    %dma_wait3A_107 = tpu.memref_squeeze %dma_wait3A_106 : memref<1x128xi32, #tpu.memory_space<vmem>> -> memref<128xi32, #tpu.memory_space<vmem>>
    %dma_wait3A_108 = arith.constant 0 : i32
    %dma_wait3A_109 = arith.constant 0 : i32
    %dma_wait3A_110 = tpu.memref_slice %arg4[%dma_wait3A_108, %dma_wait3A_109] : memref<24576x128xf32, #tpu.memory_space<hbm>> -> memref<24576x128xf32, #tpu.memory_space<hbm>>
    tpu.wait_indirect_dma semaphore(%arg7 : memref<!tpu.dma_semaphore, #tpu.memory_space<semaphore_mem>>) src(%dma_wait3A_104 : memref<128x128xf32, #tpu.memory_space<vmem>>) dst(%dma_wait3A_110 : memref<24576x128xf32, #tpu.memory_space<hbm>>)
    %dma_wait3A_111 = arith.constant 5 : i32
    %dma_wait3A_112 = arith.constant 640 : i32
    %dma_wait3A_113 = arith.constant 0 : i32
    %dma_wait3A_114 = tpu.memref_slice %arg6[%dma_wait3A_112, %dma_wait3A_113] : memref<768x128xf32, #tpu.memory_space<vmem>> -> memref<128x128xf32, #tpu.memory_space<vmem>>
    %dma_wait3A_115 = arith.constant 0 : i32
    %dma_wait3A_116 = tpu.memref_slice %arg5[%dma_wait3A_111, %dma_wait3A_115] : memref<6x128xi32, #tpu.memory_space<vmem>> -> memref<1x128xi32, #tpu.memory_space<vmem>>
    %dma_wait3A_117 = tpu.memref_squeeze %dma_wait3A_116 : memref<1x128xi32, #tpu.memory_space<vmem>> -> memref<128xi32, #tpu.memory_space<vmem>>
    %dma_wait3A_118 = arith.constant 0 : i32
    %dma_wait3A_119 = arith.constant 0 : i32
    %dma_wait3A_120 = tpu.memref_slice %arg4[%dma_wait3A_118, %dma_wait3A_119] : memref<24576x128xf32, #tpu.memory_space<hbm>> -> memref<24576x128xf32, #tpu.memory_space<hbm>>
    tpu.wait_indirect_dma semaphore(%arg7 : memref<!tpu.dma_semaphore, #tpu.memory_space<semaphore_mem>>) src(%dma_wait3A_114 : memref<128x128xf32, #tpu.memory_space<vmem>>) dst(%dma_wait3A_120 : memref<24576x128xf32, #tpu.memory_space<hbm>>)
    return
  }
}

#map = affine_map<(d0, d1) -> (0, 0)>
#map1 = affine_map<(d0, d1) -> (0, 0, 0)>
module attributes {stable_mosaic.version = 14 : i64} {
  func.func @gk(%arg0: i32, %arg1: i32, %arg2: memref<24576x128xf32, #tpu.memory_space<hbm>>, %arg3: memref<32x3x128xi32, #tpu.memory_space<hbm>>, %arg4: memref<12288x128xf32, #tpu.memory_space<hbm>>, %arg5: memref<3x128xi32, #tpu.memory_space<vmem>>, %arg6: memref<384x128xf32, #tpu.memory_space<vmem>>, %arg7: memref<!tpu.dma_semaphore, #tpu.memory_space<semaphore_mem>>) attributes {dimension_semantics = [#tpu.dimension_semantics<core_parallel>, #tpu.dimension_semantics<subcore_parallel>], iteration_bounds = array<i64: 2, 16>, scalar_prefetch = 0 : i64, scratch_operands = 3 : i64, tpu.core_type = #tpu.core_type<sc_vector_subcore>, window_params = [{transform_indices = #map}, {transform_indices = #map1}, {transform_indices = #map}]} {
    %mul3A = arith.constant 2 : i32
    %mul3A_0 = arith.muli %arg1, %mul3A : i32
    %add3A = arith.addi %mul3A_0, %arg0 : i32
    %mul3A_1 = arith.constant 384 : i32
    %mul3A_2 = arith.muli %add3A, %mul3A_1 : i32
    "tpu.region"() ({
      %run_scoped3A = tpu.sem_alloc : memref<!tpu.dma_semaphore, #tpu.memory_space<semaphore_mem>>
      %dma_start3A_61 = arith.constant 0 : i32
      %dma_start3A_62 = arith.constant 0 : i32
      %dma_start3A_63 = tpu.memref_slice %arg3[%add3A, %dma_start3A_61, %dma_start3A_62] : memref<32x3x128xi32, #tpu.memory_space<hbm>> -> memref<1x3x128xi32, #tpu.memory_space<hbm>>
      %dma_start3A_64 = tpu.memref_squeeze %dma_start3A_63 : memref<1x3x128xi32, #tpu.memory_space<hbm>> -> memref<3x128xi32, #tpu.memory_space<hbm>>
      %dma_start3A_65 = arith.constant 0 : i32
      %dma_start3A_66 = arith.constant 0 : i32
      %dma_start3A_67 = tpu.memref_slice %arg3[%add3A, %dma_start3A_65, %dma_start3A_66] : memref<32x3x128xi32, #tpu.memory_space<hbm>> -> memref<1x3x128xi32, #tpu.memory_space<hbm>>
      %dma_start3A_68 = tpu.memref_squeeze %dma_start3A_67 : memref<1x3x128xi32, #tpu.memory_space<hbm>> -> memref<3x128xi32, #tpu.memory_space<hbm>>
      tpu.enqueue_dma source(%dma_start3A_68 : memref<3x128xi32, #tpu.memory_space<hbm>>) target(%arg5 : memref<3x128xi32, #tpu.memory_space<vmem>>) target_semaphore(%run_scoped3A : memref<!tpu.dma_semaphore, #tpu.memory_space<semaphore_mem>>)
      %dma_wait3A_69 = arith.constant 0 : i32
      %dma_wait3A_70 = arith.constant 0 : i32
      %dma_wait3A_71 = tpu.memref_slice %arg3[%add3A, %dma_wait3A_69, %dma_wait3A_70] : memref<32x3x128xi32, #tpu.memory_space<hbm>> -> memref<1x3x128xi32, #tpu.memory_space<hbm>>
      %dma_wait3A_72 = tpu.memref_squeeze %dma_wait3A_71 : memref<1x3x128xi32, #tpu.memory_space<hbm>> -> memref<3x128xi32, #tpu.memory_space<hbm>>
      %dma_wait3A_73 = arith.constant 0 : i32
      %dma_wait3A_74 = arith.constant 0 : i32
      %dma_wait3A_75 = tpu.memref_slice %arg3[%add3A, %dma_wait3A_73, %dma_wait3A_74] : memref<32x3x128xi32, #tpu.memory_space<hbm>> -> memref<1x3x128xi32, #tpu.memory_space<hbm>>
      %dma_wait3A_76 = tpu.memref_squeeze %dma_wait3A_75 : memref<1x3x128xi32, #tpu.memory_space<hbm>> -> memref<3x128xi32, #tpu.memory_space<hbm>>
      tpu.wait_dma2 semaphore(%run_scoped3A : memref<!tpu.dma_semaphore, #tpu.memory_space<semaphore_mem>>) src(%dma_wait3A_76 : memref<3x128xi32, #tpu.memory_space<hbm>>) dst(%arg5 : memref<3x128xi32, #tpu.memory_space<vmem>>)
      tpu.yield
    }) : () -> ()
    %dma_start3A = arith.constant 0 : i32
    %dma_start3A_3 = arith.constant 0 : i32
    %dma_start3A_4 = arith.constant 0 : i32
    %dma_start3A_5 = tpu.memref_slice %arg6[%dma_start3A_3, %dma_start3A_4] : memref<384x128xf32, #tpu.memory_space<vmem>> -> memref<128x128xf32, #tpu.memory_space<vmem>>
    %dma_start3A_6 = arith.constant 0 : i32
    %dma_start3A_7 = tpu.memref_slice %arg5[%dma_start3A, %dma_start3A_6] : memref<3x128xi32, #tpu.memory_space<vmem>> -> memref<1x128xi32, #tpu.memory_space<vmem>>
    %dma_start3A_8 = tpu.memref_squeeze %dma_start3A_7 : memref<1x128xi32, #tpu.memory_space<vmem>> -> memref<128xi32, #tpu.memory_space<vmem>>
    %dma_start3A_9 = arith.constant 0 : i32
    %dma_start3A_10 = arith.constant 0 : i32
    %dma_start3A_11 = tpu.memref_slice %arg2[%dma_start3A_9, %dma_start3A_10] : memref<24576x128xf32, #tpu.memory_space<hbm>> -> memref<24576x128xf32, #tpu.memory_space<hbm>>
    tpu.enqueue_indirect_dma source(%dma_start3A_11 : memref<24576x128xf32, #tpu.memory_space<hbm>>) target(%dma_start3A_5 : memref<128x128xf32, #tpu.memory_space<vmem>>) offsets(%dma_start3A_8 : memref<128xi32, #tpu.memory_space<vmem>>) semaphore(%arg7 : memref<!tpu.dma_semaphore, #tpu.memory_space<semaphore_mem>>)
    %dma_start3A_12 = arith.constant 1 : i32
    %dma_start3A_13 = arith.constant 128 : i32
    %dma_start3A_14 = arith.constant 0 : i32
    %dma_start3A_15 = tpu.memref_slice %arg6[%dma_start3A_13, %dma_start3A_14] : memref<384x128xf32, #tpu.memory_space<vmem>> -> memref<128x128xf32, #tpu.memory_space<vmem>>
    %dma_start3A_16 = arith.constant 0 : i32
    %dma_start3A_17 = tpu.memref_slice %arg5[%dma_start3A_12, %dma_start3A_16] : memref<3x128xi32, #tpu.memory_space<vmem>> -> memref<1x128xi32, #tpu.memory_space<vmem>>
    %dma_start3A_18 = tpu.memref_squeeze %dma_start3A_17 : memref<1x128xi32, #tpu.memory_space<vmem>> -> memref<128xi32, #tpu.memory_space<vmem>>
    %dma_start3A_19 = arith.constant 0 : i32
    %dma_start3A_20 = arith.constant 0 : i32
    %dma_start3A_21 = tpu.memref_slice %arg2[%dma_start3A_19, %dma_start3A_20] : memref<24576x128xf32, #tpu.memory_space<hbm>> -> memref<24576x128xf32, #tpu.memory_space<hbm>>
    tpu.enqueue_indirect_dma source(%dma_start3A_21 : memref<24576x128xf32, #tpu.memory_space<hbm>>) target(%dma_start3A_15 : memref<128x128xf32, #tpu.memory_space<vmem>>) offsets(%dma_start3A_18 : memref<128xi32, #tpu.memory_space<vmem>>) semaphore(%arg7 : memref<!tpu.dma_semaphore, #tpu.memory_space<semaphore_mem>>)
    %dma_start3A_22 = arith.constant 2 : i32
    %dma_start3A_23 = arith.constant 256 : i32
    %dma_start3A_24 = arith.constant 0 : i32
    %dma_start3A_25 = tpu.memref_slice %arg6[%dma_start3A_23, %dma_start3A_24] : memref<384x128xf32, #tpu.memory_space<vmem>> -> memref<128x128xf32, #tpu.memory_space<vmem>>
    %dma_start3A_26 = arith.constant 0 : i32
    %dma_start3A_27 = tpu.memref_slice %arg5[%dma_start3A_22, %dma_start3A_26] : memref<3x128xi32, #tpu.memory_space<vmem>> -> memref<1x128xi32, #tpu.memory_space<vmem>>
    %dma_start3A_28 = tpu.memref_squeeze %dma_start3A_27 : memref<1x128xi32, #tpu.memory_space<vmem>> -> memref<128xi32, #tpu.memory_space<vmem>>
    %dma_start3A_29 = arith.constant 0 : i32
    %dma_start3A_30 = arith.constant 0 : i32
    %dma_start3A_31 = tpu.memref_slice %arg2[%dma_start3A_29, %dma_start3A_30] : memref<24576x128xf32, #tpu.memory_space<hbm>> -> memref<24576x128xf32, #tpu.memory_space<hbm>>
    tpu.enqueue_indirect_dma source(%dma_start3A_31 : memref<24576x128xf32, #tpu.memory_space<hbm>>) target(%dma_start3A_25 : memref<128x128xf32, #tpu.memory_space<vmem>>) offsets(%dma_start3A_28 : memref<128xi32, #tpu.memory_space<vmem>>) semaphore(%arg7 : memref<!tpu.dma_semaphore, #tpu.memory_space<semaphore_mem>>)
    %dma_wait3A = arith.constant 0 : i32
    %dma_wait3A_32 = arith.constant 0 : i32
    %dma_wait3A_33 = arith.constant 0 : i32
    %dma_wait3A_34 = tpu.memref_slice %arg6[%dma_wait3A_32, %dma_wait3A_33] : memref<384x128xf32, #tpu.memory_space<vmem>> -> memref<128x128xf32, #tpu.memory_space<vmem>>
    %dma_wait3A_35 = arith.constant 0 : i32
    %dma_wait3A_36 = tpu.memref_slice %arg5[%dma_wait3A, %dma_wait3A_35] : memref<3x128xi32, #tpu.memory_space<vmem>> -> memref<1x128xi32, #tpu.memory_space<vmem>>
    %dma_wait3A_37 = tpu.memref_squeeze %dma_wait3A_36 : memref<1x128xi32, #tpu.memory_space<vmem>> -> memref<128xi32, #tpu.memory_space<vmem>>
    %dma_wait3A_38 = arith.constant 0 : i32
    %dma_wait3A_39 = arith.constant 0 : i32
    %dma_wait3A_40 = tpu.memref_slice %arg2[%dma_wait3A_38, %dma_wait3A_39] : memref<24576x128xf32, #tpu.memory_space<hbm>> -> memref<24576x128xf32, #tpu.memory_space<hbm>>
    tpu.wait_indirect_dma semaphore(%arg7 : memref<!tpu.dma_semaphore, #tpu.memory_space<semaphore_mem>>) src(%dma_wait3A_40 : memref<24576x128xf32, #tpu.memory_space<hbm>>) dst(%dma_wait3A_34 : memref<128x128xf32, #tpu.memory_space<vmem>>)
    %dma_wait3A_41 = arith.constant 1 : i32
    %dma_wait3A_42 = arith.constant 128 : i32
    %dma_wait3A_43 = arith.constant 0 : i32
    %dma_wait3A_44 = tpu.memref_slice %arg6[%dma_wait3A_42, %dma_wait3A_43] : memref<384x128xf32, #tpu.memory_space<vmem>> -> memref<128x128xf32, #tpu.memory_space<vmem>>
    %dma_wait3A_45 = arith.constant 0 : i32
    %dma_wait3A_46 = tpu.memref_slice %arg5[%dma_wait3A_41, %dma_wait3A_45] : memref<3x128xi32, #tpu.memory_space<vmem>> -> memref<1x128xi32, #tpu.memory_space<vmem>>
    %dma_wait3A_47 = tpu.memref_squeeze %dma_wait3A_46 : memref<1x128xi32, #tpu.memory_space<vmem>> -> memref<128xi32, #tpu.memory_space<vmem>>
    %dma_wait3A_48 = arith.constant 0 : i32
    %dma_wait3A_49 = arith.constant 0 : i32
    %dma_wait3A_50 = tpu.memref_slice %arg2[%dma_wait3A_48, %dma_wait3A_49] : memref<24576x128xf32, #tpu.memory_space<hbm>> -> memref<24576x128xf32, #tpu.memory_space<hbm>>
    tpu.wait_indirect_dma semaphore(%arg7 : memref<!tpu.dma_semaphore, #tpu.memory_space<semaphore_mem>>) src(%dma_wait3A_50 : memref<24576x128xf32, #tpu.memory_space<hbm>>) dst(%dma_wait3A_44 : memref<128x128xf32, #tpu.memory_space<vmem>>)
    %dma_wait3A_51 = arith.constant 2 : i32
    %dma_wait3A_52 = arith.constant 256 : i32
    %dma_wait3A_53 = arith.constant 0 : i32
    %dma_wait3A_54 = tpu.memref_slice %arg6[%dma_wait3A_52, %dma_wait3A_53] : memref<384x128xf32, #tpu.memory_space<vmem>> -> memref<128x128xf32, #tpu.memory_space<vmem>>
    %dma_wait3A_55 = arith.constant 0 : i32
    %dma_wait3A_56 = tpu.memref_slice %arg5[%dma_wait3A_51, %dma_wait3A_55] : memref<3x128xi32, #tpu.memory_space<vmem>> -> memref<1x128xi32, #tpu.memory_space<vmem>>
    %dma_wait3A_57 = tpu.memref_squeeze %dma_wait3A_56 : memref<1x128xi32, #tpu.memory_space<vmem>> -> memref<128xi32, #tpu.memory_space<vmem>>
    %dma_wait3A_58 = arith.constant 0 : i32
    %dma_wait3A_59 = arith.constant 0 : i32
    %dma_wait3A_60 = tpu.memref_slice %arg2[%dma_wait3A_58, %dma_wait3A_59] : memref<24576x128xf32, #tpu.memory_space<hbm>> -> memref<24576x128xf32, #tpu.memory_space<hbm>>
    tpu.wait_indirect_dma semaphore(%arg7 : memref<!tpu.dma_semaphore, #tpu.memory_space<semaphore_mem>>) src(%dma_wait3A_60 : memref<24576x128xf32, #tpu.memory_space<hbm>>) dst(%dma_wait3A_54 : memref<128x128xf32, #tpu.memory_space<vmem>>)
    "tpu.region"() ({
      %run_scoped3A = tpu.sem_alloc : memref<!tpu.dma_semaphore, #tpu.memory_space<semaphore_mem>>
      %dma_start3A_61 = arith.constant 0 : i32
      %dma_start3A_62 = tpu.memref_slice %arg4[%mul3A_2, %dma_start3A_61] : memref<12288x128xf32, #tpu.memory_space<hbm>> -> memref<384x128xf32, #tpu.memory_space<hbm>>
      %dma_start3A_63 = arith.constant 0 : i32
      %dma_start3A_64 = tpu.memref_slice %arg4[%mul3A_2, %dma_start3A_63] : memref<12288x128xf32, #tpu.memory_space<hbm>> -> memref<384x128xf32, #tpu.memory_space<hbm>>
      tpu.enqueue_dma source(%arg6 : memref<384x128xf32, #tpu.memory_space<vmem>>) target(%dma_start3A_64 : memref<384x128xf32, #tpu.memory_space<hbm>>) target_semaphore(%run_scoped3A : memref<!tpu.dma_semaphore, #tpu.memory_space<semaphore_mem>>)
      %dma_wait3A_65 = arith.constant 0 : i32
      %dma_wait3A_66 = tpu.memref_slice %arg4[%mul3A_2, %dma_wait3A_65] : memref<12288x128xf32, #tpu.memory_space<hbm>> -> memref<384x128xf32, #tpu.memory_space<hbm>>
      %dma_wait3A_67 = arith.constant 0 : i32
      %dma_wait3A_68 = tpu.memref_slice %arg4[%mul3A_2, %dma_wait3A_67] : memref<12288x128xf32, #tpu.memory_space<hbm>> -> memref<384x128xf32, #tpu.memory_space<hbm>>
      tpu.wait_dma2 semaphore(%run_scoped3A : memref<!tpu.dma_semaphore, #tpu.memory_space<semaphore_mem>>) src(%arg6 : memref<384x128xf32, #tpu.memory_space<vmem>>) dst(%dma_wait3A_68 : memref<384x128xf32, #tpu.memory_space<hbm>>)
      tpu.yield
    }) : () -> ()
    return
  }
}

#map = affine_map<(d0, d1) -> (0, 0)>
#map1 = affine_map<(d0, d1) -> (0, 0, 0)>
module attributes {stable_mosaic.version = 14 : i64} {
  func.func @sk(%arg0: i32, %arg1: i32, %arg2: memref<24576x128xf32, #tpu.memory_space<hbm>>, %arg3: memref<32x6x128xi32, #tpu.memory_space<hbm>>, %arg4: memref<24576x128xf32, #tpu.memory_space<hbm>>, %arg5: memref<6x128xi32, #tpu.memory_space<vmem>>, %arg6: memref<768x128xf32, #tpu.memory_space<vmem>>, %arg7: memref<!tpu.dma_semaphore, #tpu.memory_space<semaphore_mem>>) attributes {dimension_semantics = [#tpu.dimension_semantics<core_parallel>, #tpu.dimension_semantics<subcore_parallel>], iteration_bounds = array<i64: 2, 16>, scalar_prefetch = 0 : i64, scratch_operands = 3 : i64, tpu.core_type = #tpu.core_type<sc_vector_subcore>, window_params = [{transform_indices = #map}, {transform_indices = #map1}, {transform_indices = #map}]} {
    %mul3A = arith.constant 2 : i32
    %mul3A_0 = arith.muli %arg1, %mul3A : i32
    %add3A = arith.addi %mul3A_0, %arg0 : i32
    %mul3A_1 = arith.constant 768 : i32
    %mul3A_2 = arith.muli %add3A, %mul3A_1 : i32
    "tpu.region"() ({
      %run_scoped3A = tpu.sem_alloc : memref<!tpu.dma_semaphore, #tpu.memory_space<semaphore_mem>>
      %dma_start3A_121 = arith.constant 0 : i32
      %dma_start3A_122 = arith.constant 0 : i32
      %dma_start3A_123 = tpu.memref_slice %arg3[%add3A, %dma_start3A_121, %dma_start3A_122] : memref<32x6x128xi32, #tpu.memory_space<hbm>> -> memref<1x6x128xi32, #tpu.memory_space<hbm>>
      %dma_start3A_124 = tpu.memref_squeeze %dma_start3A_123 : memref<1x6x128xi32, #tpu.memory_space<hbm>> -> memref<6x128xi32, #tpu.memory_space<hbm>>
      %dma_start3A_125 = arith.constant 0 : i32
      %dma_start3A_126 = arith.constant 0 : i32
      %dma_start3A_127 = tpu.memref_slice %arg3[%add3A, %dma_start3A_125, %dma_start3A_126] : memref<32x6x128xi32, #tpu.memory_space<hbm>> -> memref<1x6x128xi32, #tpu.memory_space<hbm>>
      %dma_start3A_128 = tpu.memref_squeeze %dma_start3A_127 : memref<1x6x128xi32, #tpu.memory_space<hbm>> -> memref<6x128xi32, #tpu.memory_space<hbm>>
      tpu.enqueue_dma source(%dma_start3A_128 : memref<6x128xi32, #tpu.memory_space<hbm>>) target(%arg5 : memref<6x128xi32, #tpu.memory_space<vmem>>) target_semaphore(%run_scoped3A : memref<!tpu.dma_semaphore, #tpu.memory_space<semaphore_mem>>)
      %dma_wait3A_129 = arith.constant 0 : i32
      %dma_wait3A_130 = arith.constant 0 : i32
      %dma_wait3A_131 = tpu.memref_slice %arg3[%add3A, %dma_wait3A_129, %dma_wait3A_130] : memref<32x6x128xi32, #tpu.memory_space<hbm>> -> memref<1x6x128xi32, #tpu.memory_space<hbm>>
      %dma_wait3A_132 = tpu.memref_squeeze %dma_wait3A_131 : memref<1x6x128xi32, #tpu.memory_space<hbm>> -> memref<6x128xi32, #tpu.memory_space<hbm>>
      %dma_wait3A_133 = arith.constant 0 : i32
      %dma_wait3A_134 = arith.constant 0 : i32
      %dma_wait3A_135 = tpu.memref_slice %arg3[%add3A, %dma_wait3A_133, %dma_wait3A_134] : memref<32x6x128xi32, #tpu.memory_space<hbm>> -> memref<1x6x128xi32, #tpu.memory_space<hbm>>
      %dma_wait3A_136 = tpu.memref_squeeze %dma_wait3A_135 : memref<1x6x128xi32, #tpu.memory_space<hbm>> -> memref<6x128xi32, #tpu.memory_space<hbm>>
      tpu.wait_dma2 semaphore(%run_scoped3A : memref<!tpu.dma_semaphore, #tpu.memory_space<semaphore_mem>>) src(%dma_wait3A_136 : memref<6x128xi32, #tpu.memory_space<hbm>>) dst(%arg5 : memref<6x128xi32, #tpu.memory_space<vmem>>)
      tpu.yield
    }) : () -> ()
    "tpu.region"() ({
      %run_scoped3A = tpu.sem_alloc : memref<!tpu.dma_semaphore, #tpu.memory_space<semaphore_mem>>
      %dma_start3A_121 = arith.constant 0 : i32
      %dma_start3A_122 = tpu.memref_slice %arg2[%mul3A_2, %dma_start3A_121] : memref<24576x128xf32, #tpu.memory_space<hbm>> -> memref<768x128xf32, #tpu.memory_space<hbm>>
      %dma_start3A_123 = arith.constant 0 : i32
      %dma_start3A_124 = tpu.memref_slice %arg2[%mul3A_2, %dma_start3A_123] : memref<24576x128xf32, #tpu.memory_space<hbm>> -> memref<768x128xf32, #tpu.memory_space<hbm>>
      tpu.enqueue_dma source(%dma_start3A_124 : memref<768x128xf32, #tpu.memory_space<hbm>>) target(%arg6 : memref<768x128xf32, #tpu.memory_space<vmem>>) target_semaphore(%run_scoped3A : memref<!tpu.dma_semaphore, #tpu.memory_space<semaphore_mem>>)
      %dma_wait3A_125 = arith.constant 0 : i32
      %dma_wait3A_126 = tpu.memref_slice %arg2[%mul3A_2, %dma_wait3A_125] : memref<24576x128xf32, #tpu.memory_space<hbm>> -> memref<768x128xf32, #tpu.memory_space<hbm>>
      %dma_wait3A_127 = arith.constant 0 : i32
      %dma_wait3A_128 = tpu.memref_slice %arg2[%mul3A_2, %dma_wait3A_127] : memref<24576x128xf32, #tpu.memory_space<hbm>> -> memref<768x128xf32, #tpu.memory_space<hbm>>
      tpu.wait_dma2 semaphore(%run_scoped3A : memref<!tpu.dma_semaphore, #tpu.memory_space<semaphore_mem>>) src(%dma_wait3A_128 : memref<768x128xf32, #tpu.memory_space<hbm>>) dst(%arg6 : memref<768x128xf32, #tpu.memory_space<vmem>>)
      tpu.yield
    }) : () -> ()
    %dma_start3A = arith.constant 0 : i32
    %dma_start3A_3 = arith.constant 0 : i32
    %dma_start3A_4 = arith.constant 0 : i32
    %dma_start3A_5 = tpu.memref_slice %arg6[%dma_start3A_3, %dma_start3A_4] : memref<768x128xf32, #tpu.memory_space<vmem>> -> memref<128x128xf32, #tpu.memory_space<vmem>>
    %dma_start3A_6 = arith.constant 0 : i32
    %dma_start3A_7 = tpu.memref_slice %arg5[%dma_start3A, %dma_start3A_6] : memref<6x128xi32, #tpu.memory_space<vmem>> -> memref<1x128xi32, #tpu.memory_space<vmem>>
    %dma_start3A_8 = tpu.memref_squeeze %dma_start3A_7 : memref<1x128xi32, #tpu.memory_space<vmem>> -> memref<128xi32, #tpu.memory_space<vmem>>
    %dma_start3A_9 = arith.constant 0 : i32
    %dma_start3A_10 = arith.constant 0 : i32
    %dma_start3A_11 = tpu.memref_slice %arg4[%dma_start3A_9, %dma_start3A_10] : memref<24576x128xf32, #tpu.memory_space<hbm>> -> memref<24576x128xf32, #tpu.memory_space<hbm>>
    tpu.enqueue_indirect_dma source(%dma_start3A_5 : memref<128x128xf32, #tpu.memory_space<vmem>>) target(%dma_start3A_11 : memref<24576x128xf32, #tpu.memory_space<hbm>>) offsets(%dma_start3A_8 : memref<128xi32, #tpu.memory_space<vmem>>) semaphore(%arg7 : memref<!tpu.dma_semaphore, #tpu.memory_space<semaphore_mem>>)
    %dma_start3A_12 = arith.constant 1 : i32
    %dma_start3A_13 = arith.constant 128 : i32
    %dma_start3A_14 = arith.constant 0 : i32
    %dma_start3A_15 = tpu.memref_slice %arg6[%dma_start3A_13, %dma_start3A_14] : memref<768x128xf32, #tpu.memory_space<vmem>> -> memref<128x128xf32, #tpu.memory_space<vmem>>
    %dma_start3A_16 = arith.constant 0 : i32
    %dma_start3A_17 = tpu.memref_slice %arg5[%dma_start3A_12, %dma_start3A_16] : memref<6x128xi32, #tpu.memory_space<vmem>> -> memref<1x128xi32, #tpu.memory_space<vmem>>
    %dma_start3A_18 = tpu.memref_squeeze %dma_start3A_17 : memref<1x128xi32, #tpu.memory_space<vmem>> -> memref<128xi32, #tpu.memory_space<vmem>>
    %dma_start3A_19 = arith.constant 0 : i32
    %dma_start3A_20 = arith.constant 0 : i32
    %dma_start3A_21 = tpu.memref_slice %arg4[%dma_start3A_19, %dma_start3A_20] : memref<24576x128xf32, #tpu.memory_space<hbm>> -> memref<24576x128xf32, #tpu.memory_space<hbm>>
    tpu.enqueue_indirect_dma source(%dma_start3A_15 : memref<128x128xf32, #tpu.memory_space<vmem>>) target(%dma_start3A_21 : memref<24576x128xf32, #tpu.memory_space<hbm>>) offsets(%dma_start3A_18 : memref<128xi32, #tpu.memory_space<vmem>>) semaphore(%arg7 : memref<!tpu.dma_semaphore, #tpu.memory_space<semaphore_mem>>)
    %dma_start3A_22 = arith.constant 2 : i32
    %dma_start3A_23 = arith.constant 256 : i32
    %dma_start3A_24 = arith.constant 0 : i32
    %dma_start3A_25 = tpu.memref_slice %arg6[%dma_start3A_23, %dma_start3A_24] : memref<768x128xf32, #tpu.memory_space<vmem>> -> memref<128x128xf32, #tpu.memory_space<vmem>>
    %dma_start3A_26 = arith.constant 0 : i32
    %dma_start3A_27 = tpu.memref_slice %arg5[%dma_start3A_22, %dma_start3A_26] : memref<6x128xi32, #tpu.memory_space<vmem>> -> memref<1x128xi32, #tpu.memory_space<vmem>>
    %dma_start3A_28 = tpu.memref_squeeze %dma_start3A_27 : memref<1x128xi32, #tpu.memory_space<vmem>> -> memref<128xi32, #tpu.memory_space<vmem>>
    %dma_start3A_29 = arith.constant 0 : i32
    %dma_start3A_30 = arith.constant 0 : i32
    %dma_start3A_31 = tpu.memref_slice %arg4[%dma_start3A_29, %dma_start3A_30] : memref<24576x128xf32, #tpu.memory_space<hbm>> -> memref<24576x128xf32, #tpu.memory_space<hbm>>
    tpu.enqueue_indirect_dma source(%dma_start3A_25 : memref<128x128xf32, #tpu.memory_space<vmem>>) target(%dma_start3A_31 : memref<24576x128xf32, #tpu.memory_space<hbm>>) offsets(%dma_start3A_28 : memref<128xi32, #tpu.memory_space<vmem>>) semaphore(%arg7 : memref<!tpu.dma_semaphore, #tpu.memory_space<semaphore_mem>>)
    %dma_start3A_32 = arith.constant 3 : i32
    %dma_start3A_33 = arith.constant 384 : i32
    %dma_start3A_34 = arith.constant 0 : i32
    %dma_start3A_35 = tpu.memref_slice %arg6[%dma_start3A_33, %dma_start3A_34] : memref<768x128xf32, #tpu.memory_space<vmem>> -> memref<128x128xf32, #tpu.memory_space<vmem>>
    %dma_start3A_36 = arith.constant 0 : i32
    %dma_start3A_37 = tpu.memref_slice %arg5[%dma_start3A_32, %dma_start3A_36] : memref<6x128xi32, #tpu.memory_space<vmem>> -> memref<1x128xi32, #tpu.memory_space<vmem>>
    %dma_start3A_38 = tpu.memref_squeeze %dma_start3A_37 : memref<1x128xi32, #tpu.memory_space<vmem>> -> memref<128xi32, #tpu.memory_space<vmem>>
    %dma_start3A_39 = arith.constant 0 : i32
    %dma_start3A_40 = arith.constant 0 : i32
    %dma_start3A_41 = tpu.memref_slice %arg4[%dma_start3A_39, %dma_start3A_40] : memref<24576x128xf32, #tpu.memory_space<hbm>> -> memref<24576x128xf32, #tpu.memory_space<hbm>>
    tpu.enqueue_indirect_dma source(%dma_start3A_35 : memref<128x128xf32, #tpu.memory_space<vmem>>) target(%dma_start3A_41 : memref<24576x128xf32, #tpu.memory_space<hbm>>) offsets(%dma_start3A_38 : memref<128xi32, #tpu.memory_space<vmem>>) semaphore(%arg7 : memref<!tpu.dma_semaphore, #tpu.memory_space<semaphore_mem>>)
    %dma_start3A_42 = arith.constant 4 : i32
    %dma_start3A_43 = arith.constant 512 : i32
    %dma_start3A_44 = arith.constant 0 : i32
    %dma_start3A_45 = tpu.memref_slice %arg6[%dma_start3A_43, %dma_start3A_44] : memref<768x128xf32, #tpu.memory_space<vmem>> -> memref<128x128xf32, #tpu.memory_space<vmem>>
    %dma_start3A_46 = arith.constant 0 : i32
    %dma_start3A_47 = tpu.memref_slice %arg5[%dma_start3A_42, %dma_start3A_46] : memref<6x128xi32, #tpu.memory_space<vmem>> -> memref<1x128xi32, #tpu.memory_space<vmem>>
    %dma_start3A_48 = tpu.memref_squeeze %dma_start3A_47 : memref<1x128xi32, #tpu.memory_space<vmem>> -> memref<128xi32, #tpu.memory_space<vmem>>
    %dma_start3A_49 = arith.constant 0 : i32
    %dma_start3A_50 = arith.constant 0 : i32
    %dma_start3A_51 = tpu.memref_slice %arg4[%dma_start3A_49, %dma_start3A_50] : memref<24576x128xf32, #tpu.memory_space<hbm>> -> memref<24576x128xf32, #tpu.memory_space<hbm>>
    tpu.enqueue_indirect_dma source(%dma_start3A_45 : memref<128x128xf32, #tpu.memory_space<vmem>>) target(%dma_start3A_51 : memref<24576x128xf32, #tpu.memory_space<hbm>>) offsets(%dma_start3A_48 : memref<128xi32, #tpu.memory_space<vmem>>) semaphore(%arg7 : memref<!tpu.dma_semaphore, #tpu.memory_space<semaphore_mem>>)
    %dma_start3A_52 = arith.constant 5 : i32
    %dma_start3A_53 = arith.constant 640 : i32
    %dma_start3A_54 = arith.constant 0 : i32
    %dma_start3A_55 = tpu.memref_slice %arg6[%dma_start3A_53, %dma_start3A_54] : memref<768x128xf32, #tpu.memory_space<vmem>> -> memref<128x128xf32, #tpu.memory_space<vmem>>
    %dma_start3A_56 = arith.constant 0 : i32
    %dma_start3A_57 = tpu.memref_slice %arg5[%dma_start3A_52, %dma_start3A_56] : memref<6x128xi32, #tpu.memory_space<vmem>> -> memref<1x128xi32, #tpu.memory_space<vmem>>
    %dma_start3A_58 = tpu.memref_squeeze %dma_start3A_57 : memref<1x128xi32, #tpu.memory_space<vmem>> -> memref<128xi32, #tpu.memory_space<vmem>>
    %dma_start3A_59 = arith.constant 0 : i32
    %dma_start3A_60 = arith.constant 0 : i32
    %dma_start3A_61 = tpu.memref_slice %arg4[%dma_start3A_59, %dma_start3A_60] : memref<24576x128xf32, #tpu.memory_space<hbm>> -> memref<24576x128xf32, #tpu.memory_space<hbm>>
    tpu.enqueue_indirect_dma source(%dma_start3A_55 : memref<128x128xf32, #tpu.memory_space<vmem>>) target(%dma_start3A_61 : memref<24576x128xf32, #tpu.memory_space<hbm>>) offsets(%dma_start3A_58 : memref<128xi32, #tpu.memory_space<vmem>>) semaphore(%arg7 : memref<!tpu.dma_semaphore, #tpu.memory_space<semaphore_mem>>)
    %dma_wait3A = arith.constant 0 : i32
    %dma_wait3A_62 = arith.constant 0 : i32
    %dma_wait3A_63 = arith.constant 0 : i32
    %dma_wait3A_64 = tpu.memref_slice %arg6[%dma_wait3A_62, %dma_wait3A_63] : memref<768x128xf32, #tpu.memory_space<vmem>> -> memref<128x128xf32, #tpu.memory_space<vmem>>
    %dma_wait3A_65 = arith.constant 0 : i32
    %dma_wait3A_66 = tpu.memref_slice %arg5[%dma_wait3A, %dma_wait3A_65] : memref<6x128xi32, #tpu.memory_space<vmem>> -> memref<1x128xi32, #tpu.memory_space<vmem>>
    %dma_wait3A_67 = tpu.memref_squeeze %dma_wait3A_66 : memref<1x128xi32, #tpu.memory_space<vmem>> -> memref<128xi32, #tpu.memory_space<vmem>>
    %dma_wait3A_68 = arith.constant 0 : i32
    %dma_wait3A_69 = arith.constant 0 : i32
    %dma_wait3A_70 = tpu.memref_slice %arg4[%dma_wait3A_68, %dma_wait3A_69] : memref<24576x128xf32, #tpu.memory_space<hbm>> -> memref<24576x128xf32, #tpu.memory_space<hbm>>
    tpu.wait_indirect_dma semaphore(%arg7 : memref<!tpu.dma_semaphore, #tpu.memory_space<semaphore_mem>>) src(%dma_wait3A_64 : memref<128x128xf32, #tpu.memory_space<vmem>>) dst(%dma_wait3A_70 : memref<24576x128xf32, #tpu.memory_space<hbm>>)
    %dma_wait3A_71 = arith.constant 1 : i32
    %dma_wait3A_72 = arith.constant 128 : i32
    %dma_wait3A_73 = arith.constant 0 : i32
    %dma_wait3A_74 = tpu.memref_slice %arg6[%dma_wait3A_72, %dma_wait3A_73] : memref<768x128xf32, #tpu.memory_space<vmem>> -> memref<128x128xf32, #tpu.memory_space<vmem>>
    %dma_wait3A_75 = arith.constant 0 : i32
    %dma_wait3A_76 = tpu.memref_slice %arg5[%dma_wait3A_71, %dma_wait3A_75] : memref<6x128xi32, #tpu.memory_space<vmem>> -> memref<1x128xi32, #tpu.memory_space<vmem>>
    %dma_wait3A_77 = tpu.memref_squeeze %dma_wait3A_76 : memref<1x128xi32, #tpu.memory_space<vmem>> -> memref<128xi32, #tpu.memory_space<vmem>>
    %dma_wait3A_78 = arith.constant 0 : i32
    %dma_wait3A_79 = arith.constant 0 : i32
    %dma_wait3A_80 = tpu.memref_slice %arg4[%dma_wait3A_78, %dma_wait3A_79] : memref<24576x128xf32, #tpu.memory_space<hbm>> -> memref<24576x128xf32, #tpu.memory_space<hbm>>
    tpu.wait_indirect_dma semaphore(%arg7 : memref<!tpu.dma_semaphore, #tpu.memory_space<semaphore_mem>>) src(%dma_wait3A_74 : memref<128x128xf32, #tpu.memory_space<vmem>>) dst(%dma_wait3A_80 : memref<24576x128xf32, #tpu.memory_space<hbm>>)
    %dma_wait3A_81 = arith.constant 2 : i32
    %dma_wait3A_82 = arith.constant 256 : i32
    %dma_wait3A_83 = arith.constant 0 : i32
    %dma_wait3A_84 = tpu.memref_slice %arg6[%dma_wait3A_82, %dma_wait3A_83] : memref<768x128xf32, #tpu.memory_space<vmem>> -> memref<128x128xf32, #tpu.memory_space<vmem>>
    %dma_wait3A_85 = arith.constant 0 : i32
    %dma_wait3A_86 = tpu.memref_slice %arg5[%dma_wait3A_81, %dma_wait3A_85] : memref<6x128xi32, #tpu.memory_space<vmem>> -> memref<1x128xi32, #tpu.memory_space<vmem>>
    %dma_wait3A_87 = tpu.memref_squeeze %dma_wait3A_86 : memref<1x128xi32, #tpu.memory_space<vmem>> -> memref<128xi32, #tpu.memory_space<vmem>>
    %dma_wait3A_88 = arith.constant 0 : i32
    %dma_wait3A_89 = arith.constant 0 : i32
    %dma_wait3A_90 = tpu.memref_slice %arg4[%dma_wait3A_88, %dma_wait3A_89] : memref<24576x128xf32, #tpu.memory_space<hbm>> -> memref<24576x128xf32, #tpu.memory_space<hbm>>
    tpu.wait_indirect_dma semaphore(%arg7 : memref<!tpu.dma_semaphore, #tpu.memory_space<semaphore_mem>>) src(%dma_wait3A_84 : memref<128x128xf32, #tpu.memory_space<vmem>>) dst(%dma_wait3A_90 : memref<24576x128xf32, #tpu.memory_space<hbm>>)
    %dma_wait3A_91 = arith.constant 3 : i32
    %dma_wait3A_92 = arith.constant 384 : i32
    %dma_wait3A_93 = arith.constant 0 : i32
    %dma_wait3A_94 = tpu.memref_slice %arg6[%dma_wait3A_92, %dma_wait3A_93] : memref<768x128xf32, #tpu.memory_space<vmem>> -> memref<128x128xf32, #tpu.memory_space<vmem>>
    %dma_wait3A_95 = arith.constant 0 : i32
    %dma_wait3A_96 = tpu.memref_slice %arg5[%dma_wait3A_91, %dma_wait3A_95] : memref<6x128xi32, #tpu.memory_space<vmem>> -> memref<1x128xi32, #tpu.memory_space<vmem>>
    %dma_wait3A_97 = tpu.memref_squeeze %dma_wait3A_96 : memref<1x128xi32, #tpu.memory_space<vmem>> -> memref<128xi32, #tpu.memory_space<vmem>>
    %dma_wait3A_98 = arith.constant 0 : i32
    %dma_wait3A_99 = arith.constant 0 : i32
    %dma_wait3A_100 = tpu.memref_slice %arg4[%dma_wait3A_98, %dma_wait3A_99] : memref<24576x128xf32, #tpu.memory_space<hbm>> -> memref<24576x128xf32, #tpu.memory_space<hbm>>
    tpu.wait_indirect_dma semaphore(%arg7 : memref<!tpu.dma_semaphore, #tpu.memory_space<semaphore_mem>>) src(%dma_wait3A_94 : memref<128x128xf32, #tpu.memory_space<vmem>>) dst(%dma_wait3A_100 : memref<24576x128xf32, #tpu.memory_space<hbm>>)
    %dma_wait3A_101 = arith.constant 4 : i32
    %dma_wait3A_102 = arith.constant 512 : i32
    %dma_wait3A_103 = arith.constant 0 : i32
    %dma_wait3A_104 = tpu.memref_slice %arg6[%dma_wait3A_102, %dma_wait3A_103] : memref<768x128xf32, #tpu.memory_space<vmem>> -> memref<128x128xf32, #tpu.memory_space<vmem>>
    %dma_wait3A_105 = arith.constant 0 : i32
    %dma_wait3A_106 = tpu.memref_slice %arg5[%dma_wait3A_101, %dma_wait3A_105] : memref<6x128xi32, #tpu.memory_space<vmem>> -> memref<1x128xi32, #tpu.memory_space<vmem>>
    %dma_wait3A_107 = tpu.memref_squeeze %dma_wait3A_106 : memref<1x128xi32, #tpu.memory_space<vmem>> -> memref<128xi32, #tpu.memory_space<vmem>>
    %dma_wait3A_108 = arith.constant 0 : i32
    %dma_wait3A_109 = arith.constant 0 : i32
    %dma_wait3A_110 = tpu.memref_slice %arg4[%dma_wait3A_108, %dma_wait3A_109] : memref<24576x128xf32, #tpu.memory_space<hbm>> -> memref<24576x128xf32, #tpu.memory_space<hbm>>
    tpu.wait_indirect_dma semaphore(%arg7 : memref<!tpu.dma_semaphore, #tpu.memory_space<semaphore_mem>>) src(%dma_wait3A_104 : memref<128x128xf32, #tpu.memory_space<vmem>>) dst(%dma_wait3A_110 : memref<24576x128xf32, #tpu.memory_space<hbm>>)
    %dma_wait3A_111 = arith.constant 5 : i32
    %dma_wait3A_112 = arith.constant 640 : i32
    %dma_wait3A_113 = arith.constant 0 : i32
    %dma_wait3A_114 = tpu.memref_slice %arg6[%dma_wait3A_112, %dma_wait3A_113] : memref<768x128xf32, #tpu.memory_space<vmem>> -> memref<128x128xf32, #tpu.memory_space<vmem>>
    %dma_wait3A_115 = arith.constant 0 : i32
    %dma_wait3A_116 = tpu.memref_slice %arg5[%dma_wait3A_111, %dma_wait3A_115] : memref<6x128xi32, #tpu.memory_space<vmem>> -> memref<1x128xi32, #tpu.memory_space<vmem>>
    %dma_wait3A_117 = tpu.memref_squeeze %dma_wait3A_116 : memref<1x128xi32, #tpu.memory_space<vmem>> -> memref<128xi32, #tpu.memory_space<vmem>>
    %dma_wait3A_118 = arith.constant 0 : i32
    %dma_wait3A_119 = arith.constant 0 : i32
    %dma_wait3A_120 = tpu.memref_slice %arg4[%dma_wait3A_118, %dma_wait3A_119] : memref<24576x128xf32, #tpu.memory_space<hbm>> -> memref<24576x128xf32, #tpu.memory_space<hbm>>
    tpu.wait_indirect_dma semaphore(%arg7 : memref<!tpu.dma_semaphore, #tpu.memory_space<semaphore_mem>>) src(%dma_wait3A_114 : memref<128x128xf32, #tpu.memory_space<vmem>>) dst(%dma_wait3A_120 : memref<24576x128xf32, #tpu.memory_space<hbm>>)
    return
  }
}

#map = affine_map<(d0, d1) -> (0, 0)>
#map1 = affine_map<(d0, d1) -> (0, 0, 0)>
module attributes {stable_mosaic.version = 14 : i64} {
  func.func @gk(%arg0: i32, %arg1: i32, %arg2: memref<24576x128xf32, #tpu.memory_space<hbm>>, %arg3: memref<32x6x128xi32, #tpu.memory_space<hbm>>, %arg4: memref<24576x128xf32, #tpu.memory_space<hbm>>, %arg5: memref<6x128xi32, #tpu.memory_space<vmem>>, %arg6: memref<768x128xf32, #tpu.memory_space<vmem>>, %arg7: memref<!tpu.dma_semaphore, #tpu.memory_space<semaphore_mem>>) attributes {dimension_semantics = [#tpu.dimension_semantics<core_parallel>, #tpu.dimension_semantics<subcore_parallel>], iteration_bounds = array<i64: 2, 16>, scalar_prefetch = 0 : i64, scratch_operands = 3 : i64, tpu.core_type = #tpu.core_type<sc_vector_subcore>, window_params = [{transform_indices = #map}, {transform_indices = #map1}, {transform_indices = #map}]} {
    %mul3A = arith.constant 2 : i32
    %mul3A_0 = arith.muli %arg1, %mul3A : i32
    %add3A = arith.addi %mul3A_0, %arg0 : i32
    %mul3A_1 = arith.constant 768 : i32
    %mul3A_2 = arith.muli %add3A, %mul3A_1 : i32
    "tpu.region"() ({
      %run_scoped3A = tpu.sem_alloc : memref<!tpu.dma_semaphore, #tpu.memory_space<semaphore_mem>>
      %dma_start3A_121 = arith.constant 0 : i32
      %dma_start3A_122 = arith.constant 0 : i32
      %dma_start3A_123 = tpu.memref_slice %arg3[%add3A, %dma_start3A_121, %dma_start3A_122] : memref<32x6x128xi32, #tpu.memory_space<hbm>> -> memref<1x6x128xi32, #tpu.memory_space<hbm>>
      %dma_start3A_124 = tpu.memref_squeeze %dma_start3A_123 : memref<1x6x128xi32, #tpu.memory_space<hbm>> -> memref<6x128xi32, #tpu.memory_space<hbm>>
      %dma_start3A_125 = arith.constant 0 : i32
      %dma_start3A_126 = arith.constant 0 : i32
      %dma_start3A_127 = tpu.memref_slice %arg3[%add3A, %dma_start3A_125, %dma_start3A_126] : memref<32x6x128xi32, #tpu.memory_space<hbm>> -> memref<1x6x128xi32, #tpu.memory_space<hbm>>
      %dma_start3A_128 = tpu.memref_squeeze %dma_start3A_127 : memref<1x6x128xi32, #tpu.memory_space<hbm>> -> memref<6x128xi32, #tpu.memory_space<hbm>>
      tpu.enqueue_dma source(%dma_start3A_128 : memref<6x128xi32, #tpu.memory_space<hbm>>) target(%arg5 : memref<6x128xi32, #tpu.memory_space<vmem>>) target_semaphore(%run_scoped3A : memref<!tpu.dma_semaphore, #tpu.memory_space<semaphore_mem>>)
      %dma_wait3A_129 = arith.constant 0 : i32
      %dma_wait3A_130 = arith.constant 0 : i32
      %dma_wait3A_131 = tpu.memref_slice %arg3[%add3A, %dma_wait3A_129, %dma_wait3A_130] : memref<32x6x128xi32, #tpu.memory_space<hbm>> -> memref<1x6x128xi32, #tpu.memory_space<hbm>>
      %dma_wait3A_132 = tpu.memref_squeeze %dma_wait3A_131 : memref<1x6x128xi32, #tpu.memory_space<hbm>> -> memref<6x128xi32, #tpu.memory_space<hbm>>
      %dma_wait3A_133 = arith.constant 0 : i32
      %dma_wait3A_134 = arith.constant 0 : i32
      %dma_wait3A_135 = tpu.memref_slice %arg3[%add3A, %dma_wait3A_133, %dma_wait3A_134] : memref<32x6x128xi32, #tpu.memory_space<hbm>> -> memref<1x6x128xi32, #tpu.memory_space<hbm>>
      %dma_wait3A_136 = tpu.memref_squeeze %dma_wait3A_135 : memref<1x6x128xi32, #tpu.memory_space<hbm>> -> memref<6x128xi32, #tpu.memory_space<hbm>>
      tpu.wait_dma2 semaphore(%run_scoped3A : memref<!tpu.dma_semaphore, #tpu.memory_space<semaphore_mem>>) src(%dma_wait3A_136 : memref<6x128xi32, #tpu.memory_space<hbm>>) dst(%arg5 : memref<6x128xi32, #tpu.memory_space<vmem>>)
      tpu.yield
    }) : () -> ()
    %dma_start3A = arith.constant 0 : i32
    %dma_start3A_3 = arith.constant 0 : i32
    %dma_start3A_4 = arith.constant 0 : i32
    %dma_start3A_5 = tpu.memref_slice %arg6[%dma_start3A_3, %dma_start3A_4] : memref<768x128xf32, #tpu.memory_space<vmem>> -> memref<128x128xf32, #tpu.memory_space<vmem>>
    %dma_start3A_6 = arith.constant 0 : i32
    %dma_start3A_7 = tpu.memref_slice %arg5[%dma_start3A, %dma_start3A_6] : memref<6x128xi32, #tpu.memory_space<vmem>> -> memref<1x128xi32, #tpu.memory_space<vmem>>
    %dma_start3A_8 = tpu.memref_squeeze %dma_start3A_7 : memref<1x128xi32, #tpu.memory_space<vmem>> -> memref<128xi32, #tpu.memory_space<vmem>>
    %dma_start3A_9 = arith.constant 0 : i32
    %dma_start3A_10 = arith.constant 0 : i32
    %dma_start3A_11 = tpu.memref_slice %arg2[%dma_start3A_9, %dma_start3A_10] : memref<24576x128xf32, #tpu.memory_space<hbm>> -> memref<24576x128xf32, #tpu.memory_space<hbm>>
    tpu.enqueue_indirect_dma source(%dma_start3A_11 : memref<24576x128xf32, #tpu.memory_space<hbm>>) target(%dma_start3A_5 : memref<128x128xf32, #tpu.memory_space<vmem>>) offsets(%dma_start3A_8 : memref<128xi32, #tpu.memory_space<vmem>>) semaphore(%arg7 : memref<!tpu.dma_semaphore, #tpu.memory_space<semaphore_mem>>)
    %dma_start3A_12 = arith.constant 1 : i32
    %dma_start3A_13 = arith.constant 128 : i32
    %dma_start3A_14 = arith.constant 0 : i32
    %dma_start3A_15 = tpu.memref_slice %arg6[%dma_start3A_13, %dma_start3A_14] : memref<768x128xf32, #tpu.memory_space<vmem>> -> memref<128x128xf32, #tpu.memory_space<vmem>>
    %dma_start3A_16 = arith.constant 0 : i32
    %dma_start3A_17 = tpu.memref_slice %arg5[%dma_start3A_12, %dma_start3A_16] : memref<6x128xi32, #tpu.memory_space<vmem>> -> memref<1x128xi32, #tpu.memory_space<vmem>>
    %dma_start3A_18 = tpu.memref_squeeze %dma_start3A_17 : memref<1x128xi32, #tpu.memory_space<vmem>> -> memref<128xi32, #tpu.memory_space<vmem>>
    %dma_start3A_19 = arith.constant 0 : i32
    %dma_start3A_20 = arith.constant 0 : i32
    %dma_start3A_21 = tpu.memref_slice %arg2[%dma_start3A_19, %dma_start3A_20] : memref<24576x128xf32, #tpu.memory_space<hbm>> -> memref<24576x128xf32, #tpu.memory_space<hbm>>
    tpu.enqueue_indirect_dma source(%dma_start3A_21 : memref<24576x128xf32, #tpu.memory_space<hbm>>) target(%dma_start3A_15 : memref<128x128xf32, #tpu.memory_space<vmem>>) offsets(%dma_start3A_18 : memref<128xi32, #tpu.memory_space<vmem>>) semaphore(%arg7 : memref<!tpu.dma_semaphore, #tpu.memory_space<semaphore_mem>>)
    %dma_start3A_22 = arith.constant 2 : i32
    %dma_start3A_23 = arith.constant 256 : i32
    %dma_start3A_24 = arith.constant 0 : i32
    %dma_start3A_25 = tpu.memref_slice %arg6[%dma_start3A_23, %dma_start3A_24] : memref<768x128xf32, #tpu.memory_space<vmem>> -> memref<128x128xf32, #tpu.memory_space<vmem>>
    %dma_start3A_26 = arith.constant 0 : i32
    %dma_start3A_27 = tpu.memref_slice %arg5[%dma_start3A_22, %dma_start3A_26] : memref<6x128xi32, #tpu.memory_space<vmem>> -> memref<1x128xi32, #tpu.memory_space<vmem>>
    %dma_start3A_28 = tpu.memref_squeeze %dma_start3A_27 : memref<1x128xi32, #tpu.memory_space<vmem>> -> memref<128xi32, #tpu.memory_space<vmem>>
    %dma_start3A_29 = arith.constant 0 : i32
    %dma_start3A_30 = arith.constant 0 : i32
    %dma_start3A_31 = tpu.memref_slice %arg2[%dma_start3A_29, %dma_start3A_30] : memref<24576x128xf32, #tpu.memory_space<hbm>> -> memref<24576x128xf32, #tpu.memory_space<hbm>>
    tpu.enqueue_indirect_dma source(%dma_start3A_31 : memref<24576x128xf32, #tpu.memory_space<hbm>>) target(%dma_start3A_25 : memref<128x128xf32, #tpu.memory_space<vmem>>) offsets(%dma_start3A_28 : memref<128xi32, #tpu.memory_space<vmem>>) semaphore(%arg7 : memref<!tpu.dma_semaphore, #tpu.memory_space<semaphore_mem>>)
    %dma_start3A_32 = arith.constant 3 : i32
    %dma_start3A_33 = arith.constant 384 : i32
    %dma_start3A_34 = arith.constant 0 : i32
    %dma_start3A_35 = tpu.memref_slice %arg6[%dma_start3A_33, %dma_start3A_34] : memref<768x128xf32, #tpu.memory_space<vmem>> -> memref<128x128xf32, #tpu.memory_space<vmem>>
    %dma_start3A_36 = arith.constant 0 : i32
    %dma_start3A_37 = tpu.memref_slice %arg5[%dma_start3A_32, %dma_start3A_36] : memref<6x128xi32, #tpu.memory_space<vmem>> -> memref<1x128xi32, #tpu.memory_space<vmem>>
    %dma_start3A_38 = tpu.memref_squeeze %dma_start3A_37 : memref<1x128xi32, #tpu.memory_space<vmem>> -> memref<128xi32, #tpu.memory_space<vmem>>
    %dma_start3A_39 = arith.constant 0 : i32
    %dma_start3A_40 = arith.constant 0 : i32
    %dma_start3A_41 = tpu.memref_slice %arg2[%dma_start3A_39, %dma_start3A_40] : memref<24576x128xf32, #tpu.memory_space<hbm>> -> memref<24576x128xf32, #tpu.memory_space<hbm>>
    tpu.enqueue_indirect_dma source(%dma_start3A_41 : memref<24576x128xf32, #tpu.memory_space<hbm>>) target(%dma_start3A_35 : memref<128x128xf32, #tpu.memory_space<vmem>>) offsets(%dma_start3A_38 : memref<128xi32, #tpu.memory_space<vmem>>) semaphore(%arg7 : memref<!tpu.dma_semaphore, #tpu.memory_space<semaphore_mem>>)
    %dma_start3A_42 = arith.constant 4 : i32
    %dma_start3A_43 = arith.constant 512 : i32
    %dma_start3A_44 = arith.constant 0 : i32
    %dma_start3A_45 = tpu.memref_slice %arg6[%dma_start3A_43, %dma_start3A_44] : memref<768x128xf32, #tpu.memory_space<vmem>> -> memref<128x128xf32, #tpu.memory_space<vmem>>
    %dma_start3A_46 = arith.constant 0 : i32
    %dma_start3A_47 = tpu.memref_slice %arg5[%dma_start3A_42, %dma_start3A_46] : memref<6x128xi32, #tpu.memory_space<vmem>> -> memref<1x128xi32, #tpu.memory_space<vmem>>
    %dma_start3A_48 = tpu.memref_squeeze %dma_start3A_47 : memref<1x128xi32, #tpu.memory_space<vmem>> -> memref<128xi32, #tpu.memory_space<vmem>>
    %dma_start3A_49 = arith.constant 0 : i32
    %dma_start3A_50 = arith.constant 0 : i32
    %dma_start3A_51 = tpu.memref_slice %arg2[%dma_start3A_49, %dma_start3A_50] : memref<24576x128xf32, #tpu.memory_space<hbm>> -> memref<24576x128xf32, #tpu.memory_space<hbm>>
    tpu.enqueue_indirect_dma source(%dma_start3A_51 : memref<24576x128xf32, #tpu.memory_space<hbm>>) target(%dma_start3A_45 : memref<128x128xf32, #tpu.memory_space<vmem>>) offsets(%dma_start3A_48 : memref<128xi32, #tpu.memory_space<vmem>>) semaphore(%arg7 : memref<!tpu.dma_semaphore, #tpu.memory_space<semaphore_mem>>)
    %dma_start3A_52 = arith.constant 5 : i32
    %dma_start3A_53 = arith.constant 640 : i32
    %dma_start3A_54 = arith.constant 0 : i32
    %dma_start3A_55 = tpu.memref_slice %arg6[%dma_start3A_53, %dma_start3A_54] : memref<768x128xf32, #tpu.memory_space<vmem>> -> memref<128x128xf32, #tpu.memory_space<vmem>>
    %dma_start3A_56 = arith.constant 0 : i32
    %dma_start3A_57 = tpu.memref_slice %arg5[%dma_start3A_52, %dma_start3A_56] : memref<6x128xi32, #tpu.memory_space<vmem>> -> memref<1x128xi32, #tpu.memory_space<vmem>>
    %dma_start3A_58 = tpu.memref_squeeze %dma_start3A_57 : memref<1x128xi32, #tpu.memory_space<vmem>> -> memref<128xi32, #tpu.memory_space<vmem>>
    %dma_start3A_59 = arith.constant 0 : i32
    %dma_start3A_60 = arith.constant 0 : i32
    %dma_start3A_61 = tpu.memref_slice %arg2[%dma_start3A_59, %dma_start3A_60] : memref<24576x128xf32, #tpu.memory_space<hbm>> -> memref<24576x128xf32, #tpu.memory_space<hbm>>
    tpu.enqueue_indirect_dma source(%dma_start3A_61 : memref<24576x128xf32, #tpu.memory_space<hbm>>) target(%dma_start3A_55 : memref<128x128xf32, #tpu.memory_space<vmem>>) offsets(%dma_start3A_58 : memref<128xi32, #tpu.memory_space<vmem>>) semaphore(%arg7 : memref<!tpu.dma_semaphore, #tpu.memory_space<semaphore_mem>>)
    %dma_wait3A = arith.constant 0 : i32
    %dma_wait3A_62 = arith.constant 0 : i32
    %dma_wait3A_63 = arith.constant 0 : i32
    %dma_wait3A_64 = tpu.memref_slice %arg6[%dma_wait3A_62, %dma_wait3A_63] : memref<768x128xf32, #tpu.memory_space<vmem>> -> memref<128x128xf32, #tpu.memory_space<vmem>>
    %dma_wait3A_65 = arith.constant 0 : i32
    %dma_wait3A_66 = tpu.memref_slice %arg5[%dma_wait3A, %dma_wait3A_65] : memref<6x128xi32, #tpu.memory_space<vmem>> -> memref<1x128xi32, #tpu.memory_space<vmem>>
    %dma_wait3A_67 = tpu.memref_squeeze %dma_wait3A_66 : memref<1x128xi32, #tpu.memory_space<vmem>> -> memref<128xi32, #tpu.memory_space<vmem>>
    %dma_wait3A_68 = arith.constant 0 : i32
    %dma_wait3A_69 = arith.constant 0 : i32
    %dma_wait3A_70 = tpu.memref_slice %arg2[%dma_wait3A_68, %dma_wait3A_69] : memref<24576x128xf32, #tpu.memory_space<hbm>> -> memref<24576x128xf32, #tpu.memory_space<hbm>>
    tpu.wait_indirect_dma semaphore(%arg7 : memref<!tpu.dma_semaphore, #tpu.memory_space<semaphore_mem>>) src(%dma_wait3A_70 : memref<24576x128xf32, #tpu.memory_space<hbm>>) dst(%dma_wait3A_64 : memref<128x128xf32, #tpu.memory_space<vmem>>)
    %dma_wait3A_71 = arith.constant 1 : i32
    %dma_wait3A_72 = arith.constant 128 : i32
    %dma_wait3A_73 = arith.constant 0 : i32
    %dma_wait3A_74 = tpu.memref_slice %arg6[%dma_wait3A_72, %dma_wait3A_73] : memref<768x128xf32, #tpu.memory_space<vmem>> -> memref<128x128xf32, #tpu.memory_space<vmem>>
    %dma_wait3A_75 = arith.constant 0 : i32
    %dma_wait3A_76 = tpu.memref_slice %arg5[%dma_wait3A_71, %dma_wait3A_75] : memref<6x128xi32, #tpu.memory_space<vmem>> -> memref<1x128xi32, #tpu.memory_space<vmem>>
    %dma_wait3A_77 = tpu.memref_squeeze %dma_wait3A_76 : memref<1x128xi32, #tpu.memory_space<vmem>> -> memref<128xi32, #tpu.memory_space<vmem>>
    %dma_wait3A_78 = arith.constant 0 : i32
    %dma_wait3A_79 = arith.constant 0 : i32
    %dma_wait3A_80 = tpu.memref_slice %arg2[%dma_wait3A_78, %dma_wait3A_79] : memref<24576x128xf32, #tpu.memory_space<hbm>> -> memref<24576x128xf32, #tpu.memory_space<hbm>>
    tpu.wait_indirect_dma semaphore(%arg7 : memref<!tpu.dma_semaphore, #tpu.memory_space<semaphore_mem>>) src(%dma_wait3A_80 : memref<24576x128xf32, #tpu.memory_space<hbm>>) dst(%dma_wait3A_74 : memref<128x128xf32, #tpu.memory_space<vmem>>)
    %dma_wait3A_81 = arith.constant 2 : i32
    %dma_wait3A_82 = arith.constant 256 : i32
    %dma_wait3A_83 = arith.constant 0 : i32
    %dma_wait3A_84 = tpu.memref_slice %arg6[%dma_wait3A_82, %dma_wait3A_83] : memref<768x128xf32, #tpu.memory_space<vmem>> -> memref<128x128xf32, #tpu.memory_space<vmem>>
    %dma_wait3A_85 = arith.constant 0 : i32
    %dma_wait3A_86 = tpu.memref_slice %arg5[%dma_wait3A_81, %dma_wait3A_85] : memref<6x128xi32, #tpu.memory_space<vmem>> -> memref<1x128xi32, #tpu.memory_space<vmem>>
    %dma_wait3A_87 = tpu.memref_squeeze %dma_wait3A_86 : memref<1x128xi32, #tpu.memory_space<vmem>> -> memref<128xi32, #tpu.memory_space<vmem>>
    %dma_wait3A_88 = arith.constant 0 : i32
    %dma_wait3A_89 = arith.constant 0 : i32
    %dma_wait3A_90 = tpu.memref_slice %arg2[%dma_wait3A_88, %dma_wait3A_89] : memref<24576x128xf32, #tpu.memory_space<hbm>> -> memref<24576x128xf32, #tpu.memory_space<hbm>>
    tpu.wait_indirect_dma semaphore(%arg7 : memref<!tpu.dma_semaphore, #tpu.memory_space<semaphore_mem>>) src(%dma_wait3A_90 : memref<24576x128xf32, #tpu.memory_space<hbm>>) dst(%dma_wait3A_84 : memref<128x128xf32, #tpu.memory_space<vmem>>)
    %dma_wait3A_91 = arith.constant 3 : i32
    %dma_wait3A_92 = arith.constant 384 : i32
    %dma_wait3A_93 = arith.constant 0 : i32
    %dma_wait3A_94 = tpu.memref_slice %arg6[%dma_wait3A_92, %dma_wait3A_93] : memref<768x128xf32, #tpu.memory_space<vmem>> -> memref<128x128xf32, #tpu.memory_space<vmem>>
    %dma_wait3A_95 = arith.constant 0 : i32
    %dma_wait3A_96 = tpu.memref_slice %arg5[%dma_wait3A_91, %dma_wait3A_95] : memref<6x128xi32, #tpu.memory_space<vmem>> -> memref<1x128xi32, #tpu.memory_space<vmem>>
    %dma_wait3A_97 = tpu.memref_squeeze %dma_wait3A_96 : memref<1x128xi32, #tpu.memory_space<vmem>> -> memref<128xi32, #tpu.memory_space<vmem>>
    %dma_wait3A_98 = arith.constant 0 : i32
    %dma_wait3A_99 = arith.constant 0 : i32
    %dma_wait3A_100 = tpu.memref_slice %arg2[%dma_wait3A_98, %dma_wait3A_99] : memref<24576x128xf32, #tpu.memory_space<hbm>> -> memref<24576x128xf32, #tpu.memory_space<hbm>>
    tpu.wait_indirect_dma semaphore(%arg7 : memref<!tpu.dma_semaphore, #tpu.memory_space<semaphore_mem>>) src(%dma_wait3A_100 : memref<24576x128xf32, #tpu.memory_space<hbm>>) dst(%dma_wait3A_94 : memref<128x128xf32, #tpu.memory_space<vmem>>)
    %dma_wait3A_101 = arith.constant 4 : i32
    %dma_wait3A_102 = arith.constant 512 : i32
    %dma_wait3A_103 = arith.constant 0 : i32
    %dma_wait3A_104 = tpu.memref_slice %arg6[%dma_wait3A_102, %dma_wait3A_103] : memref<768x128xf32, #tpu.memory_space<vmem>> -> memref<128x128xf32, #tpu.memory_space<vmem>>
    %dma_wait3A_105 = arith.constant 0 : i32
    %dma_wait3A_106 = tpu.memref_slice %arg5[%dma_wait3A_101, %dma_wait3A_105] : memref<6x128xi32, #tpu.memory_space<vmem>> -> memref<1x128xi32, #tpu.memory_space<vmem>>
    %dma_wait3A_107 = tpu.memref_squeeze %dma_wait3A_106 : memref<1x128xi32, #tpu.memory_space<vmem>> -> memref<128xi32, #tpu.memory_space<vmem>>
    %dma_wait3A_108 = arith.constant 0 : i32
    %dma_wait3A_109 = arith.constant 0 : i32
    %dma_wait3A_110 = tpu.memref_slice %arg2[%dma_wait3A_108, %dma_wait3A_109] : memref<24576x128xf32, #tpu.memory_space<hbm>> -> memref<24576x128xf32, #tpu.memory_space<hbm>>
    tpu.wait_indirect_dma semaphore(%arg7 : memref<!tpu.dma_semaphore, #tpu.memory_space<semaphore_mem>>) src(%dma_wait3A_110 : memref<24576x128xf32, #tpu.memory_space<hbm>>) dst(%dma_wait3A_104 : memref<128x128xf32, #tpu.memory_space<vmem>>)
    %dma_wait3A_111 = arith.constant 5 : i32
    %dma_wait3A_112 = arith.constant 640 : i32
    %dma_wait3A_113 = arith.constant 0 : i32
    %dma_wait3A_114 = tpu.memref_slice %arg6[%dma_wait3A_112, %dma_wait3A_113] : memref<768x128xf32, #tpu.memory_space<vmem>> -> memref<128x128xf32, #tpu.memory_space<vmem>>
    %dma_wait3A_115 = arith.constant 0 : i32
    %dma_wait3A_116 = tpu.memref_slice %arg5[%dma_wait3A_111, %dma_wait3A_115] : memref<6x128xi32, #tpu.memory_space<vmem>> -> memref<1x128xi32, #tpu.memory_space<vmem>>
    %dma_wait3A_117 = tpu.memref_squeeze %dma_wait3A_116 : memref<1x128xi32, #tpu.memory_space<vmem>> -> memref<128xi32, #tpu.memory_space<vmem>>
    %dma_wait3A_118 = arith.constant 0 : i32
    %dma_wait3A_119 = arith.constant 0 : i32
    %dma_wait3A_120 = tpu.memref_slice %arg2[%dma_wait3A_118, %dma_wait3A_119] : memref<24576x128xf32, #tpu.memory_space<hbm>> -> memref<24576x128xf32, #tpu.memory_space<hbm>>
    tpu.wait_indirect_dma semaphore(%arg7 : memref<!tpu.dma_semaphore, #tpu.memory_space<semaphore_mem>>) src(%dma_wait3A_120 : memref<24576x128xf32, #tpu.memory_space<hbm>>) dst(%dma_wait3A_114 : memref<128x128xf32, #tpu.memory_space<vmem>>)
    "tpu.region"() ({
      %run_scoped3A = tpu.sem_alloc : memref<!tpu.dma_semaphore, #tpu.memory_space<semaphore_mem>>
      %dma_start3A_121 = arith.constant 0 : i32
      %dma_start3A_122 = tpu.memref_slice %arg4[%mul3A_2, %dma_start3A_121] : memref<24576x128xf32, #tpu.memory_space<hbm>> -> memref<768x128xf32, #tpu.memory_space<hbm>>
      %dma_start3A_123 = arith.constant 0 : i32
      %dma_start3A_124 = tpu.memref_slice %arg4[%mul3A_2, %dma_start3A_123] : memref<24576x128xf32, #tpu.memory_space<hbm>> -> memref<768x128xf32, #tpu.memory_space<hbm>>
      tpu.enqueue_dma source(%arg6 : memref<768x128xf32, #tpu.memory_space<vmem>>) target(%dma_start3A_124 : memref<768x128xf32, #tpu.memory_space<hbm>>) target_semaphore(%run_scoped3A : memref<!tpu.dma_semaphore, #tpu.memory_space<semaphore_mem>>)
      %dma_wait3A_125 = arith.constant 0 : i32
      %dma_wait3A_126 = tpu.memref_slice %arg4[%mul3A_2, %dma_wait3A_125] : memref<24576x128xf32, #tpu.memory_space<hbm>> -> memref<768x128xf32, #tpu.memory_space<hbm>>
      %dma_wait3A_127 = arith.constant 0 : i32
      %dma_wait3A_128 = tpu.memref_slice %arg4[%mul3A_2, %dma_wait3A_127] : memref<24576x128xf32, #tpu.memory_space<hbm>> -> memref<768x128xf32, #tpu.memory_space<hbm>>
      tpu.wait_dma2 semaphore(%run_scoped3A : memref<!tpu.dma_semaphore, #tpu.memory_space<semaphore_mem>>) src(%arg6 : memref<768x128xf32, #tpu.memory_space<vmem>>) dst(%dma_wait3A_128 : memref<768x128xf32, #tpu.memory_space<hbm>>)
      tpu.yield
    }) : () -> ()
    return
  }
}

module attributes {stable_mosaic.version = 14 : i64} {
  func.func @_ranks_body(%arg0: i32, %arg1: memref<1x16x128xi32, #tpu.memory_space<vmem>>, %arg2: memref<1x16x128xi32, #tpu.memory_space<vmem>>, %arg3: memref<2048x128xf32, #tpu.memory_space<vmem>>) attributes {dimension_semantics = [#tpu.dimension_semantics<arbitrary>], iteration_bounds = array<i64: 24>, scalar_prefetch = 0 : i64, scratch_operands = 1 : i64, tpu.core_type = #tpu.core_type<tc>, window_params = [{transform_indices = @transform_0, window_bounds = array<i64: 1, 16, 128>}, {transform_indices = @transform_1, window_bounds = array<i64: 1, 16, 128>}]} {
    %iota3A = tpu.iota {dimensions = array<i32: 0>} : vector<128x1xi32>
    %shift_right_arithmetic3A = arith.constant 1 : i32
    %shift_right_arithmetic3A_0 = vector.broadcast %shift_right_arithmetic3A : i32 to vector<128x1xi32>
    %shift_right_arithmetic3A_1 = arith.shrsi %iota3A, %shift_right_arithmetic3A_0 : vector<128x1xi32>
    %xor3A = arith.xori %iota3A, %shift_right_arithmetic3A_1 : vector<128x1xi32>
    %shift_right_arithmetic3A_2 = arith.constant 2 : i32
    %shift_right_arithmetic3A_3 = vector.broadcast %shift_right_arithmetic3A_2 : i32 to vector<128x1xi32>
    %shift_right_arithmetic3A_4 = arith.shrsi %xor3A, %shift_right_arithmetic3A_3 : vector<128x1xi32>
    %xor3A_5 = arith.xori %xor3A, %shift_right_arithmetic3A_4 : vector<128x1xi32>
    %shift_right_arithmetic3A_6 = arith.constant 4 : i32
    %shift_right_arithmetic3A_7 = vector.broadcast %shift_right_arithmetic3A_6 : i32 to vector<128x1xi32>
    %shift_right_arithmetic3A_8 = arith.shrsi %xor3A_5, %shift_right_arithmetic3A_7 : vector<128x1xi32>
    %xor3A_9 = arith.xori %xor3A_5, %shift_right_arithmetic3A_8 : vector<128x1xi32>
    %broadcast_in_dim3A = arith.constant 1.000000e+00 : f32
    %broadcast_in_dim3A_10 = vector.broadcast %broadcast_in_dim3A : f32 to vector<128x128xf32>
    %iota3A_11 = tpu.iota {dimensions = array<i32: 0>} : vector<128x128xi32>
    %add3A = arith.constant -1 : i32
    %add3A_12 = vector.broadcast %add3A : i32 to vector<128x128xi32>
    %add3A_13 = arith.addi %iota3A_11, %add3A_12 : vector<128x128xi32>
    %iota3A_14 = tpu.iota {dimensions = array<i32: 1>} : vector<128x128xi32>
    %ge3A = arith.cmpi sge, %add3A_13, %iota3A_14 : vector<128x128xi32>
    %broadcast_in_dim3A_15 = arith.constant 0.000000e+00 : f32
    %broadcast_in_dim3A_16 = vector.broadcast %broadcast_in_dim3A_15 : f32 to vector<128x128xf32>
    %select_n3A = arith.select %ge3A, %broadcast_in_dim3A_16, %broadcast_in_dim3A_10 : vector<128x128xi1>, vector<128x128xf32>
    %broadcast_in_dim3A_17 = arith.constant 1.000000e+00 : f32
    %broadcast_in_dim3A_18 = vector.broadcast %broadcast_in_dim3A_17 : f32 to vector<128x128xf32>
    %iota3A_19 = tpu.iota {dimensions = array<i32: 0>} : vector<128x128xi32>
    %add3A_20 = arith.constant -1 : i32
    %add3A_21 = vector.broadcast %add3A_20 : i32 to vector<128x128xi32>
    %add3A_22 = arith.addi %iota3A_19, %add3A_21 : vector<128x128xi32>
    %iota3A_23 = tpu.iota {dimensions = array<i32: 1>} : vector<128x128xi32>
    %ge3A_24 = arith.cmpi sge, %add3A_22, %iota3A_23 : vector<128x128xi32>
    %broadcast_in_dim3A_25 = arith.constant 0.000000e+00 : f32
    %broadcast_in_dim3A_26 = vector.broadcast %broadcast_in_dim3A_25 : f32 to vector<128x128xf32>
    %select_n3A_27 = arith.select %ge3A_24, %broadcast_in_dim3A_18, %broadcast_in_dim3A_26 : vector<128x128xi1>, vector<128x128xf32>
    %broadcast_in_dim3A_28 = arith.constant 0.000000e+00 : f32
    %broadcast_in_dim3A_29 = vector.broadcast %broadcast_in_dim3A_28 : f32 to vector<128x1xf32>
    %get3A = arith.constant 0 : index
    %get3A_30 = arith.constant 0 : index
    %get3A_31 = arith.constant 0 : index
    %get3A_32 = vector.load %arg1[%get3A, %get3A_30, %get3A_31] : memref<1x16x128xi32, #tpu.memory_space<vmem>>, vector<1x1x128xi32>
    %get3A_33 = vector.shape_cast %get3A_32 : vector<1x1x128xi32> to vector<1x128xi32>
    %eq3A = vector.broadcast %xor3A_9 : vector<128x1xi32> to vector<128x128xi32>
    %eq3A_34 = vector.broadcast %get3A_33 : vector<1x128xi32> to vector<128x128xi32>
    %eq3A_35 = arith.cmpi eq, %eq3A, %eq3A_34 : vector<128x128xi32>
    %convert_element_type3A = arith.extui %eq3A_35 : vector<128x128xi1> to vector<128x128xi32>
    %convert_element_type3A_36 = arith.sitofp %convert_element_type3A : vector<128x128xi32> to vector<128x128xf32>
    %dot_general3A = arith.constant dense<0.000000e+00> : vector<128x128xf32>
    %dot_general3A_37 = tpu.matmul %convert_element_type3A_36, %select_n3A, %dot_general3A {dimension_numbers = #tpu.dot_dimension_numbers<[1], [0], [0], [1], [0, 0, 1, 1], [], []>, transpose_lhs_hint = false} : vector<128x128xf32>, vector<128x128xf32>, vector<128x128xf32> -> vector<128x128xf32>
    %add3A_38 = vector.broadcast %broadcast_in_dim3A_29 : vector<128x1xf32> to vector<128x128xf32>
    %add3A_39 = arith.addf %dot_general3A_37, %add3A_38 : vector<128x128xf32>
    %swap3A = arith.constant 0 : index
    %swap3A_40 = arith.constant 0 : index
    %swap3A_41 = vector.load %arg3[%swap3A, %swap3A_40] : memref<2048x128xf32, #tpu.memory_space<vmem>>, vector<128x128xf32>
    tpu.vector_store %arg3[%swap3A, %swap3A_40], %add3A_39 {strides = array<i32>} : memref<2048x128xf32, #tpu.memory_space<vmem>>, vector<128x128xf32>,
    %reduce_sum3A = arith.constant dense<0.000000e+00> : vector<128xf32>
    %reduce_sum3A_42 = vector.multi_reduction <add>, %convert_element_type3A_36, %reduce_sum3A [1] : vector<128x128xf32> to vector<128xf32>
    %broadcast_in_dim3A_43 = vector.shape_cast %reduce_sum3A_42 : vector<128xf32> to vector<128x1xf32>
    %add3A_44 = arith.addf %broadcast_in_dim3A_29, %broadcast_in_dim3A_43 : vector<128x1xf32>
    %get3A_45 = arith.constant 0 : index
    %get3A_46 = arith.constant 1 : index
    %get3A_47 = arith.constant 0 : index
    %get3A_48 = vector.load %arg1[%get3A_45, %get3A_46, %get3A_47] : memref<1x16x128xi32, #tpu.memory_space<vmem>>, vector<1x1x128xi32>
    %get3A_49 = vector.shape_cast %get3A_48 : vector<1x1x128xi32> to vector<1x128xi32>
    %eq3A_50 = vector.broadcast %xor3A_9 : vector<128x1xi32> to vector<128x128xi32>
    %eq3A_51 = vector.broadcast %get3A_49 : vector<1x128xi32> to vector<128x128xi32>
    %eq3A_52 = arith.cmpi eq, %eq3A_50, %eq3A_51 : vector<128x128xi32>
    %convert_element_type3A_53 = arith.extui %eq3A_52 : vector<128x128xi1> to vector<128x128xi32>
    %convert_element_type3A_54 = arith.sitofp %convert_element_type3A_53 : vector<128x128xi32> to vector<128x128xf32>
    %dot_general3A_55 = arith.constant dense<0.000000e+00> : vector<128x128xf32>
    %dot_general3A_56 = tpu.matmul %convert_element_type3A_54, %select_n3A, %dot_general3A_55 {dimension_numbers = #tpu.dot_dimension_numbers<[1], [0], [0], [1], [0, 0, 1, 1], [], []>, transpose_lhs_hint = false} : vector<128x128xf32>, vector<128x128xf32>, vector<128x128xf32> -> vector<128x128xf32>
    %add3A_57 = vector.broadcast %add3A_44 : vector<128x1xf32> to vector<128x128xf32>
    %add3A_58 = arith.addf %dot_general3A_56, %add3A_57 : vector<128x128xf32>
    %swap3A_59 = arith.constant 128 : index
    %swap3A_60 = arith.constant 0 : index
    %swap3A_61 = vector.load %arg3[%swap3A_59, %swap3A_60] : memref<2048x128xf32, #tpu.memory_space<vmem>>, vector<128x128xf32>
    tpu.vector_store %arg3[%swap3A_59, %swap3A_60], %add3A_58 {strides = array<i32>} : memref<2048x128xf32, #tpu.memory_space<vmem>>, vector<128x128xf32>,
    %reduce_sum3A_62 = arith.constant dense<0.000000e+00> : vector<128xf32>
    %reduce_sum3A_63 = vector.multi_reduction <add>, %convert_element_type3A_54, %reduce_sum3A_62 [1] : vector<128x128xf32> to vector<128xf32>
    %broadcast_in_dim3A_64 = vector.shape_cast %reduce_sum3A_63 : vector<128xf32> to vector<128x1xf32>
    %add3A_65 = arith.addf %add3A_44, %broadcast_in_dim3A_64 : vector<128x1xf32>
    %get3A_66 = arith.constant 0 : index
    %get3A_67 = arith.constant 2 : index
    %get3A_68 = arith.constant 0 : index
    %get3A_69 = vector.load %arg1[%get3A_66, %get3A_67, %get3A_68] : memref<1x16x128xi32, #tpu.memory_space<vmem>>, vector<1x1x128xi32>
    %get3A_70 = vector.shape_cast %get3A_69 : vector<1x1x128xi32> to vector<1x128xi32>
    %eq3A_71 = vector.broadcast %xor3A_9 : vector<128x1xi32> to vector<128x128xi32>
    %eq3A_72 = vector.broadcast %get3A_70 : vector<1x128xi32> to vector<128x128xi32>
    %eq3A_73 = arith.cmpi eq, %eq3A_71, %eq3A_72 : vector<128x128xi32>
    %convert_element_type3A_74 = arith.extui %eq3A_73 : vector<128x128xi1> to vector<128x128xi32>
    %convert_element_type3A_75 = arith.sitofp %convert_element_type3A_74 : vector<128x128xi32> to vector<128x128xf32>
    %dot_general3A_76 = arith.constant dense<0.000000e+00> : vector<128x128xf32>
    %dot_general3A_77 = tpu.matmul %convert_element_type3A_75, %select_n3A, %dot_general3A_76 {dimension_numbers = #tpu.dot_dimension_numbers<[1], [0], [0], [1], [0, 0, 1, 1], [], []>, transpose_lhs_hint = false} : vector<128x128xf32>, vector<128x128xf32>, vector<128x128xf32> -> vector<128x128xf32>
    %add3A_78 = vector.broadcast %add3A_65 : vector<128x1xf32> to vector<128x128xf32>
    %add3A_79 = arith.addf %dot_general3A_77, %add3A_78 : vector<128x128xf32>
    %swap3A_80 = arith.constant 256 : index
    %swap3A_81 = arith.constant 0 : index
    %swap3A_82 = vector.load %arg3[%swap3A_80, %swap3A_81] : memref<2048x128xf32, #tpu.memory_space<vmem>>, vector<128x128xf32>
    tpu.vector_store %arg3[%swap3A_80, %swap3A_81], %add3A_79 {strides = array<i32>} : memref<2048x128xf32, #tpu.memory_space<vmem>>, vector<128x128xf32>,
    %reduce_sum3A_83 = arith.constant dense<0.000000e+00> : vector<128xf32>
    %reduce_sum3A_84 = vector.multi_reduction <add>, %convert_element_type3A_75, %reduce_sum3A_83 [1] : vector<128x128xf32> to vector<128xf32>
    %broadcast_in_dim3A_85 = vector.shape_cast %reduce_sum3A_84 : vector<128xf32> to vector<128x1xf32>
    %add3A_86 = arith.addf %add3A_65, %broadcast_in_dim3A_85 : vector<128x1xf32>
    %get3A_87 = arith.constant 0 : index
    %get3A_88 = arith.constant 3 : index
    %get3A_89 = arith.constant 0 : index
    %get3A_90 = vector.load %arg1[%get3A_87, %get3A_88, %get3A_89] : memref<1x16x128xi32, #tpu.memory_space<vmem>>, vector<1x1x128xi32>
    %get3A_91 = vector.shape_cast %get3A_90 : vector<1x1x128xi32> to vector<1x128xi32>
    %eq3A_92 = vector.broadcast %xor3A_9 : vector<128x1xi32> to vector<128x128xi32>
    %eq3A_93 = vector.broadcast %get3A_91 : vector<1x128xi32> to vector<128x128xi32>
    %eq3A_94 = arith.cmpi eq, %eq3A_92, %eq3A_93 : vector<128x128xi32>
    %convert_element_type3A_95 = arith.extui %eq3A_94 : vector<128x128xi1> to vector<128x128xi32>
    %convert_element_type3A_96 = arith.sitofp %convert_element_type3A_95 : vector<128x128xi32> to vector<128x128xf32>
    %dot_general3A_97 = arith.constant dense<0.000000e+00> : vector<128x128xf32>
    %dot_general3A_98 = tpu.matmul %convert_element_type3A_96, %select_n3A, %dot_general3A_97 {dimension_numbers = #tpu.dot_dimension_numbers<[1], [0], [0], [1], [0, 0, 1, 1], [], []>, transpose_lhs_hint = false} : vector<128x128xf32>, vector<128x128xf32>, vector<128x128xf32> -> vector<128x128xf32>
    %add3A_99 = vector.broadcast %add3A_86 : vector<128x1xf32> to vector<128x128xf32>
    %add3A_100 = arith.addf %dot_general3A_98, %add3A_99 : vector<128x128xf32>
    %swap3A_101 = arith.constant 384 : index
    %swap3A_102 = arith.constant 0 : index
    %swap3A_103 = vector.load %arg3[%swap3A_101, %swap3A_102] : memref<2048x128xf32, #tpu.memory_space<vmem>>, vector<128x128xf32>
    tpu.vector_store %arg3[%swap3A_101, %swap3A_102], %add3A_100 {strides = array<i32>} : memref<2048x128xf32, #tpu.memory_space<vmem>>, vector<128x128xf32>,
    %reduce_sum3A_104 = arith.constant dense<0.000000e+00> : vector<128xf32>
    %reduce_sum3A_105 = vector.multi_reduction <add>, %convert_element_type3A_96, %reduce_sum3A_104 [1] : vector<128x128xf32> to vector<128xf32>
    %broadcast_in_dim3A_106 = vector.shape_cast %reduce_sum3A_105 : vector<128xf32> to vector<128x1xf32>
    %add3A_107 = arith.addf %add3A_86, %broadcast_in_dim3A_106 : vector<128x1xf32>
    %get3A_108 = arith.constant 0 : index
    %get3A_109 = arith.constant 4 : index
    %get3A_110 = arith.constant 0 : index
    %get3A_111 = vector.load %arg1[%get3A_108, %get3A_109, %get3A_110] : memref<1x16x128xi32, #tpu.memory_space<vmem>>, vector<1x1x128xi32>
    %get3A_112 = vector.shape_cast %get3A_111 : vector<1x1x128xi32> to vector<1x128xi32>
    %eq3A_113 = vector.broadcast %xor3A_9 : vector<128x1xi32> to vector<128x128xi32>
    %eq3A_114 = vector.broadcast %get3A_112 : vector<1x128xi32> to vector<128x128xi32>
    %eq3A_115 = arith.cmpi eq, %eq3A_113, %eq3A_114 : vector<128x128xi32>
    %convert_element_type3A_116 = arith.extui %eq3A_115 : vector<128x128xi1> to vector<128x128xi32>
    %convert_element_type3A_117 = arith.sitofp %convert_element_type3A_116 : vector<128x128xi32> to vector<128x128xf32>
    %dot_general3A_118 = arith.constant dense<0.000000e+00> : vector<128x128xf32>
    %dot_general3A_119 = tpu.matmul %convert_element_type3A_117, %select_n3A, %dot_general3A_118 {dimension_numbers = #tpu.dot_dimension_numbers<[1], [0], [0], [1], [0, 0, 1, 1], [], []>, transpose_lhs_hint = false} : vector<128x128xf32>, vector<128x128xf32>, vector<128x128xf32> -> vector<128x128xf32>
    %add3A_120 = vector.broadcast %add3A_107 : vector<128x1xf32> to vector<128x128xf32>
    %add3A_121 = arith.addf %dot_general3A_119, %add3A_120 : vector<128x128xf32>
    %swap3A_122 = arith.constant 512 : index
    %swap3A_123 = arith.constant 0 : index
    %swap3A_124 = vector.load %arg3[%swap3A_122, %swap3A_123] : memref<2048x128xf32, #tpu.memory_space<vmem>>, vector<128x128xf32>
    tpu.vector_store %arg3[%swap3A_122, %swap3A_123], %add3A_121 {strides = array<i32>} : memref<2048x128xf32, #tpu.memory_space<vmem>>, vector<128x128xf32>,
    %reduce_sum3A_125 = arith.constant dense<0.000000e+00> : vector<128xf32>
    %reduce_sum3A_126 = vector.multi_reduction <add>, %convert_element_type3A_117, %reduce_sum3A_125 [1] : vector<128x128xf32> to vector<128xf32>
    %broadcast_in_dim3A_127 = vector.shape_cast %reduce_sum3A_126 : vector<128xf32> to vector<128x1xf32>
    %add3A_128 = arith.addf %add3A_107, %broadcast_in_dim3A_127 : vector<128x1xf32>
    %get3A_129 = arith.constant 0 : index
    %get3A_130 = arith.constant 5 : index
    %get3A_131 = arith.constant 0 : index
    %get3A_132 = vector.load %arg1[%get3A_129, %get3A_130, %get3A_131] : memref<1x16x128xi32, #tpu.memory_space<vmem>>, vector<1x1x128xi32>
    %get3A_133 = vector.shape_cast %get3A_132 : vector<1x1x128xi32> to vector<1x128xi32>
    %eq3A_134 = vector.broadcast %xor3A_9 : vector<128x1xi32> to vector<128x128xi32>
    %eq3A_135 = vector.broadcast %get3A_133 : vector<1x128xi32> to vector<128x128xi32>
    %eq3A_136 = arith.cmpi eq, %eq3A_134, %eq3A_135 : vector<128x128xi32>
    %convert_element_type3A_137 = arith.extui %eq3A_136 : vector<128x128xi1> to vector<128x128xi32>
    %convert_element_type3A_138 = arith.sitofp %convert_element_type3A_137 : vector<128x128xi32> to vector<128x128xf32>
    %dot_general3A_139 = arith.constant dense<0.000000e+00> : vector<128x128xf32>
    %dot_general3A_140 = tpu.matmul %convert_element_type3A_138, %select_n3A, %dot_general3A_139 {dimension_numbers = #tpu.dot_dimension_numbers<[1], [0], [0], [1], [0, 0, 1, 1], [], []>, transpose_lhs_hint = false} : vector<128x128xf32>, vector<128x128xf32>, vector<128x128xf32> -> vector<128x128xf32>
    %add3A_141 = vector.broadcast %add3A_128 : vector<128x1xf32> to vector<128x128xf32>
    %add3A_142 = arith.addf %dot_general3A_140, %add3A_141 : vector<128x128xf32>
    %swap3A_143 = arith.constant 640 : index
    %swap3A_144 = arith.constant 0 : index
    %swap3A_145 = vector.load %arg3[%swap3A_143, %swap3A_144] : memref<2048x128xf32, #tpu.memory_space<vmem>>, vector<128x128xf32>
    tpu.vector_store %arg3[%swap3A_143, %swap3A_144], %add3A_142 {strides = array<i32>} : memref<2048x128xf32, #tpu.memory_space<vmem>>, vector<128x128xf32>,
    %reduce_sum3A_146 = arith.constant dense<0.000000e+00> : vector<128xf32>
    %reduce_sum3A_147 = vector.multi_reduction <add>, %convert_element_type3A_138, %reduce_sum3A_146 [1] : vector<128x128xf32> to vector<128xf32>
    %broadcast_in_dim3A_148 = vector.shape_cast %reduce_sum3A_147 : vector<128xf32> to vector<128x1xf32>
    %add3A_149 = arith.addf %add3A_128, %broadcast_in_dim3A_148 : vector<128x1xf32>
    %get3A_150 = arith.constant 0 : index
    %get3A_151 = arith.constant 6 : index
    %get3A_152 = arith.constant 0 : index
    %get3A_153 = vector.load %arg1[%get3A_150, %get3A_151, %get3A_152] : memref<1x16x128xi32, #tpu.memory_space<vmem>>, vector<1x1x128xi32>
    %get3A_154 = vector.shape_cast %get3A_153 : vector<1x1x128xi32> to vector<1x128xi32>
    %eq3A_155 = vector.broadcast %xor3A_9 : vector<128x1xi32> to vector<128x128xi32>
    %eq3A_156 = vector.broadcast %get3A_154 : vector<1x128xi32> to vector<128x128xi32>
    %eq3A_157 = arith.cmpi eq, %eq3A_155, %eq3A_156 : vector<128x128xi32>
    %convert_element_type3A_158 = arith.extui %eq3A_157 : vector<128x128xi1> to vector<128x128xi32>
    %convert_element_type3A_159 = arith.sitofp %convert_element_type3A_158 : vector<128x128xi32> to vector<128x128xf32>
    %dot_general3A_160 = arith.constant dense<0.000000e+00> : vector<128x128xf32>
    %dot_general3A_161 = tpu.matmul %convert_element_type3A_159, %select_n3A, %dot_general3A_160 {dimension_numbers = #tpu.dot_dimension_numbers<[1], [0], [0], [1], [0, 0, 1, 1], [], []>, transpose_lhs_hint = false} : vector<128x128xf32>, vector<128x128xf32>, vector<128x128xf32> -> vector<128x128xf32>
    %add3A_162 = vector.broadcast %add3A_149 : vector<128x1xf32> to vector<128x128xf32>
    %add3A_163 = arith.addf %dot_general3A_161, %add3A_162 : vector<128x128xf32>
    %swap3A_164 = arith.constant 768 : index
    %swap3A_165 = arith.constant 0 : index
    %swap3A_166 = vector.load %arg3[%swap3A_164, %swap3A_165] : memref<2048x128xf32, #tpu.memory_space<vmem>>, vector<128x128xf32>
    tpu.vector_store %arg3[%swap3A_164, %swap3A_165], %add3A_163 {strides = array<i32>} : memref<2048x128xf32, #tpu.memory_space<vmem>>, vector<128x128xf32>,
    %reduce_sum3A_167 = arith.constant dense<0.000000e+00> : vector<128xf32>
    %reduce_sum3A_168 = vector.multi_reduction <add>, %convert_element_type3A_159, %reduce_sum3A_167 [1] : vector<128x128xf32> to vector<128xf32>
    %broadcast_in_dim3A_169 = vector.shape_cast %reduce_sum3A_168 : vector<128xf32> to vector<128x1xf32>
    %add3A_170 = arith.addf %add3A_149, %broadcast_in_dim3A_169 : vector<128x1xf32>
    %get3A_171 = arith.constant 0 : index
    %get3A_172 = arith.constant 7 : index
    %get3A_173 = arith.constant 0 : index
    %get3A_174 = vector.load %arg1[%get3A_171, %get3A_172, %get3A_173] : memref<1x16x128xi32, #tpu.memory_space<vmem>>, vector<1x1x128xi32>
    %get3A_175 = vector.shape_cast %get3A_174 : vector<1x1x128xi32> to vector<1x128xi32>
    %eq3A_176 = vector.broadcast %xor3A_9 : vector<128x1xi32> to vector<128x128xi32>
    %eq3A_177 = vector.broadcast %get3A_175 : vector<1x128xi32> to vector<128x128xi32>
    %eq3A_178 = arith.cmpi eq, %eq3A_176, %eq3A_177 : vector<128x128xi32>
    %convert_element_type3A_179 = arith.extui %eq3A_178 : vector<128x128xi1> to vector<128x128xi32>
    %convert_element_type3A_180 = arith.sitofp %convert_element_type3A_179 : vector<128x128xi32> to vector<128x128xf32>
    %dot_general3A_181 = arith.constant dense<0.000000e+00> : vector<128x128xf32>
    %dot_general3A_182 = tpu.matmul %convert_element_type3A_180, %select_n3A, %dot_general3A_181 {dimension_numbers = #tpu.dot_dimension_numbers<[1], [0], [0], [1], [0, 0, 1, 1], [], []>, transpose_lhs_hint = false} : vector<128x128xf32>, vector<128x128xf32>, vector<128x128xf32> -> vector<128x128xf32>
    %add3A_183 = vector.broadcast %add3A_170 : vector<128x1xf32> to vector<128x128xf32>
    %add3A_184 = arith.addf %dot_general3A_182, %add3A_183 : vector<128x128xf32>
    %swap3A_185 = arith.constant 896 : index
    %swap3A_186 = arith.constant 0 : index
    %swap3A_187 = vector.load %arg3[%swap3A_185, %swap3A_186] : memref<2048x128xf32, #tpu.memory_space<vmem>>, vector<128x128xf32>
    tpu.vector_store %arg3[%swap3A_185, %swap3A_186], %add3A_184 {strides = array<i32>} : memref<2048x128xf32, #tpu.memory_space<vmem>>, vector<128x128xf32>,
    %reduce_sum3A_188 = arith.constant dense<0.000000e+00> : vector<128xf32>
    %reduce_sum3A_189 = vector.multi_reduction <add>, %convert_element_type3A_180, %reduce_sum3A_188 [1] : vector<128x128xf32> to vector<128xf32>
    %broadcast_in_dim3A_190 = vector.shape_cast %reduce_sum3A_189 : vector<128xf32> to vector<128x1xf32>
    %add3A_191 = arith.addf %add3A_170, %broadcast_in_dim3A_190 : vector<128x1xf32>
    %get3A_192 = arith.constant 0 : index
    %get3A_193 = arith.constant 8 : index
    %get3A_194 = arith.constant 0 : index
    %get3A_195 = vector.load %arg1[%get3A_192, %get3A_193, %get3A_194] : memref<1x16x128xi32, #tpu.memory_space<vmem>>, vector<1x1x128xi32>
    %get3A_196 = vector.shape_cast %get3A_195 : vector<1x1x128xi32> to vector<1x128xi32>
    %eq3A_197 = vector.broadcast %xor3A_9 : vector<128x1xi32> to vector<128x128xi32>
    %eq3A_198 = vector.broadcast %get3A_196 : vector<1x128xi32> to vector<128x128xi32>
    %eq3A_199 = arith.cmpi eq, %eq3A_197, %eq3A_198 : vector<128x128xi32>
    %convert_element_type3A_200 = arith.extui %eq3A_199 : vector<128x128xi1> to vector<128x128xi32>
    %convert_element_type3A_201 = arith.sitofp %convert_element_type3A_200 : vector<128x128xi32> to vector<128x128xf32>
    %dot_general3A_202 = arith.constant dense<0.000000e+00> : vector<128x128xf32>
    %dot_general3A_203 = tpu.matmul %convert_element_type3A_201, %select_n3A, %dot_general3A_202 {dimension_numbers = #tpu.dot_dimension_numbers<[1], [0], [0], [1], [0, 0, 1, 1], [], []>, transpose_lhs_hint = false} : vector<128x128xf32>, vector<128x128xf32>, vector<128x128xf32> -> vector<128x128xf32>
    %add3A_204 = vector.broadcast %add3A_191 : vector<128x1xf32> to vector<128x128xf32>
    %add3A_205 = arith.addf %dot_general3A_203, %add3A_204 : vector<128x128xf32>
    %swap3A_206 = arith.constant 1024 : index
    %swap3A_207 = arith.constant 0 : index
    %swap3A_208 = vector.load %arg3[%swap3A_206, %swap3A_207] : memref<2048x128xf32, #tpu.memory_space<vmem>>, vector<128x128xf32>
    tpu.vector_store %arg3[%swap3A_206, %swap3A_207], %add3A_205 {strides = array<i32>} : memref<2048x128xf32, #tpu.memory_space<vmem>>, vector<128x128xf32>,
    %reduce_sum3A_209 = arith.constant dense<0.000000e+00> : vector<128xf32>
    %reduce_sum3A_210 = vector.multi_reduction <add>, %convert_element_type3A_201, %reduce_sum3A_209 [1] : vector<128x128xf32> to vector<128xf32>
    %broadcast_in_dim3A_211 = vector.shape_cast %reduce_sum3A_210 : vector<128xf32> to vector<128x1xf32>
    %add3A_212 = arith.addf %add3A_191, %broadcast_in_dim3A_211 : vector<128x1xf32>
    %get3A_213 = arith.constant 0 : index
    %get3A_214 = arith.constant 9 : index
    %get3A_215 = arith.constant 0 : index
    %get3A_216 = vector.load %arg1[%get3A_213, %get3A_214, %get3A_215] : memref<1x16x128xi32, #tpu.memory_space<vmem>>, vector<1x1x128xi32>
    %get3A_217 = vector.shape_cast %get3A_216 : vector<1x1x128xi32> to vector<1x128xi32>
    %eq3A_218 = vector.broadcast %xor3A_9 : vector<128x1xi32> to vector<128x128xi32>
    %eq3A_219 = vector.broadcast %get3A_217 : vector<1x128xi32> to vector<128x128xi32>
    %eq3A_220 = arith.cmpi eq, %eq3A_218, %eq3A_219 : vector<128x128xi32>
    %convert_element_type3A_221 = arith.extui %eq3A_220 : vector<128x128xi1> to vector<128x128xi32>
    %convert_element_type3A_222 = arith.sitofp %convert_element_type3A_221 : vector<128x128xi32> to vector<128x128xf32>
    %dot_general3A_223 = arith.constant dense<0.000000e+00> : vector<128x128xf32>
    %dot_general3A_224 = tpu.matmul %convert_element_type3A_222, %select_n3A, %dot_general3A_223 {dimension_numbers = #tpu.dot_dimension_numbers<[1], [0], [0], [1], [0, 0, 1, 1], [], []>, transpose_lhs_hint = false} : vector<128x128xf32>, vector<128x128xf32>, vector<128x128xf32> -> vector<128x128xf32>
    %add3A_225 = vector.broadcast %add3A_212 : vector<128x1xf32> to vector<128x128xf32>
    %add3A_226 = arith.addf %dot_general3A_224, %add3A_225 : vector<128x128xf32>
    %swap3A_227 = arith.constant 1152 : index
    %swap3A_228 = arith.constant 0 : index
    %swap3A_229 = vector.load %arg3[%swap3A_227, %swap3A_228] : memref<2048x128xf32, #tpu.memory_space<vmem>>, vector<128x128xf32>
    tpu.vector_store %arg3[%swap3A_227, %swap3A_228], %add3A_226 {strides = array<i32>} : memref<2048x128xf32, #tpu.memory_space<vmem>>, vector<128x128xf32>,
    %reduce_sum3A_230 = arith.constant dense<0.000000e+00> : vector<128xf32>
    %reduce_sum3A_231 = vector.multi_reduction <add>, %convert_element_type3A_222, %reduce_sum3A_230 [1] : vector<128x128xf32> to vector<128xf32>
    %broadcast_in_dim3A_232 = vector.shape_cast %reduce_sum3A_231 : vector<128xf32> to vector<128x1xf32>
    %add3A_233 = arith.addf %add3A_212, %broadcast_in_dim3A_232 : vector<128x1xf32>
    %get3A_234 = arith.constant 0 : index
    %get3A_235 = arith.constant 10 : index
    %get3A_236 = arith.constant 0 : index
    %get3A_237 = vector.load %arg1[%get3A_234, %get3A_235, %get3A_236] : memref<1x16x128xi32, #tpu.memory_space<vmem>>, vector<1x1x128xi32>
    %get3A_238 = vector.shape_cast %get3A_237 : vector<1x1x128xi32> to vector<1x128xi32>
    %eq3A_239 = vector.broadcast %xor3A_9 : vector<128x1xi32> to vector<128x128xi32>
    %eq3A_240 = vector.broadcast %get3A_238 : vector<1x128xi32> to vector<128x128xi32>
    %eq3A_241 = arith.cmpi eq, %eq3A_239, %eq3A_240 : vector<128x128xi32>
    %convert_element_type3A_242 = arith.extui %eq3A_241 : vector<128x128xi1> to vector<128x128xi32>
    %convert_element_type3A_243 = arith.sitofp %convert_element_type3A_242 : vector<128x128xi32> to vector<128x128xf32>
    %dot_general3A_244 = arith.constant dense<0.000000e+00> : vector<128x128xf32>
    %dot_general3A_245 = tpu.matmul %convert_element_type3A_243, %select_n3A, %dot_general3A_244 {dimension_numbers = #tpu.dot_dimension_numbers<[1], [0], [0], [1], [0, 0, 1, 1], [], []>, transpose_lhs_hint = false} : vector<128x128xf32>, vector<128x128xf32>, vector<128x128xf32> -> vector<128x128xf32>
    %add3A_246 = vector.broadcast %add3A_233 : vector<128x1xf32> to vector<128x128xf32>
    %add3A_247 = arith.addf %dot_general3A_245, %add3A_246 : vector<128x128xf32>
    %swap3A_248 = arith.constant 1280 : index
    %swap3A_249 = arith.constant 0 : index
    %swap3A_250 = vector.load %arg3[%swap3A_248, %swap3A_249] : memref<2048x128xf32, #tpu.memory_space<vmem>>, vector<128x128xf32>
    tpu.vector_store %arg3[%swap3A_248, %swap3A_249], %add3A_247 {strides = array<i32>} : memref<2048x128xf32, #tpu.memory_space<vmem>>, vector<128x128xf32>,
    %reduce_sum3A_251 = arith.constant dense<0.000000e+00> : vector<128xf32>
    %reduce_sum3A_252 = vector.multi_reduction <add>, %convert_element_type3A_243, %reduce_sum3A_251 [1] : vector<128x128xf32> to vector<128xf32>
    %broadcast_in_dim3A_253 = vector.shape_cast %reduce_sum3A_252 : vector<128xf32> to vector<128x1xf32>
    %add3A_254 = arith.addf %add3A_233, %broadcast_in_dim3A_253 : vector<128x1xf32>
    %get3A_255 = arith.constant 0 : index
    %get3A_256 = arith.constant 11 : index
    %get3A_257 = arith.constant 0 : index
    %get3A_258 = vector.load %arg1[%get3A_255, %get3A_256, %get3A_257] : memref<1x16x128xi32, #tpu.memory_space<vmem>>, vector<1x1x128xi32>
    %get3A_259 = vector.shape_cast %get3A_258 : vector<1x1x128xi32> to vector<1x128xi32>
    %eq3A_260 = vector.broadcast %xor3A_9 : vector<128x1xi32> to vector<128x128xi32>
    %eq3A_261 = vector.broadcast %get3A_259 : vector<1x128xi32> to vector<128x128xi32>
    %eq3A_262 = arith.cmpi eq, %eq3A_260, %eq3A_261 : vector<128x128xi32>
    %convert_element_type3A_263 = arith.extui %eq3A_262 : vector<128x128xi1> to vector<128x128xi32>
    %convert_element_type3A_264 = arith.sitofp %convert_element_type3A_263 : vector<128x128xi32> to vector<128x128xf32>
    %dot_general3A_265 = arith.constant dense<0.000000e+00> : vector<128x128xf32>
    %dot_general3A_266 = tpu.matmul %convert_element_type3A_264, %select_n3A, %dot_general3A_265 {dimension_numbers = #tpu.dot_dimension_numbers<[1], [0], [0], [1], [0, 0, 1, 1], [], []>, transpose_lhs_hint = false} : vector<128x128xf32>, vector<128x128xf32>, vector<128x128xf32> -> vector<128x128xf32>
    %add3A_267 = vector.broadcast %add3A_254 : vector<128x1xf32> to vector<128x128xf32>
    %add3A_268 = arith.addf %dot_general3A_266, %add3A_267 : vector<128x128xf32>
    %swap3A_269 = arith.constant 1408 : index
    %swap3A_270 = arith.constant 0 : index
    %swap3A_271 = vector.load %arg3[%swap3A_269, %swap3A_270] : memref<2048x128xf32, #tpu.memory_space<vmem>>, vector<128x128xf32>
    tpu.vector_store %arg3[%swap3A_269, %swap3A_270], %add3A_268 {strides = array<i32>} : memref<2048x128xf32, #tpu.memory_space<vmem>>, vector<128x128xf32>,
    %reduce_sum3A_272 = arith.constant dense<0.000000e+00> : vector<128xf32>
    %reduce_sum3A_273 = vector.multi_reduction <add>, %convert_element_type3A_264, %reduce_sum3A_272 [1] : vector<128x128xf32> to vector<128xf32>
    %broadcast_in_dim3A_274 = vector.shape_cast %reduce_sum3A_273 : vector<128xf32> to vector<128x1xf32>
    %add3A_275 = arith.addf %add3A_254, %broadcast_in_dim3A_274 : vector<128x1xf32>
    %get3A_276 = arith.constant 0 : index
    %get3A_277 = arith.constant 12 : index
    %get3A_278 = arith.constant 0 : index
    %get3A_279 = vector.load %arg1[%get3A_276, %get3A_277, %get3A_278] : memref<1x16x128xi32, #tpu.memory_space<vmem>>, vector<1x1x128xi32>
    %get3A_280 = vector.shape_cast %get3A_279 : vector<1x1x128xi32> to vector<1x128xi32>
    %eq3A_281 = vector.broadcast %xor3A_9 : vector<128x1xi32> to vector<128x128xi32>
    %eq3A_282 = vector.broadcast %get3A_280 : vector<1x128xi32> to vector<128x128xi32>
    %eq3A_283 = arith.cmpi eq, %eq3A_281, %eq3A_282 : vector<128x128xi32>
    %convert_element_type3A_284 = arith.extui %eq3A_283 : vector<128x128xi1> to vector<128x128xi32>
    %convert_element_type3A_285 = arith.sitofp %convert_element_type3A_284 : vector<128x128xi32> to vector<128x128xf32>
    %dot_general3A_286 = arith.constant dense<0.000000e+00> : vector<128x128xf32>
    %dot_general3A_287 = tpu.matmul %convert_element_type3A_285, %select_n3A, %dot_general3A_286 {dimension_numbers = #tpu.dot_dimension_numbers<[1], [0], [0], [1], [0, 0, 1, 1], [], []>, transpose_lhs_hint = false} : vector<128x128xf32>, vector<128x128xf32>, vector<128x128xf32> -> vector<128x128xf32>
    %add3A_288 = vector.broadcast %add3A_275 : vector<128x1xf32> to vector<128x128xf32>
    %add3A_289 = arith.addf %dot_general3A_287, %add3A_288 : vector<128x128xf32>
    %swap3A_290 = arith.constant 1536 : index
    %swap3A_291 = arith.constant 0 : index
    %swap3A_292 = vector.load %arg3[%swap3A_290, %swap3A_291] : memref<2048x128xf32, #tpu.memory_space<vmem>>, vector<128x128xf32>
    tpu.vector_store %arg3[%swap3A_290, %swap3A_291], %add3A_289 {strides = array<i32>} : memref<2048x128xf32, #tpu.memory_space<vmem>>, vector<128x128xf32>,
    %reduce_sum3A_293 = arith.constant dense<0.000000e+00> : vector<128xf32>
    %reduce_sum3A_294 = vector.multi_reduction <add>, %convert_element_type3A_285, %reduce_sum3A_293 [1] : vector<128x128xf32> to vector<128xf32>
    %broadcast_in_dim3A_295 = vector.shape_cast %reduce_sum3A_294 : vector<128xf32> to vector<128x1xf32>
    %add3A_296 = arith.addf %add3A_275, %broadcast_in_dim3A_295 : vector<128x1xf32>
    %get3A_297 = arith.constant 0 : index
    %get3A_298 = arith.constant 13 : index
    %get3A_299 = arith.constant 0 : index
    %get3A_300 = vector.load %arg1[%get3A_297, %get3A_298, %get3A_299] : memref<1x16x128xi32, #tpu.memory_space<vmem>>, vector<1x1x128xi32>
    %get3A_301 = vector.shape_cast %get3A_300 : vector<1x1x128xi32> to vector<1x128xi32>
    %eq3A_302 = vector.broadcast %xor3A_9 : vector<128x1xi32> to vector<128x128xi32>
    %eq3A_303 = vector.broadcast %get3A_301 : vector<1x128xi32> to vector<128x128xi32>
    %eq3A_304 = arith.cmpi eq, %eq3A_302, %eq3A_303 : vector<128x128xi32>
    %convert_element_type3A_305 = arith.extui %eq3A_304 : vector<128x128xi1> to vector<128x128xi32>
    %convert_element_type3A_306 = arith.sitofp %convert_element_type3A_305 : vector<128x128xi32> to vector<128x128xf32>
    %dot_general3A_307 = arith.constant dense<0.000000e+00> : vector<128x128xf32>
    %dot_general3A_308 = tpu.matmul %convert_element_type3A_306, %select_n3A, %dot_general3A_307 {dimension_numbers = #tpu.dot_dimension_numbers<[1], [0], [0], [1], [0, 0, 1, 1], [], []>, transpose_lhs_hint = false} : vector<128x128xf32>, vector<128x128xf32>, vector<128x128xf32> -> vector<128x128xf32>
    %add3A_309 = vector.broadcast %add3A_296 : vector<128x1xf32> to vector<128x128xf32>
    %add3A_310 = arith.addf %dot_general3A_308, %add3A_309 : vector<128x128xf32>
    %swap3A_311 = arith.constant 1664 : index
    %swap3A_312 = arith.constant 0 : index
    %swap3A_313 = vector.load %arg3[%swap3A_311, %swap3A_312] : memref<2048x128xf32, #tpu.memory_space<vmem>>, vector<128x128xf32>
    tpu.vector_store %arg3[%swap3A_311, %swap3A_312], %add3A_310 {strides = array<i32>} : memref<2048x128xf32, #tpu.memory_space<vmem>>, vector<128x128xf32>,
    %reduce_sum3A_314 = arith.constant dense<0.000000e+00> : vector<128xf32>
    %reduce_sum3A_315 = vector.multi_reduction <add>, %convert_element_type3A_306, %reduce_sum3A_314 [1] : vector<128x128xf32> to vector<128xf32>
    %broadcast_in_dim3A_316 = vector.shape_cast %reduce_sum3A_315 : vector<128xf32> to vector<128x1xf32>
    %add3A_317 = arith.addf %add3A_296, %broadcast_in_dim3A_316 : vector<128x1xf32>
    %get3A_318 = arith.constant 0 : index
    %get3A_319 = arith.constant 14 : index
    %get3A_320 = arith.constant 0 : index
    %get3A_321 = vector.load %arg1[%get3A_318, %get3A_319, %get3A_320] : memref<1x16x128xi32, #tpu.memory_space<vmem>>, vector<1x1x128xi32>
    %get3A_322 = vector.shape_cast %get3A_321 : vector<1x1x128xi32> to vector<1x128xi32>
    %eq3A_323 = vector.broadcast %xor3A_9 : vector<128x1xi32> to vector<128x128xi32>
    %eq3A_324 = vector.broadcast %get3A_322 : vector<1x128xi32> to vector<128x128xi32>
    %eq3A_325 = arith.cmpi eq, %eq3A_323, %eq3A_324 : vector<128x128xi32>
    %convert_element_type3A_326 = arith.extui %eq3A_325 : vector<128x128xi1> to vector<128x128xi32>
    %convert_element_type3A_327 = arith.sitofp %convert_element_type3A_326 : vector<128x128xi32> to vector<128x128xf32>
    %dot_general3A_328 = arith.constant dense<0.000000e+00> : vector<128x128xf32>
    %dot_general3A_329 = tpu.matmul %convert_element_type3A_327, %select_n3A, %dot_general3A_328 {dimension_numbers = #tpu.dot_dimension_numbers<[1], [0], [0], [1], [0, 0, 1, 1], [], []>, transpose_lhs_hint = false} : vector<128x128xf32>, vector<128x128xf32>, vector<128x128xf32> -> vector<128x128xf32>
    %add3A_330 = vector.broadcast %add3A_317 : vector<128x1xf32> to vector<128x128xf32>
    %add3A_331 = arith.addf %dot_general3A_329, %add3A_330 : vector<128x128xf32>
    %swap3A_332 = arith.constant 1792 : index
    %swap3A_333 = arith.constant 0 : index
    %swap3A_334 = vector.load %arg3[%swap3A_332, %swap3A_333] : memref<2048x128xf32, #tpu.memory_space<vmem>>, vector<128x128xf32>
    tpu.vector_store %arg3[%swap3A_332, %swap3A_333], %add3A_331 {strides = array<i32>} : memref<2048x128xf32, #tpu.memory_space<vmem>>, vector<128x128xf32>,
    %reduce_sum3A_335 = arith.constant dense<0.000000e+00> : vector<128xf32>
    %reduce_sum3A_336 = vector.multi_reduction <add>, %convert_element_type3A_327, %reduce_sum3A_335 [1] : vector<128x128xf32> to vector<128xf32>
    %broadcast_in_dim3A_337 = vector.shape_cast %reduce_sum3A_336 : vector<128xf32> to vector<128x1xf32>
    %add3A_338 = arith.addf %add3A_317, %broadcast_in_dim3A_337 : vector<128x1xf32>
    %get3A_339 = arith.constant 0 : index
    %get3A_340 = arith.constant 15 : index
    %get3A_341 = arith.constant 0 : index
    %get3A_342 = vector.load %arg1[%get3A_339, %get3A_340, %get3A_341] : memref<1x16x128xi32, #tpu.memory_space<vmem>>, vector<1x1x128xi32>
    %get3A_343 = vector.shape_cast %get3A_342 : vector<1x1x128xi32> to vector<1x128xi32>
    %eq3A_344 = vector.broadcast %xor3A_9 : vector<128x1xi32> to vector<128x128xi32>
    %eq3A_345 = vector.broadcast %get3A_343 : vector<1x128xi32> to vector<128x128xi32>
    %eq3A_346 = arith.cmpi eq, %eq3A_344, %eq3A_345 : vector<128x128xi32>
    %convert_element_type3A_347 = arith.extui %eq3A_346 : vector<128x128xi1> to vector<128x128xi32>
    %convert_element_type3A_348 = arith.sitofp %convert_element_type3A_347 : vector<128x128xi32> to vector<128x128xf32>
    %dot_general3A_349 = arith.constant dense<0.000000e+00> : vector<128x128xf32>
    %dot_general3A_350 = tpu.matmul %convert_element_type3A_348, %select_n3A, %dot_general3A_349 {dimension_numbers = #tpu.dot_dimension_numbers<[1], [0], [0], [1], [0, 0, 1, 1], [], []>, transpose_lhs_hint = false} : vector<128x128xf32>, vector<128x128xf32>, vector<128x128xf32> -> vector<128x128xf32>
    %add3A_351 = vector.broadcast %add3A_338 : vector<128x1xf32> to vector<128x128xf32>
    %add3A_352 = arith.addf %dot_general3A_350, %add3A_351 : vector<128x128xf32>
    %swap3A_353 = arith.constant 1920 : index
    %swap3A_354 = arith.constant 0 : index
    %swap3A_355 = vector.load %arg3[%swap3A_353, %swap3A_354] : memref<2048x128xf32, #tpu.memory_space<vmem>>, vector<128x128xf32>
    tpu.vector_store %arg3[%swap3A_353, %swap3A_354], %add3A_352 {strides = array<i32>} : memref<2048x128xf32, #tpu.memory_space<vmem>>, vector<128x128xf32>,
    %reduce_sum3A_356 = arith.constant dense<0.000000e+00> : vector<128xf32>
    %reduce_sum3A_357 = vector.multi_reduction <add>, %convert_element_type3A_348, %reduce_sum3A_356 [1] : vector<128x128xf32> to vector<128xf32>
    %broadcast_in_dim3A_358 = vector.shape_cast %reduce_sum3A_357 : vector<128xf32> to vector<128x1xf32>
    %add3A_359 = arith.addf %add3A_338, %broadcast_in_dim3A_358 : vector<128x1xf32>
    %dot_general3A_360 = arith.constant dense<0.000000e+00> : vector<128x1xf32>
    %dot_general3A_361 = tpu.matmul %select_n3A_27, %add3A_359, %dot_general3A_360 {dimension_numbers = #tpu.dot_dimension_numbers<[1], [0], [0], [1], [0, 0, 1, 1], [], []>, transpose_lhs_hint = false} : vector<128x128xf32>, vector<128x1xf32>, vector<128x1xf32> -> vector<128x1xf32>
    %get3A_362 = arith.constant 0 : index
    %get3A_363 = arith.constant 0 : index
    %get3A_364 = arith.constant 0 : index
    %get3A_365 = vector.load %arg1[%get3A_362, %get3A_363, %get3A_364] : memref<1x16x128xi32, #tpu.memory_space<vmem>>, vector<1x1x128xi32>
    %get3A_366 = vector.shape_cast %get3A_365 : vector<1x1x128xi32> to vector<1x128xi32>
    %eq3A_367 = vector.broadcast %xor3A_9 : vector<128x1xi32> to vector<128x128xi32>
    %eq3A_368 = vector.broadcast %get3A_366 : vector<1x128xi32> to vector<128x128xi32>
    %eq3A_369 = arith.cmpi eq, %eq3A_367, %eq3A_368 : vector<128x128xi32>
    %convert_element_type3A_370 = arith.extui %eq3A_369 : vector<128x128xi1> to vector<128x128xi32>
    %convert_element_type3A_371 = arith.sitofp %convert_element_type3A_370 : vector<128x128xi32> to vector<128x128xf32>
    %get3A_372 = arith.constant 0 : index
    %get3A_373 = arith.constant 0 : index
    %get3A_374 = vector.load %arg3[%get3A_372, %get3A_373] : memref<2048x128xf32, #tpu.memory_space<vmem>>, vector<128x128xf32>
    %add3A_375 = vector.broadcast %dot_general3A_361 : vector<128x1xf32> to vector<128x128xf32>
    %add3A_376 = arith.addf %get3A_374, %add3A_375 : vector<128x128xf32>
    %mul3A = arith.mulf %convert_element_type3A_371, %add3A_376 : vector<128x128xf32>
    %reduce_sum3A_377 = arith.constant dense<0.000000e+00> : vector<128xf32>
    %reduce_sum3A_378 = vector.multi_reduction <add>, %mul3A, %reduce_sum3A_377 [0] : vector<128x128xf32> to vector<128xf32>
    %broadcast_in_dim3A_379 = vector.shape_cast %reduce_sum3A_378 : vector<128xf32> to vector<1x128xf32>
    %sub3A = arith.constant 1.000000e+00 : f32
    %sub3A_380 = vector.broadcast %sub3A : f32 to vector<1x128xf32>
    %sub3A_381 = arith.subf %broadcast_in_dim3A_379, %sub3A_380 : vector<1x128xf32>
    %convert_element_type3A_382 = arith.fptosi %sub3A_381 : vector<1x128xf32> to vector<1x128xi32>
    %swap3A_383 = arith.constant 0 : index
    %swap3A_384 = arith.constant 0 : index
    %swap3A_385 = arith.constant 0 : index
    %swap3A_386 = vector.load %arg2[%swap3A_383, %swap3A_384, %swap3A_385] : memref<1x16x128xi32, #tpu.memory_space<vmem>>, vector<1x1x128xi32>
    %swap3A_387 = vector.shape_cast %swap3A_386 : vector<1x1x128xi32> to vector<1x128xi32>
    %swap3A_388 = vector.shape_cast %convert_element_type3A_382 : vector<1x128xi32> to vector<1x1x128xi32>
    tpu.vector_store %arg2[%swap3A_383, %swap3A_384, %swap3A_385], %swap3A_388 {strides = array<i32>} : memref<1x16x128xi32, #tpu.memory_space<vmem>>, vector<1x1x128xi32>,
    %get3A_389 = arith.constant 0 : index
    %get3A_390 = arith.constant 1 : index
    %get3A_391 = arith.constant 0 : index
    %get3A_392 = vector.load %arg1[%get3A_389, %get3A_390, %get3A_391] : memref<1x16x128xi32, #tpu.memory_space<vmem>>, vector<1x1x128xi32>
    %get3A_393 = vector.shape_cast %get3A_392 : vector<1x1x128xi32> to vector<1x128xi32>
    %eq3A_394 = vector.broadcast %xor3A_9 : vector<128x1xi32> to vector<128x128xi32>
    %eq3A_395 = vector.broadcast %get3A_393 : vector<1x128xi32> to vector<128x128xi32>
    %eq3A_396 = arith.cmpi eq, %eq3A_394, %eq3A_395 : vector<128x128xi32>
    %convert_element_type3A_397 = arith.extui %eq3A_396 : vector<128x128xi1> to vector<128x128xi32>
    %convert_element_type3A_398 = arith.sitofp %convert_element_type3A_397 : vector<128x128xi32> to vector<128x128xf32>
    %get3A_399 = arith.constant 128 : index
    %get3A_400 = arith.constant 0 : index
    %get3A_401 = vector.load %arg3[%get3A_399, %get3A_400] : memref<2048x128xf32, #tpu.memory_space<vmem>>, vector<128x128xf32>
    %add3A_402 = vector.broadcast %dot_general3A_361 : vector<128x1xf32> to vector<128x128xf32>
    %add3A_403 = arith.addf %get3A_401, %add3A_402 : vector<128x128xf32>
    %mul3A_404 = arith.mulf %convert_element_type3A_398, %add3A_403 : vector<128x128xf32>
    %reduce_sum3A_405 = arith.constant dense<0.000000e+00> : vector<128xf32>
    %reduce_sum3A_406 = vector.multi_reduction <add>, %mul3A_404, %reduce_sum3A_405 [0] : vector<128x128xf32> to vector<128xf32>
    %broadcast_in_dim3A_407 = vector.shape_cast %reduce_sum3A_406 : vector<128xf32> to vector<1x128xf32>
    %sub3A_408 = arith.constant 1.000000e+00 : f32
    %sub3A_409 = vector.broadcast %sub3A_408 : f32 to vector<1x128xf32>
    %sub3A_410 = arith.subf %broadcast_in_dim3A_407, %sub3A_409 : vector<1x128xf32>
    %convert_element_type3A_411 = arith.fptosi %sub3A_410 : vector<1x128xf32> to vector<1x128xi32>
    %swap3A_412 = arith.constant 0 : index
    %swap3A_413 = arith.constant 1 : index
    %swap3A_414 = arith.constant 0 : index
    %swap3A_415 = vector.load %arg2[%swap3A_412, %swap3A_413, %swap3A_414] : memref<1x16x128xi32, #tpu.memory_space<vmem>>, vector<1x1x128xi32>
    %swap3A_416 = vector.shape_cast %swap3A_415 : vector<1x1x128xi32> to vector<1x128xi32>
    %swap3A_417 = vector.shape_cast %convert_element_type3A_411 : vector<1x128xi32> to vector<1x1x128xi32>
    tpu.vector_store %arg2[%swap3A_412, %swap3A_413, %swap3A_414], %swap3A_417 {strides = array<i32>} : memref<1x16x128xi32, #tpu.memory_space<vmem>>, vector<1x1x128xi32>,
    %get3A_418 = arith.constant 0 : index
    %get3A_419 = arith.constant 2 : index
    %get3A_420 = arith.constant 0 : index
    %get3A_421 = vector.load %arg1[%get3A_418, %get3A_419, %get3A_420] : memref<1x16x128xi32, #tpu.memory_space<vmem>>, vector<1x1x128xi32>
    %get3A_422 = vector.shape_cast %get3A_421 : vector<1x1x128xi32> to vector<1x128xi32>
    %eq3A_423 = vector.broadcast %xor3A_9 : vector<128x1xi32> to vector<128x128xi32>
    %eq3A_424 = vector.broadcast %get3A_422 : vector<1x128xi32> to vector<128x128xi32>
    %eq3A_425 = arith.cmpi eq, %eq3A_423, %eq3A_424 : vector<128x128xi32>
    %convert_element_type3A_426 = arith.extui %eq3A_425 : vector<128x128xi1> to vector<128x128xi32>
    %convert_element_type3A_427 = arith.sitofp %convert_element_type3A_426 : vector<128x128xi32> to vector<128x128xf32>
    %get3A_428 = arith.constant 256 : index
    %get3A_429 = arith.constant 0 : index
    %get3A_430 = vector.load %arg3[%get3A_428, %get3A_429] : memref<2048x128xf32, #tpu.memory_space<vmem>>, vector<128x128xf32>
    %add3A_431 = vector.broadcast %dot_general3A_361 : vector<128x1xf32> to vector<128x128xf32>
    %add3A_432 = arith.addf %get3A_430, %add3A_431 : vector<128x128xf32>
    %mul3A_433 = arith.mulf %convert_element_type3A_427, %add3A_432 : vector<128x128xf32>
    %reduce_sum3A_434 = arith.constant dense<0.000000e+00> : vector<128xf32>
    %reduce_sum3A_435 = vector.multi_reduction <add>, %mul3A_433, %reduce_sum3A_434 [0] : vector<128x128xf32> to vector<128xf32>
    %broadcast_in_dim3A_436 = vector.shape_cast %reduce_sum3A_435 : vector<128xf32> to vector<1x128xf32>
    %sub3A_437 = arith.constant 1.000000e+00 : f32
    %sub3A_438 = vector.broadcast %sub3A_437 : f32 to vector<1x128xf32>
    %sub3A_439 = arith.subf %broadcast_in_dim3A_436, %sub3A_438 : vector<1x128xf32>
    %convert_element_type3A_440 = arith.fptosi %sub3A_439 : vector<1x128xf32> to vector<1x128xi32>
    %swap3A_441 = arith.constant 0 : index
    %swap3A_442 = arith.constant 2 : index
    %swap3A_443 = arith.constant 0 : index
    %swap3A_444 = vector.load %arg2[%swap3A_441, %swap3A_442, %swap3A_443] : memref<1x16x128xi32, #tpu.memory_space<vmem>>, vector<1x1x128xi32>
    %swap3A_445 = vector.shape_cast %swap3A_444 : vector<1x1x128xi32> to vector<1x128xi32>
    %swap3A_446 = vector.shape_cast %convert_element_type3A_440 : vector<1x128xi32> to vector<1x1x128xi32>
    tpu.vector_store %arg2[%swap3A_441, %swap3A_442, %swap3A_443], %swap3A_446 {strides = array<i32>} : memref<1x16x128xi32, #tpu.memory_space<vmem>>, vector<1x1x128xi32>,
    %get3A_447 = arith.constant 0 : index
    %get3A_448 = arith.constant 3 : index
    %get3A_449 = arith.constant 0 : index
    %get3A_450 = vector.load %arg1[%get3A_447, %get3A_448, %get3A_449] : memref<1x16x128xi32, #tpu.memory_space<vmem>>, vector<1x1x128xi32>
    %get3A_451 = vector.shape_cast %get3A_450 : vector<1x1x128xi32> to vector<1x128xi32>
    %eq3A_452 = vector.broadcast %xor3A_9 : vector<128x1xi32> to vector<128x128xi32>
    %eq3A_453 = vector.broadcast %get3A_451 : vector<1x128xi32> to vector<128x128xi32>
    %eq3A_454 = arith.cmpi eq, %eq3A_452, %eq3A_453 : vector<128x128xi32>
    %convert_element_type3A_455 = arith.extui %eq3A_454 : vector<128x128xi1> to vector<128x128xi32>
    %convert_element_type3A_456 = arith.sitofp %convert_element_type3A_455 : vector<128x128xi32> to vector<128x128xf32>
    %get3A_457 = arith.constant 384 : index
    %get3A_458 = arith.constant 0 : index
    %get3A_459 = vector.load %arg3[%get3A_457, %get3A_458] : memref<2048x128xf32, #tpu.memory_space<vmem>>, vector<128x128xf32>
    %add3A_460 = vector.broadcast %dot_general3A_361 : vector<128x1xf32> to vector<128x128xf32>
    %add3A_461 = arith.addf %get3A_459, %add3A_460 : vector<128x128xf32>
    %mul3A_462 = arith.mulf %convert_element_type3A_456, %add3A_461 : vector<128x128xf32>
    %reduce_sum3A_463 = arith.constant dense<0.000000e+00> : vector<128xf32>
    %reduce_sum3A_464 = vector.multi_reduction <add>, %mul3A_462, %reduce_sum3A_463 [0] : vector<128x128xf32> to vector<128xf32>
    %broadcast_in_dim3A_465 = vector.shape_cast %reduce_sum3A_464 : vector<128xf32> to vector<1x128xf32>
    %sub3A_466 = arith.constant 1.000000e+00 : f32
    %sub3A_467 = vector.broadcast %sub3A_466 : f32 to vector<1x128xf32>
    %sub3A_468 = arith.subf %broadcast_in_dim3A_465, %sub3A_467 : vector<1x128xf32>
    %convert_element_type3A_469 = arith.fptosi %sub3A_468 : vector<1x128xf32> to vector<1x128xi32>
    %swap3A_470 = arith.constant 0 : index
    %swap3A_471 = arith.constant 3 : index
    %swap3A_472 = arith.constant 0 : index
    %swap3A_473 = vector.load %arg2[%swap3A_470, %swap3A_471, %swap3A_472] : memref<1x16x128xi32, #tpu.memory_space<vmem>>, vector<1x1x128xi32>
    %swap3A_474 = vector.shape_cast %swap3A_473 : vector<1x1x128xi32> to vector<1x128xi32>
    %swap3A_475 = vector.shape_cast %convert_element_type3A_469 : vector<1x128xi32> to vector<1x1x128xi32>
    tpu.vector_store %arg2[%swap3A_470, %swap3A_471, %swap3A_472], %swap3A_475 {strides = array<i32>} : memref<1x16x128xi32, #tpu.memory_space<vmem>>, vector<1x1x128xi32>,
    %get3A_476 = arith.constant 0 : index
    %get3A_477 = arith.constant 4 : index
    %get3A_478 = arith.constant 0 : index
    %get3A_479 = vector.load %arg1[%get3A_476, %get3A_477, %get3A_478] : memref<1x16x128xi32, #tpu.memory_space<vmem>>, vector<1x1x128xi32>
    %get3A_480 = vector.shape_cast %get3A_479 : vector<1x1x128xi32> to vector<1x128xi32>
    %eq3A_481 = vector.broadcast %xor3A_9 : vector<128x1xi32> to vector<128x128xi32>
    %eq3A_482 = vector.broadcast %get3A_480 : vector<1x128xi32> to vector<128x128xi32>
    %eq3A_483 = arith.cmpi eq, %eq3A_481, %eq3A_482 : vector<128x128xi32>
    %convert_element_type3A_484 = arith.extui %eq3A_483 : vector<128x128xi1> to vector<128x128xi32>
    %convert_element_type3A_485 = arith.sitofp %convert_element_type3A_484 : vector<128x128xi32> to vector<128x128xf32>
    %get3A_486 = arith.constant 512 : index
    %get3A_487 = arith.constant 0 : index
    %get3A_488 = vector.load %arg3[%get3A_486, %get3A_487] : memref<2048x128xf32, #tpu.memory_space<vmem>>, vector<128x128xf32>
    %add3A_489 = vector.broadcast %dot_general3A_361 : vector<128x1xf32> to vector<128x128xf32>
    %add3A_490 = arith.addf %get3A_488, %add3A_489 : vector<128x128xf32>
    %mul3A_491 = arith.mulf %convert_element_type3A_485, %add3A_490 : vector<128x128xf32>
    %reduce_sum3A_492 = arith.constant dense<0.000000e+00> : vector<128xf32>
    %reduce_sum3A_493 = vector.multi_reduction <add>, %mul3A_491, %reduce_sum3A_492 [0] : vector<128x128xf32> to vector<128xf32>
    %broadcast_in_dim3A_494 = vector.shape_cast %reduce_sum3A_493 : vector<128xf32> to vector<1x128xf32>
    %sub3A_495 = arith.constant 1.000000e+00 : f32
    %sub3A_496 = vector.broadcast %sub3A_495 : f32 to vector<1x128xf32>
    %sub3A_497 = arith.subf %broadcast_in_dim3A_494, %sub3A_496 : vector<1x128xf32>
    %convert_element_type3A_498 = arith.fptosi %sub3A_497 : vector<1x128xf32> to vector<1x128xi32>
    %swap3A_499 = arith.constant 0 : index
    %swap3A_500 = arith.constant 4 : index
    %swap3A_501 = arith.constant 0 : index
    %swap3A_502 = vector.load %arg2[%swap3A_499, %swap3A_500, %swap3A_501] : memref<1x16x128xi32, #tpu.memory_space<vmem>>, vector<1x1x128xi32>
    %swap3A_503 = vector.shape_cast %swap3A_502 : vector<1x1x128xi32> to vector<1x128xi32>
    %swap3A_504 = vector.shape_cast %convert_element_type3A_498 : vector<1x128xi32> to vector<1x1x128xi32>
    tpu.vector_store %arg2[%swap3A_499, %swap3A_500, %swap3A_501], %swap3A_504 {strides = array<i32>} : memref<1x16x128xi32, #tpu.memory_space<vmem>>, vector<1x1x128xi32>,
    %get3A_505 = arith.constant 0 : index
    %get3A_506 = arith.constant 5 : index
    %get3A_507 = arith.constant 0 : index
    %get3A_508 = vector.load %arg1[%get3A_505, %get3A_506, %get3A_507] : memref<1x16x128xi32, #tpu.memory_space<vmem>>, vector<1x1x128xi32>
    %get3A_509 = vector.shape_cast %get3A_508 : vector<1x1x128xi32> to vector<1x128xi32>
    %eq3A_510 = vector.broadcast %xor3A_9 : vector<128x1xi32> to vector<128x128xi32>
    %eq3A_511 = vector.broadcast %get3A_509 : vector<1x128xi32> to vector<128x128xi32>
    %eq3A_512 = arith.cmpi eq, %eq3A_510, %eq3A_511 : vector<128x128xi32>
    %convert_element_type3A_513 = arith.extui %eq3A_512 : vector<128x128xi1> to vector<128x128xi32>
    %convert_element_type3A_514 = arith.sitofp %convert_element_type3A_513 : vector<128x128xi32> to vector<128x128xf32>
    %get3A_515 = arith.constant 640 : index
    %get3A_516 = arith.constant 0 : index
    %get3A_517 = vector.load %arg3[%get3A_515, %get3A_516] : memref<2048x128xf32, #tpu.memory_space<vmem>>, vector<128x128xf32>
    %add3A_518 = vector.broadcast %dot_general3A_361 : vector<128x1xf32> to vector<128x128xf32>
    %add3A_519 = arith.addf %get3A_517, %add3A_518 : vector<128x128xf32>
    %mul3A_520 = arith.mulf %convert_element_type3A_514, %add3A_519 : vector<128x128xf32>
    %reduce_sum3A_521 = arith.constant dense<0.000000e+00> : vector<128xf32>
    %reduce_sum3A_522 = vector.multi_reduction <add>, %mul3A_520, %reduce_sum3A_521 [0] : vector<128x128xf32> to vector<128xf32>
    %broadcast_in_dim3A_523 = vector.shape_cast %reduce_sum3A_522 : vector<128xf32> to vector<1x128xf32>
    %sub3A_524 = arith.constant 1.000000e+00 : f32
    %sub3A_525 = vector.broadcast %sub3A_524 : f32 to vector<1x128xf32>
    %sub3A_526 = arith.subf %broadcast_in_dim3A_523, %sub3A_525 : vector<1x128xf32>
    %convert_element_type3A_527 = arith.fptosi %sub3A_526 : vector<1x128xf32> to vector<1x128xi32>
    %swap3A_528 = arith.constant 0 : index
    %swap3A_529 = arith.constant 5 : index
    %swap3A_530 = arith.constant 0 : index
    %swap3A_531 = vector.load %arg2[%swap3A_528, %swap3A_529, %swap3A_530] : memref<1x16x128xi32, #tpu.memory_space<vmem>>, vector<1x1x128xi32>
    %swap3A_532 = vector.shape_cast %swap3A_531 : vector<1x1x128xi32> to vector<1x128xi32>
    %swap3A_533 = vector.shape_cast %convert_element_type3A_527 : vector<1x128xi32> to vector<1x1x128xi32>
    tpu.vector_store %arg2[%swap3A_528, %swap3A_529, %swap3A_530], %swap3A_533 {strides = array<i32>} : memref<1x16x128xi32, #tpu.memory_space<vmem>>, vector<1x1x128xi32>,
    %get3A_534 = arith.constant 0 : index
    %get3A_535 = arith.constant 6 : index
    %get3A_536 = arith.constant 0 : index
    %get3A_537 = vector.load %arg1[%get3A_534, %get3A_535, %get3A_536] : memref<1x16x128xi32, #tpu.memory_space<vmem>>, vector<1x1x128xi32>
    %get3A_538 = vector.shape_cast %get3A_537 : vector<1x1x128xi32> to vector<1x128xi32>
    %eq3A_539 = vector.broadcast %xor3A_9 : vector<128x1xi32> to vector<128x128xi32>
    %eq3A_540 = vector.broadcast %get3A_538 : vector<1x128xi32> to vector<128x128xi32>
    %eq3A_541 = arith.cmpi eq, %eq3A_539, %eq3A_540 : vector<128x128xi32>
    %convert_element_type3A_542 = arith.extui %eq3A_541 : vector<128x128xi1> to vector<128x128xi32>
    %convert_element_type3A_543 = arith.sitofp %convert_element_type3A_542 : vector<128x128xi32> to vector<128x128xf32>
    %get3A_544 = arith.constant 768 : index
    %get3A_545 = arith.constant 0 : index
    %get3A_546 = vector.load %arg3[%get3A_544, %get3A_545] : memref<2048x128xf32, #tpu.memory_space<vmem>>, vector<128x128xf32>
    %add3A_547 = vector.broadcast %dot_general3A_361 : vector<128x1xf32> to vector<128x128xf32>
    %add3A_548 = arith.addf %get3A_546, %add3A_547 : vector<128x128xf32>
    %mul3A_549 = arith.mulf %convert_element_type3A_543, %add3A_548 : vector<128x128xf32>
    %reduce_sum3A_550 = arith.constant dense<0.000000e+00> : vector<128xf32>
    %reduce_sum3A_551 = vector.multi_reduction <add>, %mul3A_549, %reduce_sum3A_550 [0] : vector<128x128xf32> to vector<128xf32>
    %broadcast_in_dim3A_552 = vector.shape_cast %reduce_sum3A_551 : vector<128xf32> to vector<1x128xf32>
    %sub3A_553 = arith.constant 1.000000e+00 : f32
    %sub3A_554 = vector.broadcast %sub3A_553 : f32 to vector<1x128xf32>
    %sub3A_555 = arith.subf %broadcast_in_dim3A_552, %sub3A_554 : vector<1x128xf32>
    %convert_element_type3A_556 = arith.fptosi %sub3A_555 : vector<1x128xf32> to vector<1x128xi32>
    %swap3A_557 = arith.constant 0 : index
    %swap3A_558 = arith.constant 6 : index
    %swap3A_559 = arith.constant 0 : index
    %swap3A_560 = vector.load %arg2[%swap3A_557, %swap3A_558, %swap3A_559] : memref<1x16x128xi32, #tpu.memory_space<vmem>>, vector<1x1x128xi32>
    %swap3A_561 = vector.shape_cast %swap3A_560 : vector<1x1x128xi32> to vector<1x128xi32>
    %swap3A_562 = vector.shape_cast %convert_element_type3A_556 : vector<1x128xi32> to vector<1x1x128xi32>
    tpu.vector_store %arg2[%swap3A_557, %swap3A_558, %swap3A_559], %swap3A_562 {strides = array<i32>} : memref<1x16x128xi32, #tpu.memory_space<vmem>>, vector<1x1x128xi32>,
    %get3A_563 = arith.constant 0 : index
    %get3A_564 = arith.constant 7 : index
    %get3A_565 = arith.constant 0 : index
    %get3A_566 = vector.load %arg1[%get3A_563, %get3A_564, %get3A_565] : memref<1x16x128xi32, #tpu.memory_space<vmem>>, vector<1x1x128xi32>
    %get3A_567 = vector.shape_cast %get3A_566 : vector<1x1x128xi32> to vector<1x128xi32>
    %eq3A_568 = vector.broadcast %xor3A_9 : vector<128x1xi32> to vector<128x128xi32>
    %eq3A_569 = vector.broadcast %get3A_567 : vector<1x128xi32> to vector<128x128xi32>
    %eq3A_570 = arith.cmpi eq, %eq3A_568, %eq3A_569 : vector<128x128xi32>
    %convert_element_type3A_571 = arith.extui %eq3A_570 : vector<128x128xi1> to vector<128x128xi32>
    %convert_element_type3A_572 = arith.sitofp %convert_element_type3A_571 : vector<128x128xi32> to vector<128x128xf32>
    %get3A_573 = arith.constant 896 : index
    %get3A_574 = arith.constant 0 : index
    %get3A_575 = vector.load %arg3[%get3A_573, %get3A_574] : memref<2048x128xf32, #tpu.memory_space<vmem>>, vector<128x128xf32>
    %add3A_576 = vector.broadcast %dot_general3A_361 : vector<128x1xf32> to vector<128x128xf32>
    %add3A_577 = arith.addf %get3A_575, %add3A_576 : vector<128x128xf32>
    %mul3A_578 = arith.mulf %convert_element_type3A_572, %add3A_577 : vector<128x128xf32>
    %reduce_sum3A_579 = arith.constant dense<0.000000e+00> : vector<128xf32>
    %reduce_sum3A_580 = vector.multi_reduction <add>, %mul3A_578, %reduce_sum3A_579 [0] : vector<128x128xf32> to vector<128xf32>
    %broadcast_in_dim3A_581 = vector.shape_cast %reduce_sum3A_580 : vector<128xf32> to vector<1x128xf32>
    %sub3A_582 = arith.constant 1.000000e+00 : f32
    %sub3A_583 = vector.broadcast %sub3A_582 : f32 to vector<1x128xf32>
    %sub3A_584 = arith.subf %broadcast_in_dim3A_581, %sub3A_583 : vector<1x128xf32>
    %convert_element_type3A_585 = arith.fptosi %sub3A_584 : vector<1x128xf32> to vector<1x128xi32>
    %swap3A_586 = arith.constant 0 : index
    %swap3A_587 = arith.constant 7 : index
    %swap3A_588 = arith.constant 0 : index
    %swap3A_589 = vector.load %arg2[%swap3A_586, %swap3A_587, %swap3A_588] : memref<1x16x128xi32, #tpu.memory_space<vmem>>, vector<1x1x128xi32>
    %swap3A_590 = vector.shape_cast %swap3A_589 : vector<1x1x128xi32> to vector<1x128xi32>
    %swap3A_591 = vector.shape_cast %convert_element_type3A_585 : vector<1x128xi32> to vector<1x1x128xi32>
    tpu.vector_store %arg2[%swap3A_586, %swap3A_587, %swap3A_588], %swap3A_591 {strides = array<i32>} : memref<1x16x128xi32, #tpu.memory_space<vmem>>, vector<1x1x128xi32>,
    %get3A_592 = arith.constant 0 : index
    %get3A_593 = arith.constant 8 : index
    %get3A_594 = arith.constant 0 : index
    %get3A_595 = vector.load %arg1[%get3A_592, %get3A_593, %get3A_594] : memref<1x16x128xi32, #tpu.memory_space<vmem>>, vector<1x1x128xi32>
    %get3A_596 = vector.shape_cast %get3A_595 : vector<1x1x128xi32> to vector<1x128xi32>
    %eq3A_597 = vector.broadcast %xor3A_9 : vector<128x1xi32> to vector<128x128xi32>
    %eq3A_598 = vector.broadcast %get3A_596 : vector<1x128xi32> to vector<128x128xi32>
    %eq3A_599 = arith.cmpi eq, %eq3A_597, %eq3A_598 : vector<128x128xi32>
    %convert_element_type3A_600 = arith.extui %eq3A_599 : vector<128x128xi1> to vector<128x128xi32>
    %convert_element_type3A_601 = arith.sitofp %convert_element_type3A_600 : vector<128x128xi32> to vector<128x128xf32>
    %get3A_602 = arith.constant 1024 : index
    %get3A_603 = arith.constant 0 : index
    %get3A_604 = vector.load %arg3[%get3A_602, %get3A_603] : memref<2048x128xf32, #tpu.memory_space<vmem>>, vector<128x128xf32>
    %add3A_605 = vector.broadcast %dot_general3A_361 : vector<128x1xf32> to vector<128x128xf32>
    %add3A_606 = arith.addf %get3A_604, %add3A_605 : vector<128x128xf32>
    %mul3A_607 = arith.mulf %convert_element_type3A_601, %add3A_606 : vector<128x128xf32>
    %reduce_sum3A_608 = arith.constant dense<0.000000e+00> : vector<128xf32>
    %reduce_sum3A_609 = vector.multi_reduction <add>, %mul3A_607, %reduce_sum3A_608 [0] : vector<128x128xf32> to vector<128xf32>
    %broadcast_in_dim3A_610 = vector.shape_cast %reduce_sum3A_609 : vector<128xf32> to vector<1x128xf32>
    %sub3A_611 = arith.constant 1.000000e+00 : f32
    %sub3A_612 = vector.broadcast %sub3A_611 : f32 to vector<1x128xf32>
    %sub3A_613 = arith.subf %broadcast_in_dim3A_610, %sub3A_612 : vector<1x128xf32>
    %convert_element_type3A_614 = arith.fptosi %sub3A_613 : vector<1x128xf32> to vector<1x128xi32>
    %swap3A_615 = arith.constant 0 : index
    %swap3A_616 = arith.constant 8 : index
    %swap3A_617 = arith.constant 0 : index
    %swap3A_618 = vector.load %arg2[%swap3A_615, %swap3A_616, %swap3A_617] : memref<1x16x128xi32, #tpu.memory_space<vmem>>, vector<1x1x128xi32>
    %swap3A_619 = vector.shape_cast %swap3A_618 : vector<1x1x128xi32> to vector<1x128xi32>
    %swap3A_620 = vector.shape_cast %convert_element_type3A_614 : vector<1x128xi32> to vector<1x1x128xi32>
    tpu.vector_store %arg2[%swap3A_615, %swap3A_616, %swap3A_617], %swap3A_620 {strides = array<i32>} : memref<1x16x128xi32, #tpu.memory_space<vmem>>, vector<1x1x128xi32>,
    %get3A_621 = arith.constant 0 : index
    %get3A_622 = arith.constant 9 : index
    %get3A_623 = arith.constant 0 : index
    %get3A_624 = vector.load %arg1[%get3A_621, %get3A_622, %get3A_623] : memref<1x16x128xi32, #tpu.memory_space<vmem>>, vector<1x1x128xi32>
    %get3A_625 = vector.shape_cast %get3A_624 : vector<1x1x128xi32> to vector<1x128xi32>
    %eq3A_626 = vector.broadcast %xor3A_9 : vector<128x1xi32> to vector<128x128xi32>
    %eq3A_627 = vector.broadcast %get3A_625 : vector<1x128xi32> to vector<128x128xi32>
    %eq3A_628 = arith.cmpi eq, %eq3A_626, %eq3A_627 : vector<128x128xi32>
    %convert_element_type3A_629 = arith.extui %eq3A_628 : vector<128x128xi1> to vector<128x128xi32>
    %convert_element_type3A_630 = arith.sitofp %convert_element_type3A_629 : vector<128x128xi32> to vector<128x128xf32>
    %get3A_631 = arith.constant 1152 : index
    %get3A_632 = arith.constant 0 : index
    %get3A_633 = vector.load %arg3[%get3A_631, %get3A_632] : memref<2048x128xf32, #tpu.memory_space<vmem>>, vector<128x128xf32>
    %add3A_634 = vector.broadcast %dot_general3A_361 : vector<128x1xf32> to vector<128x128xf32>
    %add3A_635 = arith.addf %get3A_633, %add3A_634 : vector<128x128xf32>
    %mul3A_636 = arith.mulf %convert_element_type3A_630, %add3A_635 : vector<128x128xf32>
    %reduce_sum3A_637 = arith.constant dense<0.000000e+00> : vector<128xf32>
    %reduce_sum3A_638 = vector.multi_reduction <add>, %mul3A_636, %reduce_sum3A_637 [0] : vector<128x128xf32> to vector<128xf32>
    %broadcast_in_dim3A_639 = vector.shape_cast %reduce_sum3A_638 : vector<128xf32> to vector<1x128xf32>
    %sub3A_640 = arith.constant 1.000000e+00 : f32
    %sub3A_641 = vector.broadcast %sub3A_640 : f32 to vector<1x128xf32>
    %sub3A_642 = arith.subf %broadcast_in_dim3A_639, %sub3A_641 : vector<1x128xf32>
    %convert_element_type3A_643 = arith.fptosi %sub3A_642 : vector<1x128xf32> to vector<1x128xi32>
    %swap3A_644 = arith.constant 0 : index
    %swap3A_645 = arith.constant 9 : index
    %swap3A_646 = arith.constant 0 : index
    %swap3A_647 = vector.load %arg2[%swap3A_644, %swap3A_645, %swap3A_646] : memref<1x16x128xi32, #tpu.memory_space<vmem>>, vector<1x1x128xi32>
    %swap3A_648 = vector.shape_cast %swap3A_647 : vector<1x1x128xi32> to vector<1x128xi32>
    %swap3A_649 = vector.shape_cast %convert_element_type3A_643 : vector<1x128xi32> to vector<1x1x128xi32>
    tpu.vector_store %arg2[%swap3A_644, %swap3A_645, %swap3A_646], %swap3A_649 {strides = array<i32>} : memref<1x16x128xi32, #tpu.memory_space<vmem>>, vector<1x1x128xi32>,
    %get3A_650 = arith.constant 0 : index
    %get3A_651 = arith.constant 10 : index
    %get3A_652 = arith.constant 0 : index
    %get3A_653 = vector.load %arg1[%get3A_650, %get3A_651, %get3A_652] : memref<1x16x128xi32, #tpu.memory_space<vmem>>, vector<1x1x128xi32>
    %get3A_654 = vector.shape_cast %get3A_653 : vector<1x1x128xi32> to vector<1x128xi32>
    %eq3A_655 = vector.broadcast %xor3A_9 : vector<128x1xi32> to vector<128x128xi32>
    %eq3A_656 = vector.broadcast %get3A_654 : vector<1x128xi32> to vector<128x128xi32>
    %eq3A_657 = arith.cmpi eq, %eq3A_655, %eq3A_656 : vector<128x128xi32>
    %convert_element_type3A_658 = arith.extui %eq3A_657 : vector<128x128xi1> to vector<128x128xi32>
    %convert_element_type3A_659 = arith.sitofp %convert_element_type3A_658 : vector<128x128xi32> to vector<128x128xf32>
    %get3A_660 = arith.constant 1280 : index
    %get3A_661 = arith.constant 0 : index
    %get3A_662 = vector.load %arg3[%get3A_660, %get3A_661] : memref<2048x128xf32, #tpu.memory_space<vmem>>, vector<128x128xf32>
    %add3A_663 = vector.broadcast %dot_general3A_361 : vector<128x1xf32> to vector<128x128xf32>
    %add3A_664 = arith.addf %get3A_662, %add3A_663 : vector<128x128xf32>
    %mul3A_665 = arith.mulf %convert_element_type3A_659, %add3A_664 : vector<128x128xf32>
    %reduce_sum3A_666 = arith.constant dense<0.000000e+00> : vector<128xf32>
    %reduce_sum3A_667 = vector.multi_reduction <add>, %mul3A_665, %reduce_sum3A_666 [0] : vector<128x128xf32> to vector<128xf32>
    %broadcast_in_dim3A_668 = vector.shape_cast %reduce_sum3A_667 : vector<128xf32> to vector<1x128xf32>
    %sub3A_669 = arith.constant 1.000000e+00 : f32
    %sub3A_670 = vector.broadcast %sub3A_669 : f32 to vector<1x128xf32>
    %sub3A_671 = arith.subf %broadcast_in_dim3A_668, %sub3A_670 : vector<1x128xf32>
    %convert_element_type3A_672 = arith.fptosi %sub3A_671 : vector<1x128xf32> to vector<1x128xi32>
    %swap3A_673 = arith.constant 0 : index
    %swap3A_674 = arith.constant 10 : index
    %swap3A_675 = arith.constant 0 : index
    %swap3A_676 = vector.load %arg2[%swap3A_673, %swap3A_674, %swap3A_675] : memref<1x16x128xi32, #tpu.memory_space<vmem>>, vector<1x1x128xi32>
    %swap3A_677 = vector.shape_cast %swap3A_676 : vector<1x1x128xi32> to vector<1x128xi32>
    %swap3A_678 = vector.shape_cast %convert_element_type3A_672 : vector<1x128xi32> to vector<1x1x128xi32>
    tpu.vector_store %arg2[%swap3A_673, %swap3A_674, %swap3A_675], %swap3A_678 {strides = array<i32>} : memref<1x16x128xi32, #tpu.memory_space<vmem>>, vector<1x1x128xi32>,
    %get3A_679 = arith.constant 0 : index
    %get3A_680 = arith.constant 11 : index
    %get3A_681 = arith.constant 0 : index
    %get3A_682 = vector.load %arg1[%get3A_679, %get3A_680, %get3A_681] : memref<1x16x128xi32, #tpu.memory_space<vmem>>, vector<1x1x128xi32>
    %get3A_683 = vector.shape_cast %get3A_682 : vector<1x1x128xi32> to vector<1x128xi32>
    %eq3A_684 = vector.broadcast %xor3A_9 : vector<128x1xi32> to vector<128x128xi32>
    %eq3A_685 = vector.broadcast %get3A_683 : vector<1x128xi32> to vector<128x128xi32>
    %eq3A_686 = arith.cmpi eq, %eq3A_684, %eq3A_685 : vector<128x128xi32>
    %convert_element_type3A_687 = arith.extui %eq3A_686 : vector<128x128xi1> to vector<128x128xi32>
    %convert_element_type3A_688 = arith.sitofp %convert_element_type3A_687 : vector<128x128xi32> to vector<128x128xf32>
    %get3A_689 = arith.constant 1408 : index
    %get3A_690 = arith.constant 0 : index
    %get3A_691 = vector.load %arg3[%get3A_689, %get3A_690] : memref<2048x128xf32, #tpu.memory_space<vmem>>, vector<128x128xf32>
    %add3A_692 = vector.broadcast %dot_general3A_361 : vector<128x1xf32> to vector<128x128xf32>
    %add3A_693 = arith.addf %get3A_691, %add3A_692 : vector<128x128xf32>
    %mul3A_694 = arith.mulf %convert_element_type3A_688, %add3A_693 : vector<128x128xf32>
    %reduce_sum3A_695 = arith.constant dense<0.000000e+00> : vector<128xf32>
    %reduce_sum3A_696 = vector.multi_reduction <add>, %mul3A_694, %reduce_sum3A_695 [0] : vector<128x128xf32> to vector<128xf32>
    %broadcast_in_dim3A_697 = vector.shape_cast %reduce_sum3A_696 : vector<128xf32> to vector<1x128xf32>
    %sub3A_698 = arith.constant 1.000000e+00 : f32
    %sub3A_699 = vector.broadcast %sub3A_698 : f32 to vector<1x128xf32>
    %sub3A_700 = arith.subf %broadcast_in_dim3A_697, %sub3A_699 : vector<1x128xf32>
    %convert_element_type3A_701 = arith.fptosi %sub3A_700 : vector<1x128xf32> to vector<1x128xi32>
    %swap3A_702 = arith.constant 0 : index
    %swap3A_703 = arith.constant 11 : index
    %swap3A_704 = arith.constant 0 : index
    %swap3A_705 = vector.load %arg2[%swap3A_702, %swap3A_703, %swap3A_704] : memref<1x16x128xi32, #tpu.memory_space<vmem>>, vector<1x1x128xi32>
    %swap3A_706 = vector.shape_cast %swap3A_705 : vector<1x1x128xi32> to vector<1x128xi32>
    %swap3A_707 = vector.shape_cast %convert_element_type3A_701 : vector<1x128xi32> to vector<1x1x128xi32>
    tpu.vector_store %arg2[%swap3A_702, %swap3A_703, %swap3A_704], %swap3A_707 {strides = array<i32>} : memref<1x16x128xi32, #tpu.memory_space<vmem>>, vector<1x1x128xi32>,
    %get3A_708 = arith.constant 0 : index
    %get3A_709 = arith.constant 12 : index
    %get3A_710 = arith.constant 0 : index
    %get3A_711 = vector.load %arg1[%get3A_708, %get3A_709, %get3A_710] : memref<1x16x128xi32, #tpu.memory_space<vmem>>, vector<1x1x128xi32>
    %get3A_712 = vector.shape_cast %get3A_711 : vector<1x1x128xi32> to vector<1x128xi32>
    %eq3A_713 = vector.broadcast %xor3A_9 : vector<128x1xi32> to vector<128x128xi32>
    %eq3A_714 = vector.broadcast %get3A_712 : vector<1x128xi32> to vector<128x128xi32>
    %eq3A_715 = arith.cmpi eq, %eq3A_713, %eq3A_714 : vector<128x128xi32>
    %convert_element_type3A_716 = arith.extui %eq3A_715 : vector<128x128xi1> to vector<128x128xi32>
    %convert_element_type3A_717 = arith.sitofp %convert_element_type3A_716 : vector<128x128xi32> to vector<128x128xf32>
    %get3A_718 = arith.constant 1536 : index
    %get3A_719 = arith.constant 0 : index
    %get3A_720 = vector.load %arg3[%get3A_718, %get3A_719] : memref<2048x128xf32, #tpu.memory_space<vmem>>, vector<128x128xf32>
    %add3A_721 = vector.broadcast %dot_general3A_361 : vector<128x1xf32> to vector<128x128xf32>
    %add3A_722 = arith.addf %get3A_720, %add3A_721 : vector<128x128xf32>
    %mul3A_723 = arith.mulf %convert_element_type3A_717, %add3A_722 : vector<128x128xf32>
    %reduce_sum3A_724 = arith.constant dense<0.000000e+00> : vector<128xf32>
    %reduce_sum3A_725 = vector.multi_reduction <add>, %mul3A_723, %reduce_sum3A_724 [0] : vector<128x128xf32> to vector<128xf32>
    %broadcast_in_dim3A_726 = vector.shape_cast %reduce_sum3A_725 : vector<128xf32> to vector<1x128xf32>
    %sub3A_727 = arith.constant 1.000000e+00 : f32
    %sub3A_728 = vector.broadcast %sub3A_727 : f32 to vector<1x128xf32>
    %sub3A_729 = arith.subf %broadcast_in_dim3A_726, %sub3A_728 : vector<1x128xf32>
    %convert_element_type3A_730 = arith.fptosi %sub3A_729 : vector<1x128xf32> to vector<1x128xi32>
    %swap3A_731 = arith.constant 0 : index
    %swap3A_732 = arith.constant 12 : index
    %swap3A_733 = arith.constant 0 : index
    %swap3A_734 = vector.load %arg2[%swap3A_731, %swap3A_732, %swap3A_733] : memref<1x16x128xi32, #tpu.memory_space<vmem>>, vector<1x1x128xi32>
    %swap3A_735 = vector.shape_cast %swap3A_734 : vector<1x1x128xi32> to vector<1x128xi32>
    %swap3A_736 = vector.shape_cast %convert_element_type3A_730 : vector<1x128xi32> to vector<1x1x128xi32>
    tpu.vector_store %arg2[%swap3A_731, %swap3A_732, %swap3A_733], %swap3A_736 {strides = array<i32>} : memref<1x16x128xi32, #tpu.memory_space<vmem>>, vector<1x1x128xi32>,
    %get3A_737 = arith.constant 0 : index
    %get3A_738 = arith.constant 13 : index
    %get3A_739 = arith.constant 0 : index
    %get3A_740 = vector.load %arg1[%get3A_737, %get3A_738, %get3A_739] : memref<1x16x128xi32, #tpu.memory_space<vmem>>, vector<1x1x128xi32>
    %get3A_741 = vector.shape_cast %get3A_740 : vector<1x1x128xi32> to vector<1x128xi32>
    %eq3A_742 = vector.broadcast %xor3A_9 : vector<128x1xi32> to vector<128x128xi32>
    %eq3A_743 = vector.broadcast %get3A_741 : vector<1x128xi32> to vector<128x128xi32>
    %eq3A_744 = arith.cmpi eq, %eq3A_742, %eq3A_743 : vector<128x128xi32>
    %convert_element_type3A_745 = arith.extui %eq3A_744 : vector<128x128xi1> to vector<128x128xi32>
    %convert_element_type3A_746 = arith.sitofp %convert_element_type3A_745 : vector<128x128xi32> to vector<128x128xf32>
    %get3A_747 = arith.constant 1664 : index
    %get3A_748 = arith.constant 0 : index
    %get3A_749 = vector.load %arg3[%get3A_747, %get3A_748] : memref<2048x128xf32, #tpu.memory_space<vmem>>, vector<128x128xf32>
    %add3A_750 = vector.broadcast %dot_general3A_361 : vector<128x1xf32> to vector<128x128xf32>
    %add3A_751 = arith.addf %get3A_749, %add3A_750 : vector<128x128xf32>
    %mul3A_752 = arith.mulf %convert_element_type3A_746, %add3A_751 : vector<128x128xf32>
    %reduce_sum3A_753 = arith.constant dense<0.000000e+00> : vector<128xf32>
    %reduce_sum3A_754 = vector.multi_reduction <add>, %mul3A_752, %reduce_sum3A_753 [0] : vector<128x128xf32> to vector<128xf32>
    %broadcast_in_dim3A_755 = vector.shape_cast %reduce_sum3A_754 : vector<128xf32> to vector<1x128xf32>
    %sub3A_756 = arith.constant 1.000000e+00 : f32
    %sub3A_757 = vector.broadcast %sub3A_756 : f32 to vector<1x128xf32>
    %sub3A_758 = arith.subf %broadcast_in_dim3A_755, %sub3A_757 : vector<1x128xf32>
    %convert_element_type3A_759 = arith.fptosi %sub3A_758 : vector<1x128xf32> to vector<1x128xi32>
    %swap3A_760 = arith.constant 0 : index
    %swap3A_761 = arith.constant 13 : index
    %swap3A_762 = arith.constant 0 : index
    %swap3A_763 = vector.load %arg2[%swap3A_760, %swap3A_761, %swap3A_762] : memref<1x16x128xi32, #tpu.memory_space<vmem>>, vector<1x1x128xi32>
    %swap3A_764 = vector.shape_cast %swap3A_763 : vector<1x1x128xi32> to vector<1x128xi32>
    %swap3A_765 = vector.shape_cast %convert_element_type3A_759 : vector<1x128xi32> to vector<1x1x128xi32>
    tpu.vector_store %arg2[%swap3A_760, %swap3A_761, %swap3A_762], %swap3A_765 {strides = array<i32>} : memref<1x16x128xi32, #tpu.memory_space<vmem>>, vector<1x1x128xi32>,
    %get3A_766 = arith.constant 0 : index
    %get3A_767 = arith.constant 14 : index
    %get3A_768 = arith.constant 0 : index
    %get3A_769 = vector.load %arg1[%get3A_766, %get3A_767, %get3A_768] : memref<1x16x128xi32, #tpu.memory_space<vmem>>, vector<1x1x128xi32>
    %get3A_770 = vector.shape_cast %get3A_769 : vector<1x1x128xi32> to vector<1x128xi32>
    %eq3A_771 = vector.broadcast %xor3A_9 : vector<128x1xi32> to vector<128x128xi32>
    %eq3A_772 = vector.broadcast %get3A_770 : vector<1x128xi32> to vector<128x128xi32>
    %eq3A_773 = arith.cmpi eq, %eq3A_771, %eq3A_772 : vector<128x128xi32>
    %convert_element_type3A_774 = arith.extui %eq3A_773 : vector<128x128xi1> to vector<128x128xi32>
    %convert_element_type3A_775 = arith.sitofp %convert_element_type3A_774 : vector<128x128xi32> to vector<128x128xf32>
    %get3A_776 = arith.constant 1792 : index
    %get3A_777 = arith.constant 0 : index
    %get3A_778 = vector.load %arg3[%get3A_776, %get3A_777] : memref<2048x128xf32, #tpu.memory_space<vmem>>, vector<128x128xf32>
    %add3A_779 = vector.broadcast %dot_general3A_361 : vector<128x1xf32> to vector<128x128xf32>
    %add3A_780 = arith.addf %get3A_778, %add3A_779 : vector<128x128xf32>
    %mul3A_781 = arith.mulf %convert_element_type3A_775, %add3A_780 : vector<128x128xf32>
    %reduce_sum3A_782 = arith.constant dense<0.000000e+00> : vector<128xf32>
    %reduce_sum3A_783 = vector.multi_reduction <add>, %mul3A_781, %reduce_sum3A_782 [0] : vector<128x128xf32> to vector<128xf32>
    %broadcast_in_dim3A_784 = vector.shape_cast %reduce_sum3A_783 : vector<128xf32> to vector<1x128xf32>
    %sub3A_785 = arith.constant 1.000000e+00 : f32
    %sub3A_786 = vector.broadcast %sub3A_785 : f32 to vector<1x128xf32>
    %sub3A_787 = arith.subf %broadcast_in_dim3A_784, %sub3A_786 : vector<1x128xf32>
    %convert_element_type3A_788 = arith.fptosi %sub3A_787 : vector<1x128xf32> to vector<1x128xi32>
    %swap3A_789 = arith.constant 0 : index
    %swap3A_790 = arith.constant 14 : index
    %swap3A_791 = arith.constant 0 : index
    %swap3A_792 = vector.load %arg2[%swap3A_789, %swap3A_790, %swap3A_791] : memref<1x16x128xi32, #tpu.memory_space<vmem>>, vector<1x1x128xi32>
    %swap3A_793 = vector.shape_cast %swap3A_792 : vector<1x1x128xi32> to vector<1x128xi32>
    %swap3A_794 = vector.shape_cast %convert_element_type3A_788 : vector<1x128xi32> to vector<1x1x128xi32>
    tpu.vector_store %arg2[%swap3A_789, %swap3A_790, %swap3A_791], %swap3A_794 {strides = array<i32>} : memref<1x16x128xi32, #tpu.memory_space<vmem>>, vector<1x1x128xi32>,
    %get3A_795 = arith.constant 0 : index
    %get3A_796 = arith.constant 15 : index
    %get3A_797 = arith.constant 0 : index
    %get3A_798 = vector.load %arg1[%get3A_795, %get3A_796, %get3A_797] : memref<1x16x128xi32, #tpu.memory_space<vmem>>, vector<1x1x128xi32>
    %get3A_799 = vector.shape_cast %get3A_798 : vector<1x1x128xi32> to vector<1x128xi32>
    %eq3A_800 = vector.broadcast %xor3A_9 : vector<128x1xi32> to vector<128x128xi32>
    %eq3A_801 = vector.broadcast %get3A_799 : vector<1x128xi32> to vector<128x128xi32>
    %eq3A_802 = arith.cmpi eq, %eq3A_800, %eq3A_801 : vector<128x128xi32>
    %convert_element_type3A_803 = arith.extui %eq3A_802 : vector<128x128xi1> to vector<128x128xi32>
    %convert_element_type3A_804 = arith.sitofp %convert_element_type3A_803 : vector<128x128xi32> to vector<128x128xf32>
    %get3A_805 = arith.constant 1920 : index
    %get3A_806 = arith.constant 0 : index
    %get3A_807 = vector.load %arg3[%get3A_805, %get3A_806] : memref<2048x128xf32, #tpu.memory_space<vmem>>, vector<128x128xf32>
    %add3A_808 = vector.broadcast %dot_general3A_361 : vector<128x1xf32> to vector<128x128xf32>
    %add3A_809 = arith.addf %get3A_807, %add3A_808 : vector<128x128xf32>
    %mul3A_810 = arith.mulf %convert_element_type3A_804, %add3A_809 : vector<128x128xf32>
    %reduce_sum3A_811 = arith.constant dense<0.000000e+00> : vector<128xf32>
    %reduce_sum3A_812 = vector.multi_reduction <add>, %mul3A_810, %reduce_sum3A_811 [0] : vector<128x128xf32> to vector<128xf32>
    %broadcast_in_dim3A_813 = vector.shape_cast %reduce_sum3A_812 : vector<128xf32> to vector<1x128xf32>
    %sub3A_814 = arith.constant 1.000000e+00 : f32
    %sub3A_815 = vector.broadcast %sub3A_814 : f32 to vector<1x128xf32>
    %sub3A_816 = arith.subf %broadcast_in_dim3A_813, %sub3A_815 : vector<1x128xf32>
    %convert_element_type3A_817 = arith.fptosi %sub3A_816 : vector<1x128xf32> to vector<1x128xi32>
    %swap3A_818 = arith.constant 0 : index
    %swap3A_819 = arith.constant 15 : index
    %swap3A_820 = arith.constant 0 : index
    %swap3A_821 = vector.load %arg2[%swap3A_818, %swap3A_819, %swap3A_820] : memref<1x16x128xi32, #tpu.memory_space<vmem>>, vector<1x1x128xi32>
    %swap3A_822 = vector.shape_cast %swap3A_821 : vector<1x1x128xi32> to vector<1x128xi32>
    %swap3A_823 = vector.shape_cast %convert_element_type3A_817 : vector<1x128xi32> to vector<1x1x128xi32>
    tpu.vector_store %arg2[%swap3A_818, %swap3A_819, %swap3A_820], %swap3A_823 {strides = array<i32>} : memref<1x16x128xi32, #tpu.memory_space<vmem>>, vector<1x1x128xi32>,
    return
  }
  func.func @transform_0(%arg0: i32) -> (i32, i32, i32) {
    %c0_i32 = arith.constant 0 : i32
    %c0_i32_0 = arith.constant 0 : i32
    %c0_i32_1 = arith.constant 0 : i32
    return %arg0, %c0_i32, %c0_i32_0 : i32, i32, i32
  }
  func.func @transform_1(%arg0: i32) -> (i32, i32, i32) {
    %c0_i32 = arith.constant 0 : i32
    %c0_i32_0 = arith.constant 0 : i32
    %c0_i32_1 = arith.constant 0 : i32
    return %arg0, %c0_i32, %c0_i32_0 : i32, i32, i32
  }
}

module attributes {stable_mosaic.version = 14 : i64} {
  func.func @_attn_body(%arg0: i32, %arg1: i32, %arg2: memref<1x256x128xf32, #tpu.memory_space<vmem>>, %arg3: memref<1x256x128xf32, #tpu.memory_space<vmem>>, %arg4: memref<1x1024x128xf32, #tpu.memory_space<vmem>>, %arg5: memref<1x32x1024xf32, #tpu.memory_space<vmem>>, %arg6: memref<256x256xf32, #tpu.memory_space<vmem>>, %arg7: memref<1x256x128xf32, #tpu.memory_space<vmem>>) attributes {dimension_semantics = [#tpu.dimension_semantics<arbitrary>, #tpu.dimension_semantics<arbitrary>], iteration_bounds = array<i64: 12, 8>, scalar_prefetch = 0 : i64, scratch_operands = 0 : i64, tpu.core_type = #tpu.core_type<tc>, window_params = [{transform_indices = @transform_0, window_bounds = array<i64: 1, 256, 128>}, {transform_indices = @transform_1, window_bounds = array<i64: 1, 256, 128>}, {transform_indices = @transform_2, window_bounds = array<i64: 1, 1024, 128>}, {transform_indices = @transform_3, window_bounds = array<i64: 1, 32, 1024>}, {pipeline_mode = #tpu.pipeline_mode<synchronous>, transform_indices = @transform_4, window_bounds = array<i64: 256, 256>}, {transform_indices = @transform_5, window_bounds = array<i64: 1, 256, 128>}]} {
    %get3A = arith.constant 0 : index
    %get3A_0 = arith.constant 0 : index
    %get3A_1 = arith.constant 0 : index
    %get3A_2 = vector.load %arg2[%get3A, %get3A_0, %get3A_1] : memref<1x256x128xf32, #tpu.memory_space<vmem>>, vector<1x256x128xf32>
    %get3A_3 = vector.shape_cast %get3A_2 : vector<1x256x128xf32> to vector<256x128xf32>
    %slice3A = vector.extract_strided_slice %get3A_3 {offsets = [0, 0], sizes = [256, 64], strides = [1, 1]} : vector<256x128xf32> to vector<256x64xf32>
    %get3A_4 = arith.constant 0 : index
    %get3A_5 = arith.constant 0 : index
    %get3A_6 = arith.constant 0 : index
    %get3A_7 = vector.load %arg3[%get3A_4, %get3A_5, %get3A_6] : memref<1x256x128xf32, #tpu.memory_space<vmem>>, vector<1x256x128xf32>
    %get3A_8 = vector.shape_cast %get3A_7 : vector<1x256x128xf32> to vector<256x128xf32>
    %slice3A_9 = vector.extract_strided_slice %get3A_8 {offsets = [0, 0], sizes = [256, 64], strides = [1, 1]} : vector<256x128xf32> to vector<256x64xf32>
    %slice3A_10 = vector.extract_strided_slice %get3A_8 {offsets = [0, 64], sizes = [256, 64], strides = [1, 1]} : vector<256x128xf32> to vector<256x64xf32>
    %dot_general3A = arith.constant dense<0.000000e+00> : vector<256x256xf32>
    %dot_general3A_11 = tpu.matmul %slice3A, %slice3A_9, %dot_general3A {dimension_numbers = #tpu.dot_dimension_numbers<[1], [1], [0], [0], [0, 0, 1, 0], [], []>, transpose_lhs_hint = false} : vector<256x64xf32>, vector<256x64xf32>, vector<256x256xf32> -> vector<256x256xf32>
    %exp3A = math.exp %dot_general3A_11 : vector<256x256xf32>
    %get3A_12 = arith.constant 0 : index
    %get3A_13 = arith.constant 0 : index
    %get3A_14 = vector.load %arg6[%get3A_12, %get3A_13] : memref<256x256xf32, #tpu.memory_space<vmem>>, vector<256x256xf32>
    %mul3A = arith.mulf %exp3A, %get3A_14 : vector<256x256xf32>
    %dot_general3A_15 = arith.constant dense<0.000000e+00> : vector<256x64xf32>
    %dot_general3A_16 = tpu.matmul %mul3A, %slice3A_10, %dot_general3A_15 {dimension_numbers = #tpu.dot_dimension_numbers<[1], [0], [0], [1], [0, 0, 1, 1], [], []>, transpose_lhs_hint = false} : vector<256x256xf32>, vector<256x64xf32>, vector<256x64xf32> -> vector<256x64xf32>
    %reduce_sum3A = arith.constant dense<0.000000e+00> : vector<256xf32>
    %reduce_sum3A_17 = vector.multi_reduction <add>, %mul3A, %reduce_sum3A [1] : vector<256x256xf32> to vector<256xf32>
    %get3A_18 = arith.constant 0 : index
    %get3A_19 = arith.constant 0 : index
    %get3A_20 = arith.constant 0 : index
    %get3A_21 = vector.load %arg4[%get3A_18, %get3A_19, %get3A_20] : memref<1x1024x128xf32, #tpu.memory_space<vmem>>, vector<1x1024x128xf32>
    %get3A_22 = vector.shape_cast %get3A_21 : vector<1x1024x128xf32> to vector<1024x128xf32>
    %slice3A_23 = vector.extract_strided_slice %get3A_22 {offsets = [0, 0], sizes = [1024, 64], strides = [1, 1]} : vector<1024x128xf32> to vector<1024x64xf32>
    %slice3A_24 = vector.extract_strided_slice %get3A_22 {offsets = [0, 64], sizes = [1024, 64], strides = [1, 1]} : vector<1024x128xf32> to vector<1024x64xf32>
    %dot_general3A_25 = arith.constant dense<0.000000e+00> : vector<256x1024xf32>
    %dot_general3A_26 = tpu.matmul %slice3A, %slice3A_23, %dot_general3A_25 {dimension_numbers = #tpu.dot_dimension_numbers<[1], [1], [0], [0], [0, 0, 1, 0], [], []>, transpose_lhs_hint = false} : vector<256x64xf32>, vector<1024x64xf32>, vector<256x1024xf32> -> vector<256x1024xf32>
    %exp3A_27 = math.exp %dot_general3A_26 : vector<256x1024xf32>
    %slice3A_28 = vector.extract_strided_slice %exp3A_27 {offsets = [0, 0], sizes = [64, 1024], strides = [1, 1]} : vector<256x1024xf32> to vector<64x1024xf32>
    %mul3A_29 = arith.constant 4 : i32
    %mul3A_30 = arith.muli %arg1, %mul3A_29 : i32
    %add3A = arith.constant 0 : i32
    %add3A_31 = arith.addi %mul3A_30, %add3A : i32
    %get3A_32 = arith.constant 0 : index
    %get3A_33 = arith.index_cast %add3A_31 : i32 to index
    %get3A_34 = arith.constant 0 : index
    %get3A_35 = vector.load %arg5[%get3A_32, %get3A_33, %get3A_34] : memref<1x32x1024xf32, #tpu.memory_space<vmem>>, vector<1x1x1024xf32>
    %get3A_36 = vector.shape_cast %get3A_35 : vector<1x1x1024xf32> to vector<1x1024xf32>
    %mul3A_37 = vector.broadcast %get3A_36 : vector<1x1024xf32> to vector<64x1024xf32>
    %mul3A_38 = arith.mulf %slice3A_28, %mul3A_37 : vector<64x1024xf32>
    %slice3A_39 = vector.extract_strided_slice %exp3A_27 {offsets = [64, 0], sizes = [64, 1024], strides = [1, 1]} : vector<256x1024xf32> to vector<64x1024xf32>
    %mul3A_40 = arith.constant 4 : i32
    %mul3A_41 = arith.muli %arg1, %mul3A_40 : i32
    %add3A_42 = arith.constant 1 : i32
    %add3A_43 = arith.addi %mul3A_41, %add3A_42 : i32
    %get3A_44 = arith.constant 0 : index
    %get3A_45 = arith.index_cast %add3A_43 : i32 to index
    %get3A_46 = arith.constant 0 : index
    %get3A_47 = vector.load %arg5[%get3A_44, %get3A_45, %get3A_46] : memref<1x32x1024xf32, #tpu.memory_space<vmem>>, vector<1x1x1024xf32>
    %get3A_48 = vector.shape_cast %get3A_47 : vector<1x1x1024xf32> to vector<1x1024xf32>
    %mul3A_49 = vector.broadcast %get3A_48 : vector<1x1024xf32> to vector<64x1024xf32>
    %mul3A_50 = arith.mulf %slice3A_39, %mul3A_49 : vector<64x1024xf32>
    %slice3A_51 = vector.extract_strided_slice %exp3A_27 {offsets = [128, 0], sizes = [64, 1024], strides = [1, 1]} : vector<256x1024xf32> to vector<64x1024xf32>
    %mul3A_52 = arith.constant 4 : i32
    %mul3A_53 = arith.muli %arg1, %mul3A_52 : i32
    %add3A_54 = arith.constant 2 : i32
    %add3A_55 = arith.addi %mul3A_53, %add3A_54 : i32
    %get3A_56 = arith.constant 0 : index
    %get3A_57 = arith.index_cast %add3A_55 : i32 to index
    %get3A_58 = arith.constant 0 : index
    %get3A_59 = vector.load %arg5[%get3A_56, %get3A_57, %get3A_58] : memref<1x32x1024xf32, #tpu.memory_space<vmem>>, vector<1x1x1024xf32>
    %get3A_60 = vector.shape_cast %get3A_59 : vector<1x1x1024xf32> to vector<1x1024xf32>
    %mul3A_61 = vector.broadcast %get3A_60 : vector<1x1024xf32> to vector<64x1024xf32>
    %mul3A_62 = arith.mulf %slice3A_51, %mul3A_61 : vector<64x1024xf32>
    %slice3A_63 = vector.extract_strided_slice %exp3A_27 {offsets = [192, 0], sizes = [64, 1024], strides = [1, 1]} : vector<256x1024xf32> to vector<64x1024xf32>
    %mul3A_64 = arith.constant 4 : i32
    %mul3A_65 = arith.muli %arg1, %mul3A_64 : i32
    %add3A_66 = arith.constant 3 : i32
    %add3A_67 = arith.addi %mul3A_65, %add3A_66 : i32
    %get3A_68 = arith.constant 0 : index
    %get3A_69 = arith.index_cast %add3A_67 : i32 to index
    %get3A_70 = arith.constant 0 : index
    %get3A_71 = vector.load %arg5[%get3A_68, %get3A_69, %get3A_70] : memref<1x32x1024xf32, #tpu.memory_space<vmem>>, vector<1x1x1024xf32>
    %get3A_72 = vector.shape_cast %get3A_71 : vector<1x1x1024xf32> to vector<1x1024xf32>
    %mul3A_73 = vector.broadcast %get3A_72 : vector<1x1024xf32> to vector<64x1024xf32>
    %mul3A_74 = arith.mulf %slice3A_63, %mul3A_73 : vector<64x1024xf32>
    %concatenate3A = tpu.concatenate %mul3A_38, %mul3A_50, %mul3A_62, %mul3A_74 in 0 : vector<64x1024xf32>, vector<64x1024xf32>, vector<64x1024xf32>, vector<64x1024xf32> -> vector<256x1024xf32>
    %dot_general3A_75 = arith.constant dense<0.000000e+00> : vector<256x64xf32>
    %dot_general3A_76 = tpu.matmul %concatenate3A, %slice3A_24, %dot_general3A_75 {dimension_numbers = #tpu.dot_dimension_numbers<[1], [0], [0], [1], [0, 0, 1, 1], [], []>, transpose_lhs_hint = false} : vector<256x1024xf32>, vector<1024x64xf32>, vector<256x64xf32> -> vector<256x64xf32>
    %add3A_77 = arith.addf %dot_general3A_16, %dot_general3A_76 : vector<256x64xf32>
    %reduce_sum3A_78 = arith.constant dense<0.000000e+00> : vector<256xf32>
    %reduce_sum3A_79 = vector.multi_reduction <add>, %concatenate3A, %reduce_sum3A_78 [1] : vector<256x1024xf32> to vector<256xf32>
    %add3A_80 = arith.addf %reduce_sum3A_17, %reduce_sum3A_79 : vector<256xf32>
    %broadcast_in_dim3A = vector.shape_cast %add3A_80 : vector<256xf32> to vector<256x1xf32>
    %div3A = vector.broadcast %broadcast_in_dim3A : vector<256x1xf32> to vector<256x64xf32>
    %div3A_81 = arith.divf %add3A_77, %div3A : vector<256x64xf32>
    %broadcast_in_dim3A_82 = arith.constant 0.000000e+00 : f32
    %broadcast_in_dim3A_83 = vector.broadcast %broadcast_in_dim3A_82 : f32 to vector<256x64xf32>
    %concatenate3A_84 = tpu.concatenate %div3A_81, %broadcast_in_dim3A_83 in 1 : vector<256x64xf32>, vector<256x64xf32> -> vector<256x128xf32>
    %swap3A = arith.constant 0 : index
    %swap3A_85 = arith.constant 0 : index
    %swap3A_86 = arith.constant 0 : index
    %swap3A_87 = vector.load %arg7[%swap3A, %swap3A_85, %swap3A_86] : memref<1x256x128xf32, #tpu.memory_space<vmem>>, vector<1x256x128xf32>
    %swap3A_88 = vector.shape_cast %swap3A_87 : vector<1x256x128xf32> to vector<256x128xf32>
    %swap3A_89 = vector.shape_cast %concatenate3A_84 : vector<256x128xf32> to vector<1x256x128xf32>
    tpu.vector_store %arg7[%swap3A, %swap3A_85, %swap3A_86], %swap3A_89 {strides = array<i32>} : memref<1x256x128xf32, #tpu.memory_space<vmem>>, vector<1x256x128xf32>,
    return
  }
  func.func @transform_0(%arg0: i32, %arg1: i32) -> (i32, i32, i32) {
    %c0_i32 = arith.constant 0 : i32
    %c0_i32_0 = arith.constant 0 : i32
    return %arg0, %arg1, %c0_i32 : i32, i32, i32
  }
  func.func @transform_1(%arg0: i32, %arg1: i32) -> (i32, i32, i32) {
    %c0_i32 = arith.constant 0 : i32
    %c0_i32_0 = arith.constant 0 : i32
    return %arg0, %arg1, %c0_i32 : i32, i32, i32
  }
  func.func @transform_2(%arg0: i32, %arg1: i32) -> (i32, i32, i32) {
    %c0_i32 = arith.constant 0 : i32
    %c0_i32_0 = arith.constant 0 : i32
    %c0_i32_1 = arith.constant 0 : i32
    return %arg0, %c0_i32, %c0_i32_0 : i32, i32, i32
  }
  func.func @transform_3(%arg0: i32, %arg1: i32) -> (i32, i32, i32) {
    %c0_i32 = arith.constant 0 : i32
    %c0_i32_0 = arith.constant 0 : i32
    %c0_i32_1 = arith.constant 0 : i32
    return %arg0, %c0_i32, %c0_i32_0 : i32, i32, i32
  }
  func.func @transform_4(%arg0: i32, %arg1: i32) -> (i32, i32) {
    %c0_i32 = arith.constant 0 : i32
    %c0_i32_0 = arith.constant 0 : i32
    %c0_i32_1 = arith.constant 0 : i32
    return %c0_i32, %c0_i32_0 : i32, i32
  }
  func.func @transform_5(%arg0: i32, %arg1: i32) -> (i32, i32, i32) {
    %c0_i32 = arith.constant 0 : i32
    %c0_i32_0 = arith.constant 0 : i32
    return %arg0, %arg1, %c0_i32 : i32, i32, i32
  }
}

</mosaic_0001>

<sc_bundles>
// kernel: gather_offload_async_start
scs
__scs_entry_jumppad:
0x0: {  	(pc) =	sbr.rel $0x88, $3  }
0x1: {  	(tag) =	ssettag $0x0;
	lr =	simm.s32 $0x1  }
0x2: {  	[smem:$0x3F9D] =	sst lr;
	_ =	strace $0xD0000000  }
0x3: {  	_ = 	snop  }
0x4: {  	_ = 	snop  }
0x5: {  	_ = 	snop  }
0x6: {  	_ = 	snop  }
0x7: {  	_ = 	snop  }
__scs_overlays_trampoline_lowered:
0x8: {  	[smem:$0x3FAC] =	sst s0  }
0x9: {  	[smem:$0x3FAD] =	sst s1  }
0xa: {  	[smem:$0x3FAE] =	sst s2  }
0xb: {  	[smem:$0x3FAF] =	sst s3  }
0xc: {  	[smem:$0x3FB0] =	sst s4  }
0xd: {  	[smem:$0x3FB1] =	sst s5  }
0xe: {  	[smem:$0x3FB2] =	sst s6  }
0xf: {  	[smem:$0x3FB3] =	sst s7  }
0x10: {  	[smem:$0x3FB4] =	sst s8  }
0x11: {  	[smem:$0x3FB5] =	sst s9;
	s0 =	simm.s32 @!p0 $0x0  }
0x12: {  	s1 =	sld [smem:$0x3F9B];
	s0 =	simm.s32 @p0 $0x1  }
0x13: {  	[smem:$0x3FB6] =	sst s0;
	s0 =	simm.s32 @!p1 $0x0  }
0x14: {  	s2 =	sld [smem:$0x3F9A];
	s0 =	simm.s32 @p1 $0x1  }
0x15: {  	[smem:$0x3FB7] =	sst s0;
	s0 =	simm.s32 @!p2 $0x0  }
0x16: {  	s3 =	sld [smem:$0x3FDB];
	s0 =	simm.s32 @p2 $0x1  }
0x17: {  	s4 =	simm.s32 $0x1BF5;
	[smem:$0x3FB9] =	sst s0  }
0x18: {  	s0 =	sld [smem:$0x3F9C];
	_ =	swait.ge [sflag:s4], $0x0  }
0x19: {  	s7 =	sld [smem:$0x3F9D]  }
0x1a: {  	s8 =	sadd.s32 $0xFFFFE003, lr  }
0x1b: {  	s9 =	sadd.s32 $0xFFFFFEF7, lr;
	s5 =	simm.s32 $0xFFFFFFFF;
	p2 =	slt.u32 s8, $0xFFFFF086  }
0x1c: {  	p1 =	slt.u32 s9, $0xF7A;
	s5 =	simm.s32 @!p2 $0x0  }
0x1d: {  	s5 =	simm.s32 @p1 $0x1;
	p0 =	seq.s32 s7, s2  }
0x1e: {  	s7 =	smul.u32 @!p0 $0xF7A, s2;
	p2 =	seq.s32 @!p0 s5, $0x0  }
0x1f: {  	s9 =	smul.u32 $0xF7A, s1;
	s8 =	simm.s32 @!p0 $0x1BF5;
	p2 =	por !p2, p0  }
0x20: {  	[sflag:s8] =	ssyncset.s32 @!p0 $0xFFFFF086;
	s6 =	sadd.s32 @!p0 s3, s7;
	s7 =	simm.s32 @!p0 $0x108  }
0x21: {  	s3 =	sadd.s32 s3, s9;
	s6 =	sadd.s32 @!p0 $0x88, s6;
	s7 =	simm.s32 @p2 $0x1082  }
0x22: {  	[simem:s7], [sflag:s8] =	dma.local @!p0 [hbm:s6], $0xF7A  }
0x23: {  	s9 =	sor.u32 $0xD0000000, s2;
	s6 =	simm.s32 $0x108;
	_ =	swait.ge @!p0 [sflag:s8], $0x0  }
0x24: {  	s3 =	sadd.s32 $0x88, s3;
	s6 =	simm.s32 @!p1 $0x1082;
	[sflag:s4] =	ssyncset.s32 $0xFFFFF086  }
0x25: {  	[simem:s6], [sflag:s4] =	dma.local [hbm:s3], $0xF7A  }
0x26: {  	[smem:$0x3F9D] =	sst s1;
	(tag) =	ssettag s2;
	_ =	strace s9  }
0x27: {  	s1 =	sld [smem:$0x3FAD]  }
0x28: {  	s2 =	sld [smem:$0x3FAE]  }
0x29: {  	s4 =	sld [smem:$0x3FB0]  }
0x2a: {  	p0 =	seq.s32 s5, $0x0;
	s5 =	sld [smem:$0x3FB1]  }
0x2b: {  	s6 =	sld [smem:$0x3FB2]  }
0x2c: {  	s7 =	sld [smem:$0x3FB3]  }
0x2d: {  	s3 =	simm.s32 $0x108;
	s8 =	sld [smem:$0x3FB4]  }
0x2e: {  	s3 =	simm.s32 @!p0 $0x1082;
	s9 =	sld [smem:$0x3FB5]  }
0x2f: {  	lr =	sadd.s32 s0, s3;
	s0 =	sld [smem:$0x3FAC]  }
0x30: {  	s3 =	sld [smem:$0x3FAF]  }
0x31: {  	[smem:$0x3FB8] =	sst s10  }
0x32: {  	s10 =	sld [smem:$0x3FB6];
	_ =	sdelay $0x3  }
0x33: {  	p0 =	seq.s32 s10, $0x1;
	s10 =	sld [smem:$0x3FB8];
	_ =	sdelay $0x3  }
0x34: {  	[smem:$0x3FB8] =	sst s10  }
0x35: {  	s10 =	sld [smem:$0x3FB7];
	_ =	sdelay $0x3  }
0x36: {  	p1 =	seq.s32 s10, $0x1;
	s10 =	sld [smem:$0x3FB8];
	_ =	sdelay $0x3  }
0x37: {  	[smem:$0x3FB8] =	sst s10  }
0x38: {  	s10 =	sld [smem:$0x3FB9]  }
0x39: {  	_ = 	snop;
	(pc) =	sbr.ind lr, $3  }
0x3a: {  	_ = 	snop  }
0x3b: {  	_ = 	snop  }
0x3c: {  	p2 =	seq.s32 s10, $0x1;
	s10 =	sld [smem:$0x3FB8]  }
0x3d: {  	_ =	shalt  }
0x3e: {  	_ =	shalt  }
0x3f: {  	_ =	shalt  }
0x40: {  	_ =	shalt  }
0x41: {  	_ =	shalt  }
0x42: {  	_ =	shalt  }
0x43: {  	_ =	shalt  }
0x44: {  	_ =	shalt  }
0x45: {  	_ =	shalt  }
0x46: {  	_ =	shalt  }
0x47: {  	_ =	shalt  }
0x48: {  	_ =	shalt  }
0x49: {  	_ =	shalt  }
0x4a: {  	_ =	shalt  }
0x4b: {  	_ =	shalt  }
0x4c: {  	_ =	shalt  }
0x4d: {  	_ =	shalt  }
0x4e: {  	_ =	shalt  }
0x4f: {  	_ =	shalt  }
0x50: {  	_ =	shalt  }
0x51: {  	_ =	shalt  }
0x52: {  	_ =	shalt  }
0x53: {  	_ =	shalt  }
0x54: {  	_ =	shalt  }
0x55: {  	_ =	shalt  }
0x56: {  	_ =	shalt  }
0x57: {  	_ =	shalt  }
0x58: {  	_ =	shalt  }
0x59: {  	_ =	shalt  }
0x5a: {  	_ =	shalt  }
0x5b: {  	_ =	shalt  }
0x5c: {  	_ =	shalt  }
0x5d: {  	_ =	shalt  }
0x5e: {  	_ =	shalt  }
0x5f: {  	_ =	shalt  }
0x60: {  	_ =	shalt  }
0x61: {  	_ =	shalt  }
0x62: {  	_ =	shalt  }
0x63: {  	_ =	shalt  }
0x64: {  	_ =	shalt  }
0x65: {  	_ =	shalt  }
0x66: {  	_ =	shalt  }
0x67: {  	_ =	shalt  }
0x68: {  	_ =	shalt  }
0x69: {  	_ =	shalt  }
0x6a: {  	_ =	shalt  }
0x6b: {  	_ =	shalt  }
0x6c: {  	_ =	shalt  }
0x6d: {  	_ =	shalt  }
0x6e: {  	_ =	shalt  }
0x6f: {  	_ =	shalt  }
0x70: {  	_ =	shalt  }
0x71: {  	_ =	shalt  }
0x72: {  	_ =	shalt  }
0x73: {  	_ =	shalt  }
0x74: {  	_ =	shalt  }
0x75: {  	_ =	shalt  }
0x76: {  	_ =	shalt  }
0x77: {  	_ =	shalt  }
0x78: {  	_ =	shalt  }
0x79: {  	_ =	shalt  }
0x7a: {  	_ =	shalt  }
0x7b: {  	_ =	shalt  }
0x7c: {  	_ =	shalt  }
0x7d: {  	_ =	shalt  }
0x7e: {  	_ =	shalt  }
0x7f: {  	_ =	shalt  }
0x80: {  	_ =	shalt  }
0x81: {  	_ =	shalt  }
0x82: {  	_ =	shalt  }
0x83: {  	_ =	shalt  }
0x84: {  	_ =	shalt  }
0x85: {  	_ =	shalt  }
0x86: {  	_ =	shalt  }
0x87: {  	_ =	shalt  }
.Lfunc_end0:
.L_simem_size_0:
called_computation_lowered:
.L_overlay_start_0:
0x88: {  	s2 =	sld [smem:$0x3FD9]  }
0x89: {  	s3 =	sld [smem:$0x3FFE];
	_ =	sdelay $0x1  }
0x8a: {  	s1 =	srdreg.scid  }
0x8b: {  	s0 =	sand.u32 $0x1, s1  }
0x8c: {  	s16 =	sshll.u32 s0, $0xA;
	s2 =	sadd.s32 s3, s2  }
0x8d: {  	s2 =	sadd.s32 s2, s16  }
0x8e: {  	[smem:$0x3FC4] =	sst s2  }
0x8f: {  	_ = 	snop  }
0x90: {  	(tm) =	ssettm $0x1  }
0x91: {  	s17 =	sld [smem:$0x3FFB];
	_ =	sdelay $0x3  }
0x92: {  	_ =	strace s17  }
0x93: {  	s2 =	sld [smem:$0x3FFC];
	_ =	sdelay $0x3  }
0x94: {  	_ =	strace s2  }
0x95: {  	s2 =	sld [smem:$0x3FFD];
	_ =	sdelay $0x3  }
0x96: {  	_ =	strace s2  }
0x97: {  	_ =	strace $0x8FFFFFFF  }
0x98: {  	s18 =	sld [smem:$0x3FDB];
	_ =	sdelay $0x1  }
0x99: {  	s19 =	simm.s32 $_scs_section_size  }
0x9a: {  	s4 =	simm.s32 $_size__tile_overlayer_lowered;
	s5 =	simm.s32 $_tile_overlayer_lowered  }
0x9b: {  	s22 =	simm.s32 $0x1BFF;
	s21 =	sshll.u32 s5, $0x1;
	s2 =	sadd.s32 s19, s18  }
0x9c: {  	s6 =	simm.s32 $0x0;
	s20 =	sshll.u32 s4, $0x1;
	s4 =	sadd.s32 s21, s2  }
0x9d: {  	[timem:s6], [sflag:s22] =	dma.local [hbm:s4], s20  }
0x9e: {  	_ =	swait.ge [sflag:s22], s20  }
0x9f: {  	s3 =	ssub.s32 $0x0, s20;
	[sflag:s22] =	ssyncset.done $0x0  }
0xa0: {  	[sflag:s22] =	ssyncadd.s32 s3;
	_ =	sdelay $0x1  }
0xa1: {  	s23 =	simm.s32 $0x1B8B  }
0xa2: {  	_ =	swait.ge [sflag:s23], $0x1  }
0xa3: {  	[sflag:s23] =	ssyncset.done $0x0  }
0xa4: {  	s25 =	simm.s32 $0x1B8E;
	s24 =	sld [smem:$0x3FFE];
	[sflag:s23] =	ssyncadd.s32 $0xFFFFFFFF  }
0xa5: {  	s26 =	simm.s32 $execute0_lowered;
	[smem:$0x3FD2] =	sst s25  }
0xa6: {  	s4 =	sshll.u32 s26, $0x1;
	_ =	strace $0x80000049;
	[dreg:$0x1] =	wrdreg $0xFFFFFFFF  }
0xa7: {  	s28 =	simm.s32 $_size_execute0_lowered;
	s2 =	sadd.s32 s2, s4;
	[dreg:$0x0] =	wrdreg $0x0  }
0xa8: {  	s4 =	sshll.u32 s28, $0x1;
	[dreg:$0x2] =	wrdreg s2  }
0xa9: {  	[dreg:$0x3] =	wrdreg s4  }
0xaa: {  	[dreg:$0x4] =	wrdreg $0xC0  }
0xab: {  	_ =	task [dreg:s6], $0x5FFFF  }
0xac: {  	[dreg:$0x1] =	wrdreg $0xFFFFFFFF  }
0xad: {  	[dreg:$0x0] =	wrdreg $0x60  }
0xae: {  	[dreg:$0x2] =	wrdreg s24  }
0xaf: {  	[dreg:$0x3] =	wrdreg $0x9  }
0xb0: {  	_ =	task.clear_ibuf [dreg:s6], $0x4FFFF;
	_ =	strace $0x90000049  }
0xb1: {  	s29 =	simm.s32 $0x9;
	_ =	strace $0x8000004B  }
0xb2: {  	_ =	swait.ge [sflag:s29], $0x1  }
0xb3: {  	[sflag:s29] =	ssyncadd.s32 $0xFFFFFFFF  }
0xb4: {  	_ =	strace $0x9000004B  }
0xb5: {  	_ =	sfence  }
0xb6: {  	s30 =	sld [smem:$0x0];
	_ =	sdelay $0x2  }
0xb7: {  	s31 =	sshll.u32 s1, $0xD;
	s1 =	sshrl.u32 s1, $0x2  }
0xb8: {  	s3 =	sand.u32 $0x4000, s31;
	s1 =	sadd.s32 s1, s30  }
0xb9: {  	s0 =	sor.u32 s3, s0;
	s1 =	sshll.u32 s1, $0x11  }
0xba: {  	s0 =	sor.u32 s1, s0  }
0xbb: {  	s0 =	sadd.s32 $0x8F2B, s0  }
0xbc: {  	[sflag:s0] =	ssyncadd.remote.s32 $0x1  }
0xbd: {  	_ =	sfence.sel $0xFFFF  }
0xbe: {  	[dreg:$0x0] =	wrdreg $0xFFFFFFFF;
	(pc) =	sbr.abs _section_cstart, $3  }
0xbf: {  	[dreg:$0x1] =	wrdreg $0xFFFFFFFF  }
0xc0: {  	_ =	task.clear_ibuf [dreg:s6], $0x2FFFF;
	_ =	strace $0x9FFFFFFF  }
0xc1: {  	(tm) =	ssettm $0x7FFFFFFF  }
tec
execute0_lowered:
.L_overlay_start_1:
0x0: {  	(tag) =	ssettag $0x1  }
0x1: {  	s8 =	rddreg [dreg:$0x0]  }
0x2: {  	s0 =	rddreg [dreg:$0x1];
	_ =	strace $0x8000004A;
	s1 =	stileid.u32  }
0x3: {  	s3 =	srdreg.scid;
	s4 =	simm.s32 $0x1;
	s7 =	simm.s32 $0x1  }
0x4: {  	s9 =	simm.s32 $0x1;
	s10 =	simm.s32 $0x3;
	s13 =	simm.s32 $0x0  }
0x5: {  	s12 =	simm.s32 $0x0;
	s5 =	sand.u32 $0x1, s3;
	s6 =	sshll.u32 s1, $0x1  }
0x6: {  	s2 =	sadd.s32 $0x60200, s8;
	s3 =	sadd.s32 $0x61200, s8;
	s5 =	sor.u32 s6, s5  }
.Ltmp0:
0x7: {  	[sflag:s4] =	ssyncpa.u1 $0x0;
	p0 =	slt.u32 s5, $0x9;
	(pc) =	sbr.rel .LBB2_1-.Ltmp0, $4  }
0x8: {  	s6 =	simm.s32 $0x2;
	s7 =	simm.s32 @!p0 $0x0;
	p0 =	sne.s32 s5, $0x8  }
0x9: {  	[sflag:s6] =	ssyncpa.u1 $0x0;
	s5 =	smul.u32 $0xF0, s5;
	s9 =	simm.s32 @!p0 $0x0  }
0xa: {  	s8 =	sadd.s32 $0x61800, s8;
	[sflag:s10] =	ssyncpa.u1 $0x0;
	s7 =	sadd.s32 s9, s7  }
0xb: {  	vm0 =	vmmov $0xffff;
	s10 =	simm.s32 $0x0;
	s11 =	smov.u32 s5;
	s9 =	sadd.s32 $0x1, s7  }
.LBB2_4:
0xc: {  	vm1 =	veq.s32 v0, $0x80000000;
	v63 =	vand.u32 $0xF, v0;
	v2 =	vand.u32 $0x7FF, v2  }
0xd: {  	v0 =	vsel vm1, $0xFFFFFFFF, v63;
	v2 =	vsel vm1, $0xFFFFFFFF, v2  }
0xe: {  	v3 =	vshll.u32 v0, $0xB;
	v4 =	vshll.u32 v2, $0x3  }
0xf: {  	v0 =	vshll.u32 v0, $0x7;
	v3 =	vand.u32 $0xFFFFC000, v3;
	v4 =	vand.u32 $0xFFFFFC00, v4  }
0x10: {  	v0 =	vand.u32 $0x380, v0;
	v3 =	vadd.s32 v3, v4  }
0x11: {  	v2 =	vand.u32 $0x7F, v2;
	v0 =	vor.u32 v0, v3  }
0x12: {  	v0 =	vor.u32 v2, v0;
	_ =	sdelay $0x1  }
0x13: {  	(ifvalue) =	ssetifvalue $0x7FFFFFFF;
	s15 =	sadd.s32 $0x10, s15  }
0x14: {  	[tilespmem:s15], [sflag:$0x1] =	stream.indirect_vreg.gather [hbm4b:s2+s10], $0x1, v1, vm0, $0x4038;
	[tilespmem:$0x3C0] =	vst v63  }
0x15: {  	(ifvalue) =	ssetifvalue $0x7FFFFFFF;
	s15 =	sadd.s32 $0x10, s15  }
0x16: {  	[tilespmem:s15], [sflag:$0x1] =	stream.indirect_vreg.gather [hbm4b:s2+s10], $0x1, v0, vm0, $0x4038;
	[tilespmem:$0x3C0] =	vst v63  }
0x17: {  	_ =	swait.ge [sflag:s4], $0xF0  }
0x18: {  	s30 =	sshrl.u32 s13, $0x3;
	[sflag:s4] =	ssyncset.done $0x0  }
0x19: {  	s31 =	sand.u32 $0x7, s13;
	s15 =	sadd.s32 s8, s30;
	[sflag:s4] =	ssyncadd.s32 $0xFFFFFF10  }
0x1a: {  	[hbm4b:s15+s31] =	stream.linear.scatter [tilespmem:s14], [sflag:$0x3], $0xF0, $0x38;
	[tilespmem:$0x3C0] =	vst v63  }
.LBB2_5:
0x1b: {  	s15 =	sadd.s32 $0x1E00, s11  }
0x1c: {  	p1 =	sgt.s32 s15, $0x257F  }
0x1d: {  	s15 =	smov.u32 @p1 s5;
	p1 =	sne.s32 s12, s9  }
.Ltmp1:
0x1e: {  	p0 =	slt.u32 s12, $0x2;
	(pc) =	sbr.rel @!p1 .LBB2_6-.Ltmp1, $4  }
0x1f: {  	s14 =	simm.s32 @!p0 $0x3  }
0x20: {  	_ =	swait.ge @!p0 [sflag:s14], $0xF0  }
0x21: {  	s16 =	sadd.s32 $0x1, s12;
	s13 =	smov.u32 s11;
	[sflag:s14] =	ssyncset.done @!p0 $0x0  }
0x22: {  	s12 =	smov.u32 s16;
	s11 =	smov.u32 s15;
	[sflag:s14] =	ssyncadd.s32 @!p0 $0xFFFFFF10  }
.LBB2_1:
0x23: {  	p0 =	sge.u32 s12, s7  }
0x24: {  	s14 =	sxor.u32 @!p0 $0x1, s12  }
0x25: {  	s14 =	smul.u32 @!p0 $0x3C0, s14  }
0x26: {  	s31 =	sadd.s32 $0xFFFFFFFF, s12;
	s15 =	sshrl.u32 @!p0 s11, $0x3  }
0x27: {  	s16 =	sand.u32 @!p0 $0x7, s11;
	s15 =	sadd.s32 @!p0 s3, s15;
	s14 =	sshra.s32 @!p0 s14, $0x2  }
0x28: {  	[tilespmem:s14], [sflag:$0x2] =	stream.linear.gather @!p0 [hbm4b:s15+s16], $0xF0, $0x38;
	[tilespmem:$0x3C0] =	vst v63  }
0x29: {  	p0 =	sge.u32 s31, s7  }
.Ltmp2:
0x2a: {  	_ = 	snop;
	(pc) =	sbr.rel @p0 .LBB2_5-.Ltmp2, $1  }
0x2b: {  	_ =	sdelay $0x3  }
0x2c: {  	s14 =	sand.u32 $0x1, s12  }
0x2d: {  	_ =	swait.ge [sflag:s6], $0xF0;
	p0 =	seq.s32 s14, $0x1;
	s14 =	simm.s32 $0xF0  }
0x2e: {  	[sflag:s6] =	ssyncset.done $0x0;
	s14 =	simm.s32 @!p0 $0x0  }
0x2f: {  	[sflag:s6] =	ssyncadd.s32 $0xFFFFFF10;
	(ifvalue) =	ssetifvalue $0x7FFFFFFF;
	v0 =	vld.msk [tilespmem:s14+$0x0 ss:$0x1], $0xffff;
	_ =	sdelay $0x3  }
0x30: {  	s15 =	sadd.s32 $0x10, s14  }
0x31: {  	v2 =	vld.msk [tilespmem:s15+$0x0 ss:$0x1], $0xffff;
	v1 =	vshrl.u32 v0, $0x4  }
0x32: {  	vm1 =	veq.s32 v0, $0x80000000;
	v0 =	vand.u32 $0xF, v0;
	v1 =	vand.u32 $0x7FF, v1  }
0x33: {  	v0 =	vsel vm1, $0xFFFFFFFF, v0;
	v1 =	vsel vm1, $0xFFFFFFFF, v1  }
0x34: {  	v3 =	vshll.u32 v0, $0xB;
	v4 =	vshll.u32 v1, $0x3  }
0x35: {  	v0 =	vshll.u32 v0, $0x7;
	v3 =	vand.u32 $0xFFFFC000, v3;
	v4 =	vand.u32 $0xFFFFFC00, v4  }
0x36: {  	vm1 =	veq.s32 v2, $0x80000000;
	v0 =	vand.u32 $0x380, v0;
	v3 =	vadd.s32 v3, v4  }
0x37: {  	v1 =	vand.u32 $0x7F, v1;
	v0 =	vor.u32 v0, v3;
	v3 =	vshrl.u32 v2, $0x4  }
0x38: {  	s15 =	sadd.s32 $0x10, s15;
	v2 =	vand.u32 $0xF, v2;
	v1 =	vor.u32 v1, v0;
	v3 =	vand.u32 $0x7FF, v3  }
0x39: {  	v0 =	vld.msk [tilespmem:s15+$0x0 ss:$0x1], $0xffff;
	v2 =	vsel vm1, $0xFFFFFFFF, v2;
	v3 =	vsel vm1, $0xFFFFFFFF, v3  }
0x3a: {  	v63 =	vshll.u32 v2, $0xB;
	v5 =	vshll.u32 v3, $0x3  }
0x3b: {  	v2 =	vshll.u32 v2, $0x7;
	v4 =	vand.u32 $0xFFFFC000, v63;
	v5 =	vand.u32 $0xFFFFFC00, v5  }
0x3c: {  	s14 =	sadd.s32 $0x1E0, s14;
	(ifvalue) =	ssetifvalue $0x7FFFFFFF;
	v2 =	vand.u32 $0x380, v2;
	v4 =	vadd.s32 v4, v5  }
0x3d: {  	[tilespmem:s14], [sflag:$0x1] =	stream.indirect_vreg.gather [hbm4b:s2+s10], $0x1, v1, vm0, $0x4038;
	v1 =	vand.u32 $0x7F, v3;
	v3 =	vor.u32 v2, v4;
	[tilespmem:$0x3C0] =	vst v63  }
0x3e: {  	s16 =	simm.s32 $0x20;
	s17 =	sadd.s32 $0x10, s15;
	s15 =	smov.u32 s14;
	v2 =	vshrl.u32 v0, $0x4;
	v1 =	vor.u32 v1, v3  }
.LBB2_3:
0x3f: {  	s16 =	sadd.s32 $0x10, s16;
	vm1 =	veq.s32 v0, $0x80000000;
	v3 =	vand.u32 $0xF, v0;
	v0 =	vld.msk [tilespmem:s17+$0x0 ss:$0x1], $0xffff;
	v2 =	vand.u32 $0x7FF, v2  }
0x40: {  	p0 =	slt.u32 s16, $0xE0;
	v3 =	vsel vm1, $0xFFFFFFFF, v3;
	v2 =	vsel vm1, $0xFFFFFFFF, v2  }
.Ltmp3:
0x41: {  	v4 =	vshll.u32 v3, $0xB;
	v5 =	vshll.u32 v2, $0x3;
	(pc) =	sbr.rel @p0 .LBB2_3-.Ltmp3, $4  }
0x42: {  	s15 =	sadd.s32 $0x10, s15;
	v3 =	vshll.u32 v3, $0x7;
	v4 =	vand.u32 $0xFFFFC000, v4;
	v5 =	vand.u32 $0xFFFFFC00, v5;
	(ifvalue) =	ssetifvalue $0x7FFFFFFF  }
0x43: {  	v3 =	vand.u32 $0x380, v3;
	v4 =	vadd.s32 v4, v5;
	[tilespmem:s15], [sflag:$0x1] =	stream.indirect_vreg.gather [hbm4b:s2+s10], $0x1, v1, vm0, $0x4038;
	[tilespmem:$0x3C0] =	vst v63  }
0x44: {  	v1 =	vand.u32 $0x7F, v2;
	v3 =	vor.u32 v3, v4  }
0x45: {  	s17 =	sadd.s32 $0x10, s17;
	v2 =	vshrl.u32 v0, $0x4;
	v1 =	vor.u32 v1, v3  }
.Ltmp4:
0x46: {  	_ = 	snop;
	(pc) =	sbr.rel .LBB2_4-.Ltmp4, $1  }
0x47: {  	_ =	sdelay $0x3  }
.LBB2_6:
0x48: {  	_ =	sfence.sel $0x180000  }
0x49: {  	s2 =	simm.s32 $0x2;
	[bflag:$0x0] =	sbarrier.arrive $0xFFFF  }
0x4a: {  	s30 =	simm.s32 $0x3;
	[sflag:s2] =	ssyncpa.u1 $0x1  }
0x4b: {  	s31 =	simm.s32 $0x1;
	[sflag:s30] =	ssyncpa.u1 $0x1  }
0x4c: {  	[sflag:s31] =	ssyncpa.u1 $0x1  }
0x4d: {  	p0 =	sne.s32 s1, $0x0;
	_ =	strace $0x9000004A  }
0x4e: {  	s0 =	sadd.s32 @!p0 $0x100000, s0;
	[bflag:$0x2] =	sbarrier.arrive $0xFFFF  }
0x4f: {  	[sflag:s0] =	ssyncadd.tile.s32 @!p0 $0x1;
	_ =	shalt  }
.Lfunc_end2:
_tile_overlayer_lowered:
.L_overlay_start_2:
0x50: {  	(tag) =	ssettag $0x2  }
0x51: {  	s0 =	rddreg [dreg:$0x0];
	s2 =	stileid.u32  }
0x52: {  	s1 =	rddreg [dreg:$0x1];
	p0 =	sne.s32 s2, $0x0  }
0x53: {  	s3 =	rddreg [dreg:$0x2];
	[bflag:$0x3] =	sbarrier.arrive $0xFFFF;
	s2 =	simm.s32 @!p0 $0x1C01  }
0x54: {  	[timem:s3], [sflag:s2] =	dma.local @!p0 [hbm:s0], s1  }
0x55: {  	s0 =	simm.s32 @!p0 $0x1  }
0x56: {  	_ =	swait.ge @!p0 [sflag:s0], s1  }
0x57: {  	s1 =	ssub.s32 @!p0 $0x0, s1;
	[sflag:s0] =	ssyncset.done @!p0 $0x0  }
0x58: {  	[sflag:s0] =	ssyncadd.s32 @!p0 s1  }
0x59: {  	[bflag:$0x3] =	sbarrier.arrive $0xFFFF  }
0x5a: {  	_ =	shalt  }

// kernel: kernel.11.cloned.1.call-start
scs
__scs_entry_jumppad:
0x0: {  	(pc) =	sbr.rel $0x88, $3  }
0x1: {  	(tag) =	ssettag $0x0;
	lr =	simm.s32 $0x1  }
0x2: {  	[smem:$0x3F9D] =	sst lr;
	_ =	strace $0xD0000000  }
0x3: {  	_ = 	snop  }
0x4: {  	_ = 	snop  }
0x5: {  	_ = 	snop  }
0x6: {  	_ = 	snop  }
0x7: {  	_ = 	snop  }
__scs_overlays_trampoline_lowered:
0x8: {  	[smem:$0x3FAC] =	sst s0  }
0x9: {  	[smem:$0x3FAD] =	sst s1  }
0xa: {  	[smem:$0x3FAE] =	sst s2  }
0xb: {  	[smem:$0x3FAF] =	sst s3  }
0xc: {  	[smem:$0x3FB0] =	sst s4  }
0xd: {  	[smem:$0x3FB1] =	sst s5  }
0xe: {  	[smem:$0x3FB2] =	sst s6  }
0xf: {  	[smem:$0x3FB3] =	sst s7  }
0x10: {  	[smem:$0x3FB4] =	sst s8  }
0x11: {  	[smem:$0x3FB5] =	sst s9;
	s0 =	simm.s32 @!p0 $0x0  }
0x12: {  	s1 =	sld [smem:$0x3F9B];
	s0 =	simm.s32 @p0 $0x1  }
0x13: {  	[smem:$0x3FB6] =	sst s0;
	s0 =	simm.s32 @!p1 $0x0  }
0x14: {  	s2 =	sld [smem:$0x3F9A];
	s0 =	simm.s32 @p1 $0x1  }
0x15: {  	[smem:$0x3FB7] =	sst s0;
	s0 =	simm.s32 @!p2 $0x0  }
0x16: {  	s3 =	sld [smem:$0x3FDB];
	s0 =	simm.s32 @p2 $0x1  }
0x17: {  	s4 =	simm.s32 $0x1BF5;
	[smem:$0x3FB9] =	sst s0  }
0x18: {  	s0 =	sld [smem:$0x3F9C];
	_ =	swait.ge [sflag:s4], $0x0  }
0x19: {  	s7 =	sld [smem:$0x3F9D]  }
0x1a: {  	s8 =	sadd.s32 $0xFFFFE003, lr  }
0x1b: {  	s9 =	sadd.s32 $0xFFFFFEF7, lr;
	s5 =	simm.s32 $0xFFFFFFFF;
	p2 =	slt.u32 s8, $0xFFFFF086  }
0x1c: {  	p1 =	slt.u32 s9, $0xF7A;
	s5 =	simm.s32 @!p2 $0x0  }
0x1d: {  	s5 =	simm.s32 @p1 $0x1;
	p0 =	seq.s32 s7, s2  }
0x1e: {  	s7 =	smul.u32 @!p0 $0xF7A, s2;
	p2 =	seq.s32 @!p0 s5, $0x0  }
0x1f: {  	s9 =	smul.u32 $0xF7A, s1;
	s8 =	simm.s32 @!p0 $0x1BF5;
	p2 =	por !p2, p0  }
0x20: {  	[sflag:s8] =	ssyncset.s32 @!p0 $0xFFFFF086;
	s6 =	sadd.s32 @!p0 s3, s7;
	s7 =	simm.s32 @!p0 $0x108  }
0x21: {  	s3 =	sadd.s32 s3, s9;
	s6 =	sadd.s32 @!p0 $0x88, s6;
	s7 =	simm.s32 @p2 $0x1082  }
0x22: {  	[simem:s7], [sflag:s8] =	dma.local @!p0 [hbm:s6], $0xF7A  }
0x23: {  	s9 =	sor.u32 $0xD0000000, s2;
	s6 =	simm.s32 $0x108;
	_ =	swait.ge @!p0 [sflag:s8], $0x0  }
0x24: {  	s3 =	sadd.s32 $0x88, s3;
	s6 =	simm.s32 @!p1 $0x1082;
	[sflag:s4] =	ssyncset.s32 $0xFFFFF086  }
0x25: {  	[simem:s6], [sflag:s4] =	dma.local [hbm:s3], $0xF7A  }
0x26: {  	[smem:$0x3F9D] =	sst s1;
	(tag) =	ssettag s2;
	_ =	strace s9  }
0x27: {  	s1 =	sld [smem:$0x3FAD]  }
0x28: {  	s2 =	sld [smem:$0x3FAE]  }
0x29: {  	s4 =	sld [smem:$0x3FB0]  }
0x2a: {  	p0 =	seq.s32 s5, $0x0;
	s5 =	sld [smem:$0x3FB1]  }
0x2b: {  	s6 =	sld [smem:$0x3FB2]  }
0x2c: {  	s7 =	sld [smem:$0x3FB3]  }
0x2d: {  	s3 =	simm.s32 $0x108;
	s8 =	sld [smem:$0x3FB4]  }
0x2e: {  	s3 =	simm.s32 @!p0 $0x1082;
	s9 =	sld [smem:$0x3FB5]  }
0x2f: {  	lr =	sadd.s32 s0, s3;
	s0 =	sld [smem:$0x3FAC]  }
0x30: {  	s3 =	sld [smem:$0x3FAF]  }
0x31: {  	[smem:$0x3FB8] =	sst s10  }
0x32: {  	s10 =	sld [smem:$0x3FB6];
	_ =	sdelay $0x3  }
0x33: {  	p0 =	seq.s32 s10, $0x1;
	s10 =	sld [smem:$0x3FB8];
	_ =	sdelay $0x3  }
0x34: {  	[smem:$0x3FB8] =	sst s10  }
0x35: {  	s10 =	sld [smem:$0x3FB7];
	_ =	sdelay $0x3  }
0x36: {  	p1 =	seq.s32 s10, $0x1;
	s10 =	sld [smem:$0x3FB8];
	_ =	sdelay $0x3  }
0x37: {  	[smem:$0x3FB8] =	sst s10  }
0x38: {  	s10 =	sld [smem:$0x3FB9]  }
0x39: {  	_ = 	snop;
	(pc) =	sbr.ind lr, $3  }
0x3a: {  	_ = 	snop  }
0x3b: {  	_ = 	snop  }
0x3c: {  	p2 =	seq.s32 s10, $0x1;
	s10 =	sld [smem:$0x3FB8]  }
0x3d: {  	_ =	shalt  }
0x3e: {  	_ =	shalt  }
0x3f: {  	_ =	shalt  }
0x40: {  	_ =	shalt  }
0x41: {  	_ =	shalt  }
0x42: {  	_ =	shalt  }
0x43: {  	_ =	shalt  }
0x44: {  	_ =	shalt  }
0x45: {  	_ =	shalt  }
0x46: {  	_ =	shalt  }
0x47: {  	_ =	shalt  }
0x48: {  	_ =	shalt  }
0x49: {  	_ =	shalt  }
0x4a: {  	_ =	shalt  }
0x4b: {  	_ =	shalt  }
0x4c: {  	_ =	shalt  }
0x4d: {  	_ =	shalt  }
0x4e: {  	_ =	shalt  }
0x4f: {  	_ =	shalt  }
0x50: {  	_ =	shalt  }
0x51: {  	_ =	shalt  }
0x52: {  	_ =	shalt  }
0x53: {  	_ =	shalt  }
0x54: {  	_ =	shalt  }
0x55: {  	_ =	shalt  }
0x56: {  	_ =	shalt  }
0x57: {  	_ =	shalt  }
0x58: {  	_ =	shalt  }
0x59: {  	_ =	shalt  }
0x5a: {  	_ =	shalt  }
0x5b: {  	_ =	shalt  }
0x5c: {  	_ =	shalt  }
0x5d: {  	_ =	shalt  }
0x5e: {  	_ =	shalt  }
0x5f: {  	_ =	shalt  }
0x60: {  	_ =	shalt  }
0x61: {  	_ =	shalt  }
0x62: {  	_ =	shalt  }
0x63: {  	_ =	shalt  }
0x64: {  	_ =	shalt  }
0x65: {  	_ =	shalt  }
0x66: {  	_ =	shalt  }
0x67: {  	_ =	shalt  }
0x68: {  	_ =	shalt  }
0x69: {  	_ =	shalt  }
0x6a: {  	_ =	shalt  }
0x6b: {  	_ =	shalt  }
0x6c: {  	_ =	shalt  }
0x6d: {  	_ =	shalt  }
0x6e: {  	_ =	shalt  }
0x6f: {  	_ =	shalt  }
0x70: {  	_ =	shalt  }
0x71: {  	_ =	shalt  }
0x72: {  	_ =	shalt  }
0x73: {  	_ =	shalt  }
0x74: {  	_ =	shalt  }
0x75: {  	_ =	shalt  }
0x76: {  	_ =	shalt  }
0x77: {  	_ =	shalt  }
0x78: {  	_ =	shalt  }
0x79: {  	_ =	shalt  }
0x7a: {  	_ =	shalt  }
0x7b: {  	_ =	shalt  }
0x7c: {  	_ =	shalt  }
0x7d: {  	_ =	shalt  }
0x7e: {  	_ =	shalt  }
0x7f: {  	_ =	shalt  }
0x80: {  	_ =	shalt  }
0x81: {  	_ =	shalt  }
0x82: {  	_ =	shalt  }
0x83: {  	_ =	shalt  }
0x84: {  	_ =	shalt  }
0x85: {  	_ =	shalt  }
0x86: {  	_ =	shalt  }
0x87: {  	_ =	shalt  }
.Lfunc_end0:
.L_simem_size_0:
called_computation.2_lowered:
.L_overlay_start_0:
0x88: {  	s2 =	sld [smem:$0x3FD9]  }
0x89: {  	s3 =	sld [smem:$0x3FFE];
	_ =	sdelay $0x1  }
0x8a: {  	s1 =	srdreg.scid  }
0x8b: {  	s0 =	sand.u32 $0x1, s1  }
0x8c: {  	s17 =	sshll.u32 s0, $0xA;
	s2 =	sadd.s32 s3, s2  }
0x8d: {  	s2 =	sadd.s32 s2, s17  }
0x8e: {  	[smem:$0x3FC4] =	sst s2  }
0x8f: {  	_ = 	snop  }
0x90: {  	s2 =	sld [smem:$0x3FD0];
	(tm) =	ssettm $0x1  }
0x91: {  	s18 =	sld [smem:$0x3FFB];
	_ =	sdelay $0x3  }
0x92: {  	_ =	strace s18  }
0x93: {  	s3 =	sld [smem:$0x3FFC];
	_ =	sdelay $0x3  }
0x94: {  	_ =	strace s3  }
0x95: {  	s3 =	sld [smem:$0x3FFD];
	_ =	sdelay $0x3  }
0x96: {  	_ =	strace s3  }
0x97: {  	_ =	strace $0x8FFFFFFF  }
0x98: {  	s19 =	sld [smem:$0x3FDB];
	_ =	sdelay $0x1  }
0x99: {  	s4 =	simm.s32 $_scs_section_size  }
0x9a: {  	s5 =	simm.s32 $_size__tile_overlayer_lowered;
	s6 =	simm.s32 $_tile_overlayer_lowered  }
0x9b: {  	s22 =	simm.s32 $0x1BFF;
	s21 =	sshll.u32 s6, $0x1;
	s3 =	sadd.s32 s4, s19  }
0x9c: {  	s7 =	simm.s32 $0x0;
	s20 =	sshll.u32 s5, $0x1;
	s5 =	sadd.s32 s21, s3  }
0x9d: {  	[timem:s7], [sflag:s22] =	dma.local [hbm:s5], s20  }
0x9e: {  	_ =	swait.ge [sflag:s22], s20  }
0x9f: {  	s4 =	ssub.s32 $0x0, s20;
	[sflag:s22] =	ssyncset.done $0x0  }
0xa0: {  	[sflag:s22] =	ssyncadd.s32 s4;
	_ =	sdelay $0x1  }
0xa1: {  	s23 =	simm.s32 $0x1B8B  }
0xa2: {  	_ =	swait.ge [sflag:s23], $0x1  }
0xa3: {  	[sflag:s23] =	ssyncset.done $0x0  }
0xa4: {  	s25 =	simm.s32 $0x1B8E;
	s24 =	sld [smem:$0x3FFE];
	[sflag:s23] =	ssyncadd.s32 $0xFFFFFFFF  }
0xa5: {  	s26 =	simm.s32 $execute0_lowered;
	[smem:$0x3FD2] =	sst s25  }
0xa6: {  	s5 =	sshll.u32 s26, $0x1;
	_ =	strace $0x80000046;
	[dreg:$0x1] =	wrdreg $0xFFFFFFFF  }
0xa7: {  	s28 =	simm.s32 $_size_execute0_lowered;
	s3 =	sadd.s32 s3, s5;
	[dreg:$0x0] =	wrdreg $0x0  }
0xa8: {  	s5 =	sshll.u32 s28, $0x1;
	[dreg:$0x2] =	wrdreg s3  }
0xa9: {  	[dreg:$0x3] =	wrdreg s5  }
0xaa: {  	[dreg:$0x4] =	wrdreg $0xC0  }
0xab: {  	_ =	task [dreg:s7], $0x5FFFF  }
0xac: {  	[dreg:$0x1] =	wrdreg $0xFFFFFFFF  }
0xad: {  	[dreg:$0x0] =	wrdreg $0x60  }
0xae: {  	[dreg:$0x2] =	wrdreg s24  }
0xaf: {  	[dreg:$0x3] =	wrdreg s2  }
0xb0: {  	[dreg:$0x4] =	wrdreg $0x9  }
0xb1: {  	_ =	task.clear_ibuf [dreg:s7], $0x5FFFF;
	_ =	strace $0x90000046  }
0xb2: {  	s29 =	simm.s32 $0x9;
	_ =	strace $0x80000048  }
0xb3: {  	_ =	swait.ge [sflag:s29], $0x1  }
0xb4: {  	[sflag:s29] =	ssyncadd.s32 $0xFFFFFFFF  }
0xb5: {  	_ =	strace $0x90000048  }
0xb6: {  	_ =	sfence  }
0xb7: {  	s30 =	sld [smem:$0x0];
	_ =	sdelay $0x2  }
0xb8: {  	s31 =	sshll.u32 s1, $0xD;
	s1 =	sshrl.u32 s1, $0x2  }
0xb9: {  	s3 =	sand.u32 $0x4000, s31;
	s1 =	sadd.s32 s1, s30  }
0xba: {  	s0 =	sor.u32 s3, s0;
	s1 =	sshll.u32 s1, $0x11  }
0xbb: {  	s0 =	sor.u32 s1, s0  }
0xbc: {  	s0 =	sadd.s32 $0x8F2B, s0  }
0xbd: {  	[sflag:s0] =	ssyncadd.remote.s32 $0x1  }
0xbe: {  	_ =	sfence.sel $0xFFFF  }
0xbf: {  	[dreg:$0x0] =	wrdreg $0xFFFFFFFF;
	(pc) =	sbr.abs _section_cstart, $3  }
0xc0: {  	[dreg:$0x1] =	wrdreg $0xFFFFFFFF  }
0xc1: {  	_ =	task.clear_ibuf [dreg:s7], $0x2FFFF;
	_ =	strace $0x9FFFFFFF  }
0xc2: {  	(tm) =	ssettm $0x7FFFFFFF  }
0xc3: {  	_ =	shalt  }
tec
execute0_lowered:
.L_overlay_start_1:
0x0: {  	(tag) =	ssettag $0x1  }
0x1: {  	s7 =	rddreg [dreg:$0x0]  }
0x2: {  	s3 =	rddreg [dreg:$0x1]  }
0x3: {  	s4 =	srdreg.scid;
	s1 =	stileid.u32  }
0x4: {  	s2 =	simm.s32 $0x0;
	s19 =	sand.u32 $0x1, s4;
	s30 =	sshll.u32 s1, $0x1  }
0x5: {  	[smem:$0x7FF] =	sst s2;
	s4 =	sor.u32 s19, s30  }
0x6: {  	s0 =	rddreg [dreg:$0x2];
	_ =	strace $0x80000047;
	s5 =	sshll.u32 s4, $0x7  }
0x7: {  	s6 =	smul.u32 $0x3000, s4;
	s4 =	simm.s32 $0x2;
	s3 =	sadd.s32 s3, s5  }
0x8: {  	[tilespmem:s2], [sflag:$0x2] =	stream.linear.gather [hbm4b:s3+s2], $0x300, $0x38;
	[tilespmem:$0x18400] =	vst v63  }
0x9: {  	_ =	swait.ge [sflag:s4], $0x300  }
0xa: {  	s31 =	sadd.s32 s6, s7;
	[sflag:s4] =	ssyncset.done $0x0  }
0xb: {  	s6 =	simm.s32 $0x400;
	s5 =	sadd.s32 $0x60200, s31;
	[sflag:s4] =	ssyncadd.s32 $0xFFFFFD00  }
0xc: {  	[tilespmem:s6], [sflag:$0x2] =	stream.linear.gather [hbm4b:s5+s2], $0x18000, $0x38;
	[tilespmem:$0x18400] =	vst v63  }
0xd: {  	_ =	swait.ge [sflag:s4], $0x18000  }
0xe: {  	[sflag:s4] =	ssyncset.done $0x0  }
0xf: {  	s8 =	simm.s32 $0x80;
	s7 =	sadd.s32 $0x200, s7;
	[sflag:s4] =	ssyncadd.s32 $0xFFFE8000  }
0x10: {  	[hbm4b:s7+s8] =	stream.indirect.scatter [tilespmem:s6], [sflag:$0x1], $0x80, s2, s8, $0xb8;
	[tilespmem:$0x18400] =	vst v63  }
0x11: {  	s9 =	simm.s32 $0x4400  }
0x12: {  	[hbm4b:s7+s8] =	stream.indirect.scatter [tilespmem:s9], [sflag:$0x1], $0x80, s8, s8, $0xb8;
	[tilespmem:$0x18400] =	vst v63  }
0x13: {  	s10 =	simm.s32 $0x100;
	s11 =	simm.s32 $0x8400  }
0x14: {  	[hbm4b:s7+s8] =	stream.indirect.scatter [tilespmem:s11], [sflag:$0x1], $0x80, s10, s8, $0xb8;
	[tilespmem:$0x18400] =	vst v63  }
0x15: {  	s12 =	simm.s32 $0x180;
	s13 =	simm.s32 $0xC400  }
0x16: {  	[hbm4b:s7+s8] =	stream.indirect.scatter [tilespmem:s13], [sflag:$0x1], $0x80, s12, s8, $0xb8;
	[tilespmem:$0x18400] =	vst v63  }
0x17: {  	s14 =	simm.s32 $0x200;
	s15 =	simm.s32 $0x10400  }
0x18: {  	[hbm4b:s7+s8] =	stream.indirect.scatter [tilespmem:s15], [sflag:$0x1], $0x80, s14, s8, $0xb8;
	[tilespmem:$0x18400] =	vst v63  }
0x19: {  	s16 =	simm.s32 $0x280;
	s18 =	simm.s32 $0x14400;
	s17 =	simm.s32 $0x1  }
0x1a: {  	[hbm4b:s7+s8] =	stream.indirect.scatter [tilespmem:s18], [sflag:$0x1], $0x80, s16, s8, $0xb8;
	[tilespmem:$0x18400] =	vst v63  }
0x1b: {  	_ =	swait.ge [sflag:s17], $0x4000  }
0x1c: {  	[sflag:s17] =	ssyncset.done $0x0  }
0x1d: {  	[sflag:s17] =	ssyncadd.s32 $0xFFFFC000  }
0x1e: {  	_ =	swait.ge [sflag:s17], $0x4000  }
0x1f: {  	[sflag:s17] =	ssyncset.done $0x0  }
0x20: {  	[sflag:s17] =	ssyncadd.s32 $0xFFFFC000  }
0x21: {  	_ =	swait.ge [sflag:s17], $0x4000  }
0x22: {  	s19 =	ssub.s32 $0x2, s19;
	[sflag:s17] =	ssyncset.done $0x0  }
0x23: {  	s20 =	sshrl.u32 s19, $0x1;
	[sflag:s17] =	ssyncadd.s32 $0xFFFFC000  }
0x24: {  	s19 =	ssub.s32 s19, s20;
	_ =	swait.ge [sflag:s17], $0x4000  }
0x25: {  	s19 =	smax.u32 s19, $0x1;
	[sflag:s17] =	ssyncset.done $0x0  }
0x26: {  	p0 =	sne.s32 s19, $0x1;
	[sflag:s17] =	ssyncadd.s32 $0xFFFFC000  }
.Ltmp0:
0x27: {  	_ =	swait.ge [sflag:s17], $0x4000;
	(pc) =	sbr.rel @!p0 .LBB2_2-.Ltmp0, $4  }
0x28: {  	[sflag:s17] =	ssyncset.done $0x0  }
0x29: {  	[sflag:s17] =	ssyncadd.s32 $0xFFFFC000  }
0x2a: {  	_ =	swait.ge [sflag:s17], $0x4000  }
0x2b: {  	s19 =	sadd.s32 $0xFFFFFFFF, s19;
	[sflag:s17] =	ssyncset.done $0x0  }
.LBB2_1:
0x2c: {  	p0 =	sne.s32 s19, $0x1;
	s19 =	sadd.s32 $0xFFFFFFFF, s19;
	[sflag:s17] =	ssyncadd.s32 $0xFFFFC000  }
0x2d: {  	[tilespmem:s2], [sflag:$0x2] =	stream.linear.gather [hbm4b:s3+s2], $0x300, $0x38;
	[tilespmem:$0x18400] =	vst v63  }
0x2e: {  	_ =	swait.ge [sflag:s4], $0x300  }
0x2f: {  	[sflag:s4] =	ssyncset.done $0x0  }
0x30: {  	[sflag:s4] =	ssyncadd.s32 $0xFFFFFD00  }
0x31: {  	[tilespmem:s6], [sflag:$0x2] =	stream.linear.gather [hbm4b:s5+s2], $0x18000, $0x38;
	[tilespmem:$0x18400] =	vst v63  }
0x32: {  	_ =	swait.ge [sflag:s4], $0x18000  }
0x33: {  	[sflag:s4] =	ssyncset.done $0x0  }
0x34: {  	[sflag:s4] =	ssyncadd.s32 $0xFFFE8000  }
0x35: {  	[hbm4b:s7+s8] =	stream.indirect.scatter [tilespmem:s6], [sflag:$0x1], $0x80, s2, s8, $0xb8;
	[tilespmem:$0x18400] =	vst v63  }
0x36: {  	_ = 	snop  }
0x37: {  	[hbm4b:s7+s8] =	stream.indirect.scatter [tilespmem:s9], [sflag:$0x1], $0x80, s8, s8, $0xb8;
	[tilespmem:$0x18400] =	vst v63  }
0x38: {  	_ = 	snop  }
0x39: {  	[hbm4b:s7+s8] =	stream.indirect.scatter [tilespmem:s11], [sflag:$0x1], $0x80, s10, s8, $0xb8;
	[tilespmem:$0x18400] =	vst v63  }
0x3a: {  	_ = 	snop  }
0x3b: {  	[hbm4b:s7+s8] =	stream.indirect.scatter [tilespmem:s13], [sflag:$0x1], $0x80, s12, s8, $0xb8;
	[tilespmem:$0x18400] =	vst v63  }
0x3c: {  	_ = 	snop  }
0x3d: {  	[hbm4b:s7+s8] =	stream.indirect.scatter [tilespmem:s15], [sflag:$0x1], $0x80, s14, s8, $0xb8;
	[tilespmem:$0x18400] =	vst v63  }
0x3e: {  	_ = 	snop  }
0x3f: {  	[hbm4b:s7+s8] =	stream.indirect.scatter [tilespmem:s18], [sflag:$0x1], $0x80, s16, s8, $0xb8;
	[tilespmem:$0x18400] =	vst v63  }
0x40: {  	_ =	swait.ge [sflag:s17], $0x4000  }
0x41: {  	[sflag:s17] =	ssyncset.done $0x0  }
0x42: {  	[sflag:s17] =	ssyncadd.s32 $0xFFFFC000  }
0x43: {  	_ =	swait.ge [sflag:s17], $0x4000  }
0x44: {  	[sflag:s17] =	ssyncset.done $0x0  }
0x45: {  	[sflag:s17] =	ssyncadd.s32 $0xFFFFC000  }
0x46: {  	_ =	swait.ge [sflag:s17], $0x4000  }
0x47: {  	[sflag:s17] =	ssyncset.done $0x0  }
0x48: {  	[sflag:s17] =	ssyncadd.s32 $0xFFFFC000  }
0x49: {  	_ =	swait.ge [sflag:s17], $0x4000  }
0x4a: {  	[sflag:s17] =	ssyncset.done $0x0  }
0x4b: {  	[sflag:s17] =	ssyncadd.s32 $0xFFFFC000  }
.Ltmp1:
0x4c: {  	_ =	swait.ge [sflag:s17], $0x4000;
	(pc) =	sbr.rel @p0 .LBB2_1-.Ltmp1, $4  }
0x4d: {  	[sflag:s17] =	ssyncset.done $0x0  }
0x4e: {  	[sflag:s17] =	ssyncadd.s32 $0xFFFFC000  }
0x4f: {  	_ =	swait.ge [sflag:s17], $0x4000  }
0x50: {  	[sflag:s17] =	ssyncset.done $0x0  }
.LBB2_2:
0x51: {  	[sflag:s17] =	ssyncadd.s32 $0xFFFFC000  }
0x52: {  	_ =	sfence.sel $0x180000  }
0x53: {  	[bflag:$0x0] =	sbarrier.arrive $0xFFFF  }
0x54: {  	p0 =	sne.s32 s1, $0x0;
	_ =	strace $0x90000047  }
0x55: {  	s0 =	sadd.s32 @!p0 $0x100000, s0;
	[bflag:$0x2] =	sbarrier.arrive $0xFFFF  }
0x56: {  	[sflag:s0] =	ssyncadd.tile.s32 @!p0 $0x1;
	_ =	shalt  }
.Lfunc_end2:
_tile_overlayer_lowered:
.L_overlay_start_2:
0x57: {  	(tag) =	ssettag $0x2  }
0x58: {  	s0 =	rddreg [dreg:$0x0];
	s2 =	stileid.u32  }
0x59: {  	s1 =	rddreg [dreg:$0x1];
	p0 =	sne.s32 s2, $0x0  }
0x5a: {  	s3 =	rddreg [dreg:$0x2];
	[bflag:$0x3] =	sbarrier.arrive $0xFFFF;
	s2 =	simm.s32 @!p0 $0x1C02  }
0x5b: {  	[timem:s3], [sflag:s2] =	dma.local @!p0 [hbm:s0], s1  }
0x5c: {  	s0 =	simm.s32 @!p0 $0x2  }
0x5d: {  	_ =	swait.ge @!p0 [sflag:s0], s1  }
0x5e: {  	s1 =	ssub.s32 @!p0 $0x0, s1;
	[sflag:s0] =	ssyncset.done @!p0 $0x0  }
0x5f: {  	[sflag:s0] =	ssyncadd.s32 @!p0 s1  }
0x60: {  	[bflag:$0x3] =	sbarrier.arrive $0xFFFF  }
0x61: {  	_ =	shalt  }

// kernel: kernel.16.cloned.1.call-start
scs
__scs_entry_jumppad:
0x0: {  	(pc) =	sbr.rel $0x88, $3  }
0x1: {  	(tag) =	ssettag $0x0;
	lr =	simm.s32 $0x1  }
0x2: {  	[smem:$0x3F9D] =	sst lr;
	_ =	strace $0xD0000000  }
0x3: {  	_ = 	snop  }
0x4: {  	_ = 	snop  }
0x5: {  	_ = 	snop  }
0x6: {  	_ = 	snop  }
0x7: {  	_ = 	snop  }
__scs_overlays_trampoline_lowered:
0x8: {  	[smem:$0x3FAC] =	sst s0  }
0x9: {  	[smem:$0x3FAD] =	sst s1  }
0xa: {  	[smem:$0x3FAE] =	sst s2  }
0xb: {  	[smem:$0x3FAF] =	sst s3  }
0xc: {  	[smem:$0x3FB0] =	sst s4  }
0xd: {  	[smem:$0x3FB1] =	sst s5  }
0xe: {  	[smem:$0x3FB2] =	sst s6  }
0xf: {  	[smem:$0x3FB3] =	sst s7  }
0x10: {  	[smem:$0x3FB4] =	sst s8  }
0x11: {  	[smem:$0x3FB5] =	sst s9;
	s0 =	simm.s32 @!p0 $0x0  }
0x12: {  	s1 =	sld [smem:$0x3F9B];
	s0 =	simm.s32 @p0 $0x1  }
0x13: {  	[smem:$0x3FB6] =	sst s0;
	s0 =	simm.s32 @!p1 $0x0  }
0x14: {  	s2 =	sld [smem:$0x3F9A];
	s0 =	simm.s32 @p1 $0x1  }
0x15: {  	[smem:$0x3FB7] =	sst s0;
	s0 =	simm.s32 @!p2 $0x0  }
0x16: {  	s3 =	sld [smem:$0x3FDB];
	s0 =	simm.s32 @p2 $0x1  }
0x17: {  	s4 =	simm.s32 $0x1BF5;
	[smem:$0x3FB9] =	sst s0  }
0x18: {  	s0 =	sld [smem:$0x3F9C];
	_ =	swait.ge [sflag:s4], $0x0  }
0x19: {  	s7 =	sld [smem:$0x3F9D]  }
0x1a: {  	s8 =	sadd.s32 $0xFFFFE003, lr  }
0x1b: {  	s9 =	sadd.s32 $0xFFFFFEF7, lr;
	s5 =	simm.s32 $0xFFFFFFFF;
	p2 =	slt.u32 s8, $0xFFFFF086  }
0x1c: {  	p1 =	slt.u32 s9, $0xF7A;
	s5 =	simm.s32 @!p2 $0x0  }
0x1d: {  	s5 =	simm.s32 @p1 $0x1;
	p0 =	seq.s32 s7, s2  }
0x1e: {  	s7 =	smul.u32 @!p0 $0xF7A, s2;
	p2 =	seq.s32 @!p0 s5, $0x0  }
0x1f: {  	s9 =	smul.u32 $0xF7A, s1;
	s8 =	simm.s32 @!p0 $0x1BF5;
	p2 =	por !p2, p0  }
0x20: {  	[sflag:s8] =	ssyncset.s32 @!p0 $0xFFFFF086;
	s6 =	sadd.s32 @!p0 s3, s7;
	s7 =	simm.s32 @!p0 $0x108  }
0x21: {  	s3 =	sadd.s32 s3, s9;
	s6 =	sadd.s32 @!p0 $0x88, s6;
	s7 =	simm.s32 @p2 $0x1082  }
0x22: {  	[simem:s7], [sflag:s8] =	dma.local @!p0 [hbm:s6], $0xF7A  }
0x23: {  	s9 =	sor.u32 $0xD0000000, s2;
	s6 =	simm.s32 $0x108;
	_ =	swait.ge @!p0 [sflag:s8], $0x0  }
0x24: {  	s3 =	sadd.s32 $0x88, s3;
	s6 =	simm.s32 @!p1 $0x1082;
	[sflag:s4] =	ssyncset.s32 $0xFFFFF086  }
0x25: {  	[simem:s6], [sflag:s4] =	dma.local [hbm:s3], $0xF7A  }
0x26: {  	[smem:$0x3F9D] =	sst s1;
	(tag) =	ssettag s2;
	_ =	strace s9  }
0x27: {  	s1 =	sld [smem:$0x3FAD]  }
0x28: {  	s2 =	sld [smem:$0x3FAE]  }
0x29: {  	s4 =	sld [smem:$0x3FB0]  }
0x2a: {  	p0 =	seq.s32 s5, $0x0;
	s5 =	sld [smem:$0x3FB1]  }
0x2b: {  	s6 =	sld [smem:$0x3FB2]  }
0x2c: {  	s7 =	sld [smem:$0x3FB3]  }
0x2d: {  	s3 =	simm.s32 $0x108;
	s8 =	sld [smem:$0x3FB4]  }
0x2e: {  	s3 =	simm.s32 @!p0 $0x1082;
	s9 =	sld [smem:$0x3FB5]  }
0x2f: {  	lr =	sadd.s32 s0, s3;
	s0 =	sld [smem:$0x3FAC]  }
0x30: {  	s3 =	sld [smem:$0x3FAF]  }
0x31: {  	[smem:$0x3FB8] =	sst s10  }
0x32: {  	s10 =	sld [smem:$0x3FB6];
	_ =	sdelay $0x3  }
0x33: {  	p0 =	seq.s32 s10, $0x1;
	s10 =	sld [smem:$0x3FB8];
	_ =	sdelay $0x3  }
0x34: {  	[smem:$0x3FB8] =	sst s10  }
0x35: {  	s10 =	sld [smem:$0x3FB7];
	_ =	sdelay $0x3  }
0x36: {  	p1 =	seq.s32 s10, $0x1;
	s10 =	sld [smem:$0x3FB8];
	_ =	sdelay $0x3  }
0x37: {  	[smem:$0x3FB8] =	sst s10  }
0x38: {  	s10 =	sld [smem:$0x3FB9]  }
0x39: {  	_ = 	snop;
	(pc) =	sbr.ind lr, $3  }
0x3a: {  	_ = 	snop  }
0x3b: {  	_ = 	snop  }
0x3c: {  	p2 =	seq.s32 s10, $0x1;
	s10 =	sld [smem:$0x3FB8]  }
0x3d: {  	_ =	shalt  }
0x3e: {  	_ =	shalt  }
0x3f: {  	_ =	shalt  }
0x40: {  	_ =	shalt  }
0x41: {  	_ =	shalt  }
0x42: {  	_ =	shalt  }
0x43: {  	_ =	shalt  }
0x44: {  	_ =	shalt  }
0x45: {  	_ =	shalt  }
0x46: {  	_ =	shalt  }
0x47: {  	_ =	shalt  }
0x48: {  	_ =	shalt  }
0x49: {  	_ =	shalt  }
0x4a: {  	_ =	shalt  }
0x4b: {  	_ =	shalt  }
0x4c: {  	_ =	shalt  }
0x4d: {  	_ =	shalt  }
0x4e: {  	_ =	shalt  }
0x4f: {  	_ =	shalt  }
0x50: {  	_ =	shalt  }
0x51: {  	_ =	shalt  }
0x52: {  	_ =	shalt  }
0x53: {  	_ =	shalt  }
0x54: {  	_ =	shalt  }
0x55: {  	_ =	shalt  }
0x56: {  	_ =	shalt  }
0x57: {  	_ =	shalt  }
0x58: {  	_ =	shalt  }
0x59: {  	_ =	shalt  }
0x5a: {  	_ =	shalt  }
0x5b: {  	_ =	shalt  }
0x5c: {  	_ =	shalt  }
0x5d: {  	_ =	shalt  }
0x5e: {  	_ =	shalt  }
0x5f: {  	_ =	shalt  }
0x60: {  	_ =	shalt  }
0x61: {  	_ =	shalt  }
0x62: {  	_ =	shalt  }
0x63: {  	_ =	shalt  }
0x64: {  	_ =	shalt  }
0x65: {  	_ =	shalt  }
0x66: {  	_ =	shalt  }
0x67: {  	_ =	shalt  }
0x68: {  	_ =	shalt  }
0x69: {  	_ =	shalt  }
0x6a: {  	_ =	shalt  }
0x6b: {  	_ =	shalt  }
0x6c: {  	_ =	shalt  }
0x6d: {  	_ =	shalt  }
0x6e: {  	_ =	shalt  }
0x6f: {  	_ =	shalt  }
0x70: {  	_ =	shalt  }
0x71: {  	_ =	shalt  }
0x72: {  	_ =	shalt  }
0x73: {  	_ =	shalt  }
0x74: {  	_ =	shalt  }
0x75: {  	_ =	shalt  }
0x76: {  	_ =	shalt  }
0x77: {  	_ =	shalt  }
0x78: {  	_ =	shalt  }
0x79: {  	_ =	shalt  }
0x7a: {  	_ =	shalt  }
0x7b: {  	_ =	shalt  }
0x7c: {  	_ =	shalt  }
0x7d: {  	_ =	shalt  }
0x7e: {  	_ =	shalt  }
0x7f: {  	_ =	shalt  }
0x80: {  	_ =	shalt  }
0x81: {  	_ =	shalt  }
0x82: {  	_ =	shalt  }
0x83: {  	_ =	shalt  }
0x84: {  	_ =	shalt  }
0x85: {  	_ =	shalt  }
0x86: {  	_ =	shalt  }
0x87: {  	_ =	shalt  }
.Lfunc_end0:
.L_simem_size_0:
called_computation.3_lowered:
.L_overlay_start_0:
0x88: {  	s2 =	sld [smem:$0x3FD9]  }
0x89: {  	s3 =	sld [smem:$0x3FFE];
	_ =	sdelay $0x1  }
0x8a: {  	s1 =	srdreg.scid  }
0x8b: {  	s0 =	sand.u32 $0x1, s1  }
0x8c: {  	s17 =	sshll.u32 s0, $0xA;
	s2 =	sadd.s32 s3, s2  }
0x8d: {  	s2 =	sadd.s32 s2, s17  }
0x8e: {  	[smem:$0x3FC4] =	sst s2  }
0x8f: {  	_ = 	snop  }
0x90: {  	s18 =	sld [smem:$0x3FD0];
	(tm) =	ssettm $0x1  }
0x91: {  	s19 =	sld [smem:$0x3FFB];
	_ =	sdelay $0x3  }
0x92: {  	_ =	strace s19  }
0x93: {  	s2 =	sld [smem:$0x3FFC];
	_ =	sdelay $0x3  }
0x94: {  	_ =	strace s2  }
0x95: {  	s2 =	sld [smem:$0x3FFD];
	_ =	sdelay $0x3  }
0x96: {  	_ =	strace s2  }
0x97: {  	_ =	strace $0x8FFFFFFF  }
0x98: {  	s20 =	sld [smem:$0x3FDB];
	_ =	sdelay $0x1  }
0x99: {  	s4 =	simm.s32 $_scs_section_size  }
0x9a: {  	s5 =	simm.s32 $_size__tile_overlayer_lowered;
	s6 =	simm.s32 $_tile_overlayer_lowered  }
0x9b: {  	s7 =	simm.s32 $0x1BFF;
	s21 =	sshll.u32 s6, $0x1;
	s4 =	sadd.s32 s4, s20  }
0x9c: {  	s22 =	simm.s32 $0x0;
	s5 =	sshll.u32 s5, $0x1;
	s6 =	sadd.s32 s21, s4  }
0x9d: {  	[timem:s22], [sflag:s7] =	dma.local [hbm:s6], s5  }
0x9e: {  	_ =	swait.ge [sflag:s7], s5  }
0x9f: {  	s5 =	ssub.s32 $0x0, s5;
	[sflag:s7] =	ssyncset.done $0x0  }
0xa0: {  	[sflag:s7] =	ssyncadd.s32 s5;
	_ =	sdelay $0x1  }
0xa1: {  	s23 =	simm.s32 $0x1B8B  }
0xa2: {  	_ =	swait.ge [sflag:s23], $0x1  }
0xa3: {  	[sflag:s23] =	ssyncset.done $0x0  }
0xa4: {  	[sflag:s23] =	ssyncadd.s32 $0xFFFFFFFF  }
0xa5: {  	s5 =	sld [smem:$0x0]  }
0xa6: {  	s6 =	sand.u32 $0xFFFFFFFE, s1  }
0xa7: {  	p0 =	sne.s32 s1, s6  }
0xa8: {  	s6 =	sshll.u32 @p0 s6, $0xE  }
0xa9: {  	s6 =	sadd.s32 @p0 $0x11B8D, s6;
	s7 =	sshll.u32 @p0 s5, $0x11  }
0xaa: {  	s6 =	sor.u32 @p0 s7, s6  }
0xab: {  	[sflag:s6] =	ssyncadd.remote.s32 @p0 $0x1;
	_ =	sdelay $0x1  }
0xac: {  	s6 =	simm.s32 @p0 $0x1B8D  }
0xad: {  	_ =	swait.eq @p0 [sflag:s6], $0x1  }
0xae: {  	[sflag:s6] =	ssyncadd.s32 @p0 $0xFFFFFFFF  }
0xaf: {  	s7 =	sshll.u32 @!p0 s1, $0xE  }
0xb0: {  	s7 =	sor.u32 @!p0 $0x4000, s7;
	s6 =	simm.s32 @!p0 $0x1B8D  }
0xb1: {  	s5 =	sshll.u32 @!p0 s5, $0x11;
	s7 =	sadd.s32 @!p0 $0x11B8D, s7;
	_ =	swait.eq @!p0 [sflag:s6], $0x1  }
0xb2: {  	s5 =	sor.u32 @!p0 s5, s7;
	[sflag:s6] =	ssyncadd.s32 @!p0 $0xFFFFFFFF  }
0xb3: {  	s25 =	simm.s32 $0x1B8E;
	s24 =	sld [smem:$0x3FFE];
	[sflag:s5] =	ssyncadd.remote.s32 @!p0 $0x1  }
0xb4: {  	s26 =	simm.s32 $execute0_lowered;
	[smem:$0x3FD2] =	sst s25  }
0xb5: {  	s6 =	sshll.u32 s26, $0x1;
	_ =	strace $0x8000004F;
	[dreg:$0x1] =	wrdreg $0xFFFFFFFF  }
0xb6: {  	s28 =	simm.s32 $_size_execute0_lowered;
	s4 =	sadd.s32 s4, s6;
	[dreg:$0x0] =	wrdreg $0x0  }
0xb7: {  	s6 =	sshll.u32 s28, $0x1;
	[dreg:$0x2] =	wrdreg s4  }
0xb8: {  	[dreg:$0x3] =	wrdreg s6  }
0xb9: {  	[dreg:$0x4] =	wrdreg $0xC0  }
0xba: {  	_ =	task [dreg:s22], $0x5FFFF  }
0xbb: {  	[dreg:$0x1] =	wrdreg $0xFFFFFFFF  }
0xbc: {  	[dreg:$0x0] =	wrdreg $0x60  }
0xbd: {  	[dreg:$0x2] =	wrdreg s24  }
0xbe: {  	[dreg:$0x3] =	wrdreg s18  }
0xbf: {  	[dreg:$0x4] =	wrdreg $0xB  }
0xc0: {  	_ =	task.clear_ibuf [dreg:s22], $0x5FFFF;
	_ =	strace $0x9000004F  }
0xc1: {  	s29 =	simm.s32 $0xB;
	_ =	strace $0x80000051  }
0xc2: {  	_ =	swait.ge [sflag:s29], $0x1  }
0xc3: {  	[sflag:s29] =	ssyncadd.s32 $0xFFFFFFFF  }
0xc4: {  	_ =	strace $0x90000051  }
0xc5: {  	_ =	sfence  }
0xc6: {  	s30 =	sld [smem:$0x0];
	_ =	sdelay $0x2  }
0xc7: {  	s31 =	sshll.u32 s1, $0xD;
	s1 =	sshrl.u32 s1, $0x2  }
0xc8: {  	s4 =	sand.u32 $0x4000, s31;
	s1 =	sadd.s32 s1, s30  }
0xc9: {  	s0 =	sor.u32 s4, s0;
	s1 =	sshll.u32 s1, $0x11  }
0xca: {  	s0 =	sor.u32 s1, s0  }
0xcb: {  	s0 =	sadd.s32 $0x8F2B, s0  }
0xcc: {  	[sflag:s0] =	ssyncadd.remote.s32 $0x1  }
0xcd: {  	_ =	sfence.sel $0xFFFF  }
0xce: {  	[dreg:$0x0] =	wrdreg $0xFFFFFFFF;
	(pc) =	sbr.abs _section_cstart, $3  }
0xcf: {  	[dreg:$0x1] =	wrdreg $0xFFFFFFFF  }
0xd0: {  	_ =	task.clear_ibuf [dreg:s22], $0x2FFFF;
	_ =	strace $0x9FFFFFFF  }
0xd1: {  	(tm) =	ssettm $0x7FFFFFFF  }
tec
execute0_lowered:
.L_overlay_start_1:
0x0: {  	(tag) =	ssettag $0x1  }
0x1: {  	s1 =	srdreg.scid;
	s0 =	stileid.u32  }
0x2: {  	s5 =	rddreg [dreg:$0x0];
	s12 =	sand.u32 $0x1, s1;
	s30 =	sshll.u32 s0, $0x1  }
0x3: {  	s13 =	rddreg [dreg:$0x1];
	s14 =	sor.u32 s12, s30  }
0x4: {  	s2 =	simm.s32 $0x0;
	s1 =	rddreg [dreg:$0x2];
	s3 =	sshll.u32 s14, $0x6  }
0x5: {  	[smem:$0x7FF] =	sst s2;
	s3 =	sadd.s32 s3, s5  }
0x6: {  	_ =	strace $0x80000050;
	s4 =	sadd.s32 $0x62000, s3;
	s3 =	simm.s32 $0x2  }
0x7: {  	[tilespmem:s2], [sflag:$0x2] =	stream.linear.gather [hbm4b:s4+s2], $0x180, $0x38;
	[tilespmem:$0xC200] =	vst v63  }
0x8: {  	_ =	swait.ge [sflag:s3], $0x180  }
0x9: {  	s6 =	simm.s32 $0x80;
	[sflag:s3] =	ssyncset.done $0x0  }
0xa: {  	s7 =	simm.s32 $0x200;
	s5 =	sadd.s32 $0x200, s5;
	[sflag:s3] =	ssyncadd.s32 $0xFFFFFE80  }
0xb: {  	[tilespmem:s7], [sflag:$0x1] =	stream.indirect.gather [hbm4b:s5+s6], $0x80, s2, s6, $0xb8;
	[tilespmem:$0xC200] =	vst v63  }
0xc: {  	s8 =	simm.s32 $0x4200  }
0xd: {  	[tilespmem:s8], [sflag:$0x1] =	stream.indirect.gather [hbm4b:s5+s6], $0x80, s6, s6, $0xb8;
	[tilespmem:$0xC200] =	vst v63  }
0xe: {  	s9 =	simm.s32 $0x100;
	s10 =	simm.s32 $0x8200;
	s11 =	simm.s32 $0x1  }
0xf: {  	[tilespmem:s10], [sflag:$0x1] =	stream.indirect.gather [hbm4b:s5+s6], $0x80, s9, s6, $0xb8;
	[tilespmem:$0xC200] =	vst v63  }
0x10: {  	_ =	swait.ge [sflag:s11], $0x4000  }
0x11: {  	[sflag:s11] =	ssyncset.done $0x0  }
0x12: {  	s12 =	ssub.s32 $0x2, s12;
	[sflag:s11] =	ssyncadd.s32 $0xFFFFC000  }
0x13: {  	s15 =	sshrl.u32 s12, $0x1;
	_ =	swait.ge [sflag:s11], $0x4000  }
0x14: {  	s15 =	ssub.s32 s12, s15;
	[sflag:s11] =	ssyncset.done $0x0  }
0x15: {  	s31 =	smax.u32 s15, $0x1;
	[sflag:s11] =	ssyncadd.s32 $0xFFFFC000  }
0x16: {  	s14 =	smul.u32 $0x1800, s14;
	p0 =	sne.s32 s31, $0x1;
	_ =	swait.ge [sflag:s11], $0x4000  }
.Ltmp0:
0x17: {  	[sflag:s11] =	ssyncset.done $0x0;
	(pc) =	sbr.rel @!p0 .LBB2_2-.Ltmp0, $4  }
0x18: {  	s12 =	sadd.s32 s13, s14;
	[sflag:s11] =	ssyncadd.s32 $0xFFFFC000  }
0x19: {  	[hbm4b:s12+s2] =	stream.linear.scatter [tilespmem:s7], [sflag:$0x2], $0xC000, $0x38;
	[tilespmem:$0xC200] =	vst v63  }
0x1a: {  	_ =	swait.ge [sflag:s3], $0xC000  }
0x1b: {  	s13 =	sadd.s32 $0xFFFFFFFF, s31;
	[sflag:s3] =	ssyncset.done $0x0  }
.LBB2_1:
0x1c: {  	p0 =	sne.s32 s13, $0x1;
	s13 =	sadd.s32 $0xFFFFFFFF, s13;
	[sflag:s3] =	ssyncadd.s32 $0xFFFF4000  }
0x1d: {  	[tilespmem:s2], [sflag:$0x2] =	stream.linear.gather [hbm4b:s4+s2], $0x180, $0x38;
	[tilespmem:$0xC200] =	vst v63  }
0x1e: {  	_ =	swait.ge [sflag:s3], $0x180  }
0x1f: {  	[sflag:s3] =	ssyncset.done $0x0  }
0x20: {  	[sflag:s3] =	ssyncadd.s32 $0xFFFFFE80  }
0x21: {  	[tilespmem:s7], [sflag:$0x1] =	stream.indirect.gather [hbm4b:s5+s6], $0x80, s2, s6, $0xb8;
	[tilespmem:$0xC200] =	vst v63  }
0x22: {  	_ = 	snop  }
0x23: {  	[tilespmem:s8], [sflag:$0x1] =	stream.indirect.gather [hbm4b:s5+s6], $0x80, s6, s6, $0xb8;
	[tilespmem:$0xC200] =	vst v63  }
0x24: {  	_ = 	snop  }
0x25: {  	[tilespmem:s10], [sflag:$0x1] =	stream.indirect.gather [hbm4b:s5+s6], $0x80, s9, s6, $0xb8;
	[tilespmem:$0xC200] =	vst v63  }
0x26: {  	_ =	swait.ge [sflag:s11], $0x4000  }
0x27: {  	[sflag:s11] =	ssyncset.done $0x0  }
0x28: {  	[sflag:s11] =	ssyncadd.s32 $0xFFFFC000  }
0x29: {  	_ =	swait.ge [sflag:s11], $0x4000  }
0x2a: {  	[sflag:s11] =	ssyncset.done $0x0  }
0x2b: {  	[sflag:s11] =	ssyncadd.s32 $0xFFFFC000  }
0x2c: {  	_ =	swait.ge [sflag:s11], $0x4000  }
.Ltmp1:
0x2d: {  	[sflag:s11] =	ssyncset.done $0x0;
	(pc) =	sbr.rel @p0 .LBB2_1-.Ltmp1, $4  }
0x2e: {  	[sflag:s11] =	ssyncadd.s32 $0xFFFFC000  }
0x2f: {  	[hbm4b:s12+s2] =	stream.linear.scatter [tilespmem:s7], [sflag:$0x2], $0xC000, $0x38;
	[tilespmem:$0xC200] =	vst v63  }
0x30: {  	_ =	swait.ge [sflag:s3], $0xC000  }
0x31: {  	[sflag:s3] =	ssyncset.done $0x0  }
.LBB2_2:
0x32: {  	[sflag:s3] =	ssyncadd.s32 $0xFFFF4000  }
0x33: {  	_ =	sfence.sel $0x180000  }
0x34: {  	[bflag:$0x0] =	sbarrier.arrive $0xFFFF  }
0x35: {  	p0 =	sne.s32 s0, $0x0;
	_ =	strace $0x90000050  }
0x36: {  	s0 =	sadd.s32 @!p0 $0x100000, s1;
	[bflag:$0x2] =	sbarrier.arrive $0xFFFF  }
0x37: {  	[sflag:s0] =	ssyncadd.tile.s32 @!p0 $0x1;
	_ =	shalt  }
.Lfunc_end2:
_tile_overlayer_lowered:
.L_overlay_start_2:
0x38: {  	(tag) =	ssettag $0x2  }
0x39: {  	s0 =	rddreg [dreg:$0x0];
	s2 =	stileid.u32  }
0x3a: {  	s1 =	rddreg [dreg:$0x1];
	p0 =	sne.s32 s2, $0x0  }
0x3b: {  	s3 =	rddreg [dreg:$0x2];
	[bflag:$0x3] =	sbarrier.arrive $0xFFFF;
	s2 =	simm.s32 @!p0 $0x1C02  }
0x3c: {  	[timem:s3], [sflag:s2] =	dma.local @!p0 [hbm:s0], s1  }
0x3d: {  	s0 =	simm.s32 @!p0 $0x2  }
0x3e: {  	_ =	swait.ge @!p0 [sflag:s0], s1  }
0x3f: {  	s1 =	ssub.s32 @!p0 $0x0, s1;
	[sflag:s0] =	ssyncset.done @!p0 $0x0  }
0x40: {  	[sflag:s0] =	ssyncadd.s32 @!p0 s1  }
0x41: {  	[bflag:$0x3] =	sbarrier.arrive $0xFFFF  }
0x42: {  	_ =	shalt  }

// kernel: kernel.19.cloned.1.call-start
scs
__scs_entry_jumppad:
0x0: {  	(pc) =	sbr.rel $0x88, $3  }
0x1: {  	(tag) =	ssettag $0x0;
	lr =	simm.s32 $0x1  }
0x2: {  	[smem:$0x3F9D] =	sst lr;
	_ =	strace $0xD0000000  }
0x3: {  	_ = 	snop  }
0x4: {  	_ = 	snop  }
0x5: {  	_ = 	snop  }
0x6: {  	_ = 	snop  }
0x7: {  	_ = 	snop  }
__scs_overlays_trampoline_lowered:
0x8: {  	[smem:$0x3FAC] =	sst s0  }
0x9: {  	[smem:$0x3FAD] =	sst s1  }
0xa: {  	[smem:$0x3FAE] =	sst s2  }
0xb: {  	[smem:$0x3FAF] =	sst s3  }
0xc: {  	[smem:$0x3FB0] =	sst s4  }
0xd: {  	[smem:$0x3FB1] =	sst s5  }
0xe: {  	[smem:$0x3FB2] =	sst s6  }
0xf: {  	[smem:$0x3FB3] =	sst s7  }
0x10: {  	[smem:$0x3FB4] =	sst s8  }
0x11: {  	[smem:$0x3FB5] =	sst s9;
	s0 =	simm.s32 @!p0 $0x0  }
0x12: {  	s1 =	sld [smem:$0x3F9B];
	s0 =	simm.s32 @p0 $0x1  }
0x13: {  	[smem:$0x3FB6] =	sst s0;
	s0 =	simm.s32 @!p1 $0x0  }
0x14: {  	s2 =	sld [smem:$0x3F9A];
	s0 =	simm.s32 @p1 $0x1  }
0x15: {  	[smem:$0x3FB7] =	sst s0;
	s0 =	simm.s32 @!p2 $0x0  }
0x16: {  	s3 =	sld [smem:$0x3FDB];
	s0 =	simm.s32 @p2 $0x1  }
0x17: {  	s4 =	simm.s32 $0x1BF5;
	[smem:$0x3FB9] =	sst s0  }
0x18: {  	s0 =	sld [smem:$0x3F9C];
	_ =	swait.ge [sflag:s4], $0x0  }
0x19: {  	s7 =	sld [smem:$0x3F9D]  }
0x1a: {  	s8 =	sadd.s32 $0xFFFFE003, lr  }
0x1b: {  	s9 =	sadd.s32 $0xFFFFFEF7, lr;
	s5 =	simm.s32 $0xFFFFFFFF;
	p2 =	slt.u32 s8, $0xFFFFF086  }
0x1c: {  	p1 =	slt.u32 s9, $0xF7A;
	s5 =	simm.s32 @!p2 $0x0  }
0x1d: {  	s5 =	simm.s32 @p1 $0x1;
	p0 =	seq.s32 s7, s2  }
0x1e: {  	s7 =	smul.u32 @!p0 $0xF7A, s2;
	p2 =	seq.s32 @!p0 s5, $0x0  }
0x1f: {  	s9 =	smul.u32 $0xF7A, s1;
	s8 =	simm.s32 @!p0 $0x1BF5;
	p2 =	por !p2, p0  }
0x20: {  	[sflag:s8] =	ssyncset.s32 @!p0 $0xFFFFF086;
	s6 =	sadd.s32 @!p0 s3, s7;
	s7 =	simm.s32 @!p0 $0x108  }
0x21: {  	s3 =	sadd.s32 s3, s9;
	s6 =	sadd.s32 @!p0 $0x88, s6;
	s7 =	simm.s32 @p2 $0x1082  }
0x22: {  	[simem:s7], [sflag:s8] =	dma.local @!p0 [hbm:s6], $0xF7A  }
0x23: {  	s9 =	sor.u32 $0xD0000000, s2;
	s6 =	simm.s32 $0x108;
	_ =	swait.ge @!p0 [sflag:s8], $0x0  }
0x24: {  	s3 =	sadd.s32 $0x88, s3;
	s6 =	simm.s32 @!p1 $0x1082;
	[sflag:s4] =	ssyncset.s32 $0xFFFFF086  }
0x25: {  	[simem:s6], [sflag:s4] =	dma.local [hbm:s3], $0xF7A  }
0x26: {  	[smem:$0x3F9D] =	sst s1;
	(tag) =	ssettag s2;
	_ =	strace s9  }
0x27: {  	s1 =	sld [smem:$0x3FAD]  }
0x28: {  	s2 =	sld [smem:$0x3FAE]  }
0x29: {  	s4 =	sld [smem:$0x3FB0]  }
0x2a: {  	p0 =	seq.s32 s5, $0x0;
	s5 =	sld [smem:$0x3FB1]  }
0x2b: {  	s6 =	sld [smem:$0x3FB2]  }
0x2c: {  	s7 =	sld [smem:$0x3FB3]  }
0x2d: {  	s3 =	simm.s32 $0x108;
	s8 =	sld [smem:$0x3FB4]  }
0x2e: {  	s3 =	simm.s32 @!p0 $0x1082;
	s9 =	sld [smem:$0x3FB5]  }
0x2f: {  	lr =	sadd.s32 s0, s3;
	s0 =	sld [smem:$0x3FAC]  }
0x30: {  	s3 =	sld [smem:$0x3FAF]  }
0x31: {  	[smem:$0x3FB8] =	sst s10  }
0x32: {  	s10 =	sld [smem:$0x3FB6];
	_ =	sdelay $0x3  }
0x33: {  	p0 =	seq.s32 s10, $0x1;
	s10 =	sld [smem:$0x3FB8];
	_ =	sdelay $0x3  }
0x34: {  	[smem:$0x3FB8] =	sst s10  }
0x35: {  	s10 =	sld [smem:$0x3FB7];
	_ =	sdelay $0x3  }
0x36: {  	p1 =	seq.s32 s10, $0x1;
	s10 =	sld [smem:$0x3FB8];
	_ =	sdelay $0x3  }
0x37: {  	[smem:$0x3FB8] =	sst s10  }
0x38: {  	s10 =	sld [smem:$0x3FB9]  }
0x39: {  	_ = 	snop;
	(pc) =	sbr.ind lr, $3  }
0x3a: {  	_ = 	snop  }
0x3b: {  	_ = 	snop  }
0x3c: {  	p2 =	seq.s32 s10, $0x1;
	s10 =	sld [smem:$0x3FB8]  }
0x3d: {  	_ =	shalt  }
0x3e: {  	_ =	shalt  }
0x3f: {  	_ =	shalt  }
0x40: {  	_ =	shalt  }
0x41: {  	_ =	shalt  }
0x42: {  	_ =	shalt  }
0x43: {  	_ =	shalt  }
0x44: {  	_ =	shalt  }
0x45: {  	_ =	shalt  }
0x46: {  	_ =	shalt  }
0x47: {  	_ =	shalt  }
0x48: {  	_ =	shalt  }
0x49: {  	_ =	shalt  }
0x4a: {  	_ =	shalt  }
0x4b: {  	_ =	shalt  }
0x4c: {  	_ =	shalt  }
0x4d: {  	_ =	shalt  }
0x4e: {  	_ =	shalt  }
0x4f: {  	_ =	shalt  }
0x50: {  	_ =	shalt  }
0x51: {  	_ =	shalt  }
0x52: {  	_ =	shalt  }
0x53: {  	_ =	shalt  }
0x54: {  	_ =	shalt  }
0x55: {  	_ =	shalt  }
0x56: {  	_ =	shalt  }
0x57: {  	_ =	shalt  }
0x58: {  	_ =	shalt  }
0x59: {  	_ =	shalt  }
0x5a: {  	_ =	shalt  }
0x5b: {  	_ =	shalt  }
0x5c: {  	_ =	shalt  }
0x5d: {  	_ =	shalt  }
0x5e: {  	_ =	shalt  }
0x5f: {  	_ =	shalt  }
0x60: {  	_ =	shalt  }
0x61: {  	_ =	shalt  }
0x62: {  	_ =	shalt  }
0x63: {  	_ =	shalt  }
0x64: {  	_ =	shalt  }
0x65: {  	_ =	shalt  }
0x66: {  	_ =	shalt  }
0x67: {  	_ =	shalt  }
0x68: {  	_ =	shalt  }
0x69: {  	_ =	shalt  }
0x6a: {  	_ =	shalt  }
0x6b: {  	_ =	shalt  }
0x6c: {  	_ =	shalt  }
0x6d: {  	_ =	shalt  }
0x6e: {  	_ =	shalt  }
0x6f: {  	_ =	shalt  }
0x70: {  	_ =	shalt  }
0x71: {  	_ =	shalt  }
0x72: {  	_ =	shalt  }
0x73: {  	_ =	shalt  }
0x74: {  	_ =	shalt  }
0x75: {  	_ =	shalt  }
0x76: {  	_ =	shalt  }
0x77: {  	_ =	shalt  }
0x78: {  	_ =	shalt  }
0x79: {  	_ =	shalt  }
0x7a: {  	_ =	shalt  }
0x7b: {  	_ =	shalt  }
0x7c: {  	_ =	shalt  }
0x7d: {  	_ =	shalt  }
0x7e: {  	_ =	shalt  }
0x7f: {  	_ =	shalt  }
0x80: {  	_ =	shalt  }
0x81: {  	_ =	shalt  }
0x82: {  	_ =	shalt  }
0x83: {  	_ =	shalt  }
0x84: {  	_ =	shalt  }
0x85: {  	_ =	shalt  }
0x86: {  	_ =	shalt  }
0x87: {  	_ =	shalt  }
.Lfunc_end0:
.L_simem_size_0:
called_computation.4_lowered:
.L_overlay_start_0:
0x88: {  	s2 =	sld [smem:$0x3FD9]  }
0x89: {  	s3 =	sld [smem:$0x3FFE];
	_ =	sdelay $0x1  }
0x8a: {  	s1 =	srdreg.scid  }
0x8b: {  	s0 =	sand.u32 $0x1, s1  }
0x8c: {  	s16 =	sshll.u32 s0, $0xA;
	s2 =	sadd.s32 s3, s2  }
0x8d: {  	s2 =	sadd.s32 s2, s16  }
0x8e: {  	[smem:$0x3FC4] =	sst s2  }
0x8f: {  	_ = 	snop  }
0x90: {  	(tm) =	ssettm $0x1  }
0x91: {  	s17 =	sld [smem:$0x3FFB];
	_ =	sdelay $0x3  }
0x92: {  	_ =	strace s17  }
0x93: {  	s2 =	sld [smem:$0x3FFC];
	_ =	sdelay $0x3  }
0x94: {  	_ =	strace s2  }
0x95: {  	s2 =	sld [smem:$0x3FFD];
	_ =	sdelay $0x3  }
0x96: {  	_ =	strace s2  }
0x97: {  	_ =	strace $0x8FFFFFFF  }
0x98: {  	s18 =	sld [smem:$0x3FDB];
	_ =	sdelay $0x1  }
0x99: {  	s19 =	simm.s32 $_scs_section_size  }
0x9a: {  	s4 =	simm.s32 $_size__tile_overlayer_lowered;
	s5 =	simm.s32 $_tile_overlayer_lowered  }
0x9b: {  	s22 =	simm.s32 $0x1BFF;
	s21 =	sshll.u32 s5, $0x1;
	s2 =	sadd.s32 s19, s18  }
0x9c: {  	s6 =	simm.s32 $0x0;
	s20 =	sshll.u32 s4, $0x1;
	s4 =	sadd.s32 s21, s2  }
0x9d: {  	[timem:s6], [sflag:s22] =	dma.local [hbm:s4], s20  }
0x9e: {  	_ =	swait.ge [sflag:s22], s20  }
0x9f: {  	s3 =	ssub.s32 $0x0, s20;
	[sflag:s22] =	ssyncset.done $0x0  }
0xa0: {  	[sflag:s22] =	ssyncadd.s32 s3;
	_ =	sdelay $0x1  }
0xa1: {  	s23 =	simm.s32 $0x1B8B  }
0xa2: {  	_ =	swait.ge [sflag:s23], $0x1  }
0xa3: {  	[sflag:s23] =	ssyncset.done $0x0  }
0xa4: {  	s25 =	simm.s32 $0x1B8E;
	s24 =	sld [smem:$0x3FFE];
	[sflag:s23] =	ssyncadd.s32 $0xFFFFFFFF  }
0xa5: {  	s26 =	simm.s32 $execute0_lowered;
	[smem:$0x3FD2] =	sst s25  }
0xa6: {  	s4 =	sshll.u32 s26, $0x1;
	_ =	strace $0x80000052;
	[dreg:$0x1] =	wrdreg $0xFFFFFFFF  }
0xa7: {  	s28 =	simm.s32 $_size_execute0_lowered;
	s2 =	sadd.s32 s2, s4;
	[dreg:$0x0] =	wrdreg $0x0  }
0xa8: {  	s4 =	sshll.u32 s28, $0x1;
	[dreg:$0x2] =	wrdreg s2  }
0xa9: {  	[dreg:$0x3] =	wrdreg s4  }
0xaa: {  	[dreg:$0x4] =	wrdreg $0xC0  }
0xab: {  	_ =	task [dreg:s6], $0x5FFFF  }
0xac: {  	[dreg:$0x1] =	wrdreg $0xFFFFFFFF  }
0xad: {  	[dreg:$0x0] =	wrdreg $0x60  }
0xae: {  	[dreg:$0x2] =	wrdreg s24  }
0xaf: {  	[dreg:$0x3] =	wrdreg $0x9  }
0xb0: {  	_ =	task.clear_ibuf [dreg:s6], $0x4FFFF;
	_ =	strace $0x90000052  }
0xb1: {  	s29 =	simm.s32 $0x9;
	_ =	strace $0x80000054  }
0xb2: {  	_ =	swait.ge [sflag:s29], $0x1  }
0xb3: {  	[sflag:s29] =	ssyncadd.s32 $0xFFFFFFFF  }
0xb4: {  	_ =	strace $0x90000054  }
0xb5: {  	_ =	sfence  }
0xb6: {  	s30 =	sld [smem:$0x0];
	_ =	sdelay $0x2  }
0xb7: {  	s31 =	sshll.u32 s1, $0xD;
	s1 =	sshrl.u32 s1, $0x2  }
0xb8: {  	s3 =	sand.u32 $0x4000, s31;
	s1 =	sadd.s32 s1, s30  }
0xb9: {  	s0 =	sor.u32 s3, s0;
	s1 =	sshll.u32 s1, $0x11  }
0xba: {  	s0 =	sor.u32 s1, s0  }
0xbb: {  	s0 =	sadd.s32 $0x8F2B, s0  }
0xbc: {  	[sflag:s0] =	ssyncadd.remote.s32 $0x1  }
0xbd: {  	_ =	sfence.sel $0xFFFF  }
0xbe: {  	[dreg:$0x0] =	wrdreg $0xFFFFFFFF;
	(pc) =	sbr.abs _section_cstart, $3  }
0xbf: {  	[dreg:$0x1] =	wrdreg $0xFFFFFFFF  }
0xc0: {  	_ =	task.clear_ibuf [dreg:s6], $0x2FFFF;
	_ =	strace $0x9FFFFFFF  }
0xc1: {  	(tm) =	ssettm $0x7FFFFFFF  }
tec
execute0_lowered:
.L_overlay_start_1:
0x0: {  	(tag) =	ssettag $0x1  }
0x1: {  	s1 =	srdreg.scid;
	s0 =	stileid.u32  }
0x2: {  	s18 =	sand.u32 $0x1, s1;
	s29 =	sshll.u32 s0, $0x1  }
0x3: {  	s2 =	rddreg [dreg:$0x0];
	s19 =	sor.u32 s18, s29  }
0x4: {  	s3 =	simm.s32 $0x0;
	s1 =	rddreg [dreg:$0x1];
	s4 =	sshll.u32 s19, $0x7  }
0x5: {  	[smem:$0x7FF] =	sst s3;
	s4 =	sadd.s32 s4, s2  }
0x6: {  	_ =	strace $0x80000053;
	s5 =	sadd.s32 $0xC0200, s4;
	s4 =	simm.s32 $0x2  }
0x7: {  	[tilespmem:s3], [sflag:$0x2] =	stream.linear.gather [hbm4b:s5+s3], $0x300, $0x38;
	[tilespmem:$0x18400] =	vst v63  }
0x8: {  	_ =	swait.ge [sflag:s4], $0x300  }
0x9: {  	[sflag:s4] =	ssyncset.done $0x0  }
0xa: {  	s6 =	simm.s32 $0x80;
	s7 =	simm.s32 $0x400;
	[sflag:s4] =	ssyncadd.s32 $0xFFFFFD00  }
0xb: {  	[tilespmem:s7], [sflag:$0x1] =	stream.indirect.gather [hbm4b:s2+s6], $0x80, s3, s6, $0xb8;
	[tilespmem:$0x18400] =	vst v63  }
0xc: {  	s8 =	simm.s32 $0x4400  }
0xd: {  	[tilespmem:s8], [sflag:$0x1] =	stream.indirect.gather [hbm4b:s2+s6], $0x80, s6, s6, $0xb8;
	[tilespmem:$0x18400] =	vst v63  }
0xe: {  	s9 =	simm.s32 $0x100;
	s10 =	simm.s32 $0x8400  }
0xf: {  	[tilespmem:s10], [sflag:$0x1] =	stream.indirect.gather [hbm4b:s2+s6], $0x80, s9, s6, $0xb8;
	[tilespmem:$0x18400] =	vst v63  }
0x10: {  	s11 =	simm.s32 $0x180;
	s12 =	simm.s32 $0xC400  }
0x11: {  	[tilespmem:s12], [sflag:$0x1] =	stream.indirect.gather [hbm4b:s2+s6], $0x80, s11, s6, $0xb8;
	[tilespmem:$0x18400] =	vst v63  }
0x12: {  	s13 =	simm.s32 $0x200;
	s14 =	simm.s32 $0x10400  }
0x13: {  	[tilespmem:s14], [sflag:$0x1] =	stream.indirect.gather [hbm4b:s2+s6], $0x80, s13, s6, $0xb8;
	[tilespmem:$0x18400] =	vst v63  }
0x14: {  	s15 =	simm.s32 $0x280;
	s16 =	simm.s32 $0x14400;
	s17 =	simm.s32 $0x1  }
0x15: {  	[tilespmem:s16], [sflag:$0x1] =	stream.indirect.gather [hbm4b:s2+s6], $0x80, s15, s6, $0xb8;
	[tilespmem:$0x18400] =	vst v63  }
0x16: {  	_ =	swait.ge [sflag:s17], $0x4000  }
0x17: {  	[sflag:s17] =	ssyncset.done $0x0  }
0x18: {  	[sflag:s17] =	ssyncadd.s32 $0xFFFFC000  }
0x19: {  	_ =	swait.ge [sflag:s17], $0x4000  }
0x1a: {  	[sflag:s17] =	ssyncset.done $0x0  }
0x1b: {  	[sflag:s17] =	ssyncadd.s32 $0xFFFFC000  }
0x1c: {  	_ =	swait.ge [sflag:s17], $0x4000  }
0x1d: {  	[sflag:s17] =	ssyncset.done $0x0  }
0x1e: {  	[sflag:s17] =	ssyncadd.s32 $0xFFFFC000  }
0x1f: {  	_ =	swait.ge [sflag:s17], $0x4000  }
0x20: {  	[sflag:s17] =	ssyncset.done $0x0  }
0x21: {  	s18 =	ssub.s32 $0x2, s18;
	[sflag:s17] =	ssyncadd.s32 $0xFFFFC000  }
0x22: {  	s20 =	sshrl.u32 s18, $0x1;
	_ =	swait.ge [sflag:s17], $0x4000  }
0x23: {  	s20 =	ssub.s32 s18, s20;
	[sflag:s17] =	ssyncset.done $0x0  }
0x24: {  	s19 =	smul.u32 $0x3000, s19;
	s31 =	smax.u32 s20, $0x1;
	[sflag:s17] =	ssyncadd.s32 $0xFFFFC000  }
0x25: {  	p0 =	sne.s32 s31, $0x1;
	_ =	swait.ge [sflag:s17], $0x4000  }
.Ltmp0:
0x26: {  	s30 =	sadd.s32 s19, s2;
	[sflag:s17] =	ssyncset.done $0x0;
	(pc) =	sbr.rel @!p0 .LBB2_2-.Ltmp0, $4  }
0x27: {  	s18 =	sadd.s32 $0x60000, s30;
	[sflag:s17] =	ssyncadd.s32 $0xFFFFC000  }
0x28: {  	[hbm4b:s18+s3] =	stream.linear.scatter [tilespmem:s7], [sflag:$0x2], $0x18000, $0x38;
	[tilespmem:$0x18400] =	vst v63  }
0x29: {  	_ =	swait.ge [sflag:s4], $0x18000  }
0x2a: {  	s19 =	sadd.s32 $0xFFFFFFFF, s31;
	[sflag:s4] =	ssyncset.done $0x0  }
.LBB2_1:
0x2b: {  	p0 =	sne.s32 s19, $0x1;
	s19 =	sadd.s32 $0xFFFFFFFF, s19;
	[sflag:s4] =	ssyncadd.s32 $0xFFFE8000  }
0x2c: {  	[tilespmem:s3], [sflag:$0x2] =	stream.linear.gather [hbm4b:s5+s3], $0x300, $0x38;
	[tilespmem:$0x18400] =	vst v63  }
0x2d: {  	_ =	swait.ge [sflag:s4], $0x300  }
0x2e: {  	[sflag:s4] =	ssyncset.done $0x0  }
0x2f: {  	[sflag:s4] =	ssyncadd.s32 $0xFFFFFD00  }
0x30: {  	[tilespmem:s7], [sflag:$0x1] =	stream.indirect.gather [hbm4b:s2+s6], $0x80, s3, s6, $0xb8;
	[tilespmem:$0x18400] =	vst v63  }
0x31: {  	_ = 	snop  }
0x32: {  	[tilespmem:s8], [sflag:$0x1] =	stream.indirect.gather [hbm4b:s2+s6], $0x80, s6, s6, $0xb8;
	[tilespmem:$0x18400] =	vst v63  }
0x33: {  	_ = 	snop  }
0x34: {  	[tilespmem:s10], [sflag:$0x1] =	stream.indirect.gather [hbm4b:s2+s6], $0x80, s9, s6, $0xb8;
	[tilespmem:$0x18400] =	vst v63  }
0x35: {  	_ = 	snop  }
0x36: {  	[tilespmem:s12], [sflag:$0x1] =	stream.indirect.gather [hbm4b:s2+s6], $0x80, s11, s6, $0xb8;
	[tilespmem:$0x18400] =	vst v63  }
0x37: {  	_ = 	snop  }
0x38: {  	[tilespmem:s14], [sflag:$0x1] =	stream.indirect.gather [hbm4b:s2+s6], $0x80, s13, s6, $0xb8;
	[tilespmem:$0x18400] =	vst v63  }
0x39: {  	_ = 	snop  }
0x3a: {  	[tilespmem:s16], [sflag:$0x1] =	stream.indirect.gather [hbm4b:s2+s6], $0x80, s15, s6, $0xb8;
	[tilespmem:$0x18400] =	vst v63  }
0x3b: {  	_ =	swait.ge [sflag:s17], $0x4000  }
0x3c: {  	[sflag:s17] =	ssyncset.done $0x0  }
0x3d: {  	[sflag:s17] =	ssyncadd.s32 $0xFFFFC000  }
0x3e: {  	_ =	swait.ge [sflag:s17], $0x4000  }
0x3f: {  	[sflag:s17] =	ssyncset.done $0x0  }
0x40: {  	[sflag:s17] =	ssyncadd.s32 $0xFFFFC000  }
0x41: {  	_ =	swait.ge [sflag:s17], $0x4000  }
0x42: {  	[sflag:s17] =	ssyncset.done $0x0  }
0x43: {  	[sflag:s17] =	ssyncadd.s32 $0xFFFFC000  }
0x44: {  	_ =	swait.ge [sflag:s17], $0x4000  }
0x45: {  	[sflag:s17] =	ssyncset.done $0x0  }
0x46: {  	[sflag:s17] =	ssyncadd.s32 $0xFFFFC000  }
0x47: {  	_ =	swait.ge [sflag:s17], $0x4000  }
0x48: {  	[sflag:s17] =	ssyncset.done $0x0  }
0x49: {  	[sflag:s17] =	ssyncadd.s32 $0xFFFFC000  }
0x4a: {  	_ =	swait.ge [sflag:s17], $0x4000  }
.Ltmp1:
0x4b: {  	[sflag:s17] =	ssyncset.done $0x0;
	(pc) =	sbr.rel @p0 .LBB2_1-.Ltmp1, $4  }
0x4c: {  	[sflag:s17] =	ssyncadd.s32 $0xFFFFC000  }
0x4d: {  	[hbm4b:s18+s3] =	stream.linear.scatter [tilespmem:s7], [sflag:$0x2], $0x18000, $0x38;
	[tilespmem:$0x18400] =	vst v63  }
0x4e: {  	_ =	swait.ge [sflag:s4], $0x18000  }
0x4f: {  	[sflag:s4] =	ssyncset.done $0x0  }
.LBB2_2:
0x50: {  	[sflag:s4] =	ssyncadd.s32 $0xFFFE8000  }
0x51: {  	_ =	sfence.sel $0x180000  }
0x52: {  	[bflag:$0x0] =	sbarrier.arrive $0xFFFF  }
0x53: {  	p0 =	sne.s32 s0, $0x0;
	_ =	strace $0x90000053  }
0x54: {  	s0 =	sadd.s32 @!p0 $0x100000, s1;
	[bflag:$0x2] =	sbarrier.arrive $0xFFFF  }
0x55: {  	[sflag:s0] =	ssyncadd.tile.s32 @!p0 $0x1;
	_ =	shalt  }
.Lfunc_end2:
_tile_overlayer_lowered:
.L_overlay_start_2:
0x56: {  	(tag) =	ssettag $0x2  }
0x57: {  	s0 =	rddreg [dreg:$0x0];
	s2 =	stileid.u32  }
0x58: {  	s1 =	rddreg [dreg:$0x1];
	p0 =	sne.s32 s2, $0x0  }
0x59: {  	s3 =	rddreg [dreg:$0x2];
	[bflag:$0x3] =	sbarrier.arrive $0xFFFF;
	s2 =	simm.s32 @!p0 $0x1C02  }
0x5a: {  	[timem:s3], [sflag:s2] =	dma.local @!p0 [hbm:s0], s1  }
0x5b: {  	s0 =	simm.s32 @!p0 $0x2  }
0x5c: {  	_ =	swait.ge @!p0 [sflag:s0], s1  }
0x5d: {  	s1 =	ssub.s32 @!p0 $0x0, s1;
	[sflag:s0] =	ssyncset.done @!p0 $0x0  }
0x5e: {  	[sflag:s0] =	ssyncadd.s32 @!p0 s1  }
0x5f: {  	[bflag:$0x3] =	sbarrier.arrive $0xFFFF  }
0x60: {  	_ =	shalt  }

// kernel: kernel.8.cloned.1.call-start
scs
__scs_entry_jumppad:
0x0: {  	(pc) =	sbr.rel $0x88, $3  }
0x1: {  	(tag) =	ssettag $0x0;
	lr =	simm.s32 $0x1  }
0x2: {  	[smem:$0x3F9D] =	sst lr;
	_ =	strace $0xD0000000  }
0x3: {  	_ = 	snop  }
0x4: {  	_ = 	snop  }
0x5: {  	_ = 	snop  }
0x6: {  	_ = 	snop  }
0x7: {  	_ = 	snop  }
__scs_overlays_trampoline_lowered:
0x8: {  	[smem:$0x3FAC] =	sst s0  }
0x9: {  	[smem:$0x3FAD] =	sst s1  }
0xa: {  	[smem:$0x3FAE] =	sst s2  }
0xb: {  	[smem:$0x3FAF] =	sst s3  }
0xc: {  	[smem:$0x3FB0] =	sst s4  }
0xd: {  	[smem:$0x3FB1] =	sst s5  }
0xe: {  	[smem:$0x3FB2] =	sst s6  }
0xf: {  	[smem:$0x3FB3] =	sst s7  }
0x10: {  	[smem:$0x3FB4] =	sst s8  }
0x11: {  	[smem:$0x3FB5] =	sst s9;
	s0 =	simm.s32 @!p0 $0x0  }
0x12: {  	s1 =	sld [smem:$0x3F9B];
	s0 =	simm.s32 @p0 $0x1  }
0x13: {  	[smem:$0x3FB6] =	sst s0;
	s0 =	simm.s32 @!p1 $0x0  }
0x14: {  	s2 =	sld [smem:$0x3F9A];
	s0 =	simm.s32 @p1 $0x1  }
0x15: {  	[smem:$0x3FB7] =	sst s0;
	s0 =	simm.s32 @!p2 $0x0  }
0x16: {  	s3 =	sld [smem:$0x3FDB];
	s0 =	simm.s32 @p2 $0x1  }
0x17: {  	s4 =	simm.s32 $0x1BF5;
	[smem:$0x3FB9] =	sst s0  }
0x18: {  	s0 =	sld [smem:$0x3F9C];
	_ =	swait.ge [sflag:s4], $0x0  }
0x19: {  	s7 =	sld [smem:$0x3F9D]  }
0x1a: {  	s8 =	sadd.s32 $0xFFFFE003, lr  }
0x1b: {  	s9 =	sadd.s32 $0xFFFFFEF7, lr;
	s5 =	simm.s32 $0xFFFFFFFF;
	p2 =	slt.u32 s8, $0xFFFFF086  }
0x1c: {  	p1 =	slt.u32 s9, $0xF7A;
	s5 =	simm.s32 @!p2 $0x0  }
0x1d: {  	s5 =	simm.s32 @p1 $0x1;
	p0 =	seq.s32 s7, s2  }
0x1e: {  	s7 =	smul.u32 @!p0 $0xF7A, s2;
	p2 =	seq.s32 @!p0 s5, $0x0  }
0x1f: {  	s9 =	smul.u32 $0xF7A, s1;
	s8 =	simm.s32 @!p0 $0x1BF5;
	p2 =	por !p2, p0  }
0x20: {  	[sflag:s8] =	ssyncset.s32 @!p0 $0xFFFFF086;
	s6 =	sadd.s32 @!p0 s3, s7;
	s7 =	simm.s32 @!p0 $0x108  }
0x21: {  	s3 =	sadd.s32 s3, s9;
	s6 =	sadd.s32 @!p0 $0x88, s6;
	s7 =	simm.s32 @p2 $0x1082  }
0x22: {  	[simem:s7], [sflag:s8] =	dma.local @!p0 [hbm:s6], $0xF7A  }
0x23: {  	s9 =	sor.u32 $0xD0000000, s2;
	s6 =	simm.s32 $0x108;
	_ =	swait.ge @!p0 [sflag:s8], $0x0  }
0x24: {  	s3 =	sadd.s32 $0x88, s3;
	s6 =	simm.s32 @!p1 $0x1082;
	[sflag:s4] =	ssyncset.s32 $0xFFFFF086  }
0x25: {  	[simem:s6], [sflag:s4] =	dma.local [hbm:s3], $0xF7A  }
0x26: {  	[smem:$0x3F9D] =	sst s1;
	(tag) =	ssettag s2;
	_ =	strace s9  }
0x27: {  	s1 =	sld [smem:$0x3FAD]  }
0x28: {  	s2 =	sld [smem:$0x3FAE]  }
0x29: {  	s4 =	sld [smem:$0x3FB0]  }
0x2a: {  	p0 =	seq.s32 s5, $0x0;
	s5 =	sld [smem:$0x3FB1]  }
0x2b: {  	s6 =	sld [smem:$0x3FB2]  }
0x2c: {  	s7 =	sld [smem:$0x3FB3]  }
0x2d: {  	s3 =	simm.s32 $0x108;
	s8 =	sld [smem:$0x3FB4]  }
0x2e: {  	s3 =	simm.s32 @!p0 $0x1082;
	s9 =	sld [smem:$0x3FB5]  }
0x2f: {  	lr =	sadd.s32 s0, s3;
	s0 =	sld [smem:$0x3FAC]  }
0x30: {  	s3 =	sld [smem:$0x3FAF]  }
0x31: {  	[smem:$0x3FB8] =	sst s10  }
0x32: {  	s10 =	sld [smem:$0x3FB6];
	_ =	sdelay $0x3  }
0x33: {  	p0 =	seq.s32 s10, $0x1;
	s10 =	sld [smem:$0x3FB8];
	_ =	sdelay $0x3  }
0x34: {  	[smem:$0x3FB8] =	sst s10  }
0x35: {  	s10 =	sld [smem:$0x3FB7];
	_ =	sdelay $0x3  }
0x36: {  	p1 =	seq.s32 s10, $0x1;
	s10 =	sld [smem:$0x3FB8];
	_ =	sdelay $0x3  }
0x37: {  	[smem:$0x3FB8] =	sst s10  }
0x38: {  	s10 =	sld [smem:$0x3FB9]  }
0x39: {  	_ = 	snop;
	(pc) =	sbr.ind lr, $3  }
0x3a: {  	_ = 	snop  }
0x3b: {  	_ = 	snop  }
0x3c: {  	p2 =	seq.s32 s10, $0x1;
	s10 =	sld [smem:$0x3FB8]  }
0x3d: {  	_ =	shalt  }
0x3e: {  	_ =	shalt  }
0x3f: {  	_ =	shalt  }
0x40: {  	_ =	shalt  }
0x41: {  	_ =	shalt  }
0x42: {  	_ =	shalt  }
0x43: {  	_ =	shalt  }
0x44: {  	_ =	shalt  }
0x45: {  	_ =	shalt  }
0x46: {  	_ =	shalt  }
0x47: {  	_ =	shalt  }
0x48: {  	_ =	shalt  }
0x49: {  	_ =	shalt  }
0x4a: {  	_ =	shalt  }
0x4b: {  	_ =	shalt  }
0x4c: {  	_ =	shalt  }
0x4d: {  	_ =	shalt  }
0x4e: {  	_ =	shalt  }
0x4f: {  	_ =	shalt  }
0x50: {  	_ =	shalt  }
0x51: {  	_ =	shalt  }
0x52: {  	_ =	shalt  }
0x53: {  	_ =	shalt  }
0x54: {  	_ =	shalt  }
0x55: {  	_ =	shalt  }
0x56: {  	_ =	shalt  }
0x57: {  	_ =	shalt  }
0x58: {  	_ =	shalt  }
0x59: {  	_ =	shalt  }
0x5a: {  	_ =	shalt  }
0x5b: {  	_ =	shalt  }
0x5c: {  	_ =	shalt  }
0x5d: {  	_ =	shalt  }
0x5e: {  	_ =	shalt  }
0x5f: {  	_ =	shalt  }
0x60: {  	_ =	shalt  }
0x61: {  	_ =	shalt  }
0x62: {  	_ =	shalt  }
0x63: {  	_ =	shalt  }
0x64: {  	_ =	shalt  }
0x65: {  	_ =	shalt  }
0x66: {  	_ =	shalt  }
0x67: {  	_ =	shalt  }
0x68: {  	_ =	shalt  }
0x69: {  	_ =	shalt  }
0x6a: {  	_ =	shalt  }
0x6b: {  	_ =	shalt  }
0x6c: {  	_ =	shalt  }
0x6d: {  	_ =	shalt  }
0x6e: {  	_ =	shalt  }
0x6f: {  	_ =	shalt  }
0x70: {  	_ =	shalt  }
0x71: {  	_ =	shalt  }
0x72: {  	_ =	shalt  }
0x73: {  	_ =	shalt  }
0x74: {  	_ =	shalt  }
0x75: {  	_ =	shalt  }
0x76: {  	_ =	shalt  }
0x77: {  	_ =	shalt  }
0x78: {  	_ =	shalt  }
0x79: {  	_ =	shalt  }
0x7a: {  	_ =	shalt  }
0x7b: {  	_ =	shalt  }
0x7c: {  	_ =	shalt  }
0x7d: {  	_ =	shalt  }
0x7e: {  	_ =	shalt  }
0x7f: {  	_ =	shalt  }
0x80: {  	_ =	shalt  }
0x81: {  	_ =	shalt  }
0x82: {  	_ =	shalt  }
0x83: {  	_ =	shalt  }
0x84: {  	_ =	shalt  }
0x85: {  	_ =	shalt  }
0x86: {  	_ =	shalt  }
0x87: {  	_ =	shalt  }
.Lfunc_end0:
.L_simem_size_0:
called_computation.1_lowered:
.L_overlay_start_0:
0x88: {  	s2 =	sld [smem:$0x3FD9]  }
0x89: {  	s3 =	sld [smem:$0x3FFE];
	_ =	sdelay $0x1  }
0x8a: {  	s1 =	srdreg.scid  }
0x8b: {  	s0 =	sand.u32 $0x1, s1  }
0x8c: {  	s17 =	sshll.u32 s0, $0xA;
	s2 =	sadd.s32 s3, s2  }
0x8d: {  	s2 =	sadd.s32 s2, s17  }
0x8e: {  	[smem:$0x3FC4] =	sst s2  }
0x8f: {  	_ = 	snop  }
0x90: {  	(tm) =	ssettm $0x1  }
0x91: {  	s18 =	sld [smem:$0x3FFB];
	_ =	sdelay $0x3  }
0x92: {  	_ =	strace s18  }
0x93: {  	s2 =	sld [smem:$0x3FFC];
	_ =	sdelay $0x3  }
0x94: {  	_ =	strace s2  }
0x95: {  	s2 =	sld [smem:$0x3FFD];
	_ =	sdelay $0x3  }
0x96: {  	_ =	strace s2  }
0x97: {  	_ =	strace $0x8FFFFFFF  }
0x98: {  	s19 =	sld [smem:$0x3FDB];
	_ =	sdelay $0x1  }
0x99: {  	s20 =	simm.s32 $_scs_section_size  }
0x9a: {  	s4 =	simm.s32 $_size__tile_overlayer_lowered;
	s5 =	simm.s32 $_tile_overlayer_lowered  }
0x9b: {  	s6 =	simm.s32 $0x1BFF;
	s21 =	sshll.u32 s5, $0x1;
	s3 =	sadd.s32 s20, s19  }
0x9c: {  	s22 =	simm.s32 $0x0;
	s4 =	sshll.u32 s4, $0x1;
	s5 =	sadd.s32 s21, s3  }
0x9d: {  	[timem:s22], [sflag:s6] =	dma.local [hbm:s5], s4  }
0x9e: {  	_ =	swait.ge [sflag:s6], s4  }
0x9f: {  	s4 =	ssub.s32 $0x0, s4;
	[sflag:s6] =	ssyncset.done $0x0  }
0xa0: {  	[sflag:s6] =	ssyncadd.s32 s4;
	_ =	sdelay $0x1  }
0xa1: {  	s23 =	simm.s32 $0x1B8B  }
0xa2: {  	_ =	swait.ge [sflag:s23], $0x1  }
0xa3: {  	[sflag:s23] =	ssyncset.done $0x0  }
0xa4: {  	[sflag:s23] =	ssyncadd.s32 $0xFFFFFFFF  }
0xa5: {  	s4 =	sld [smem:$0x0]  }
0xa6: {  	s5 =	sand.u32 $0xFFFFFFFE, s1  }
0xa7: {  	p0 =	sne.s32 s1, s5  }
0xa8: {  	s5 =	sshll.u32 @p0 s5, $0xE  }
0xa9: {  	s5 =	sadd.s32 @p0 $0x11B8D, s5;
	s6 =	sshll.u32 @p0 s4, $0x11  }
0xaa: {  	s5 =	sor.u32 @p0 s6, s5  }
0xab: {  	[sflag:s5] =	ssyncadd.remote.s32 @p0 $0x1;
	_ =	sdelay $0x1  }
0xac: {  	s5 =	simm.s32 @p0 $0x1B8D  }
0xad: {  	_ =	swait.eq @p0 [sflag:s5], $0x1  }
0xae: {  	[sflag:s5] =	ssyncadd.s32 @p0 $0xFFFFFFFF  }
0xaf: {  	s6 =	sshll.u32 @!p0 s1, $0xE  }
0xb0: {  	s6 =	sor.u32 @!p0 $0x4000, s6;
	s5 =	simm.s32 @!p0 $0x1B8D  }
0xb1: {  	s4 =	sshll.u32 @!p0 s4, $0x11;
	s6 =	sadd.s32 @!p0 $0x11B8D, s6;
	_ =	swait.eq @!p0 [sflag:s5], $0x1  }
0xb2: {  	s4 =	sor.u32 @!p0 s4, s6;
	[sflag:s5] =	ssyncadd.s32 @!p0 $0xFFFFFFFF  }
0xb3: {  	s25 =	simm.s32 $0x1B8E;
	s24 =	sld [smem:$0x3FFE];
	[sflag:s4] =	ssyncadd.remote.s32 @!p0 $0x1  }
0xb4: {  	s26 =	simm.s32 $execute0_lowered;
	[smem:$0x3FD2] =	sst s25  }
0xb5: {  	s5 =	sshll.u32 s26, $0x1;
	_ =	strace $0x8000004C;
	[dreg:$0x1] =	wrdreg $0xFFFFFFFF  }
0xb6: {  	s28 =	simm.s32 $_size_execute0_lowered;
	s3 =	sadd.s32 s3, s5;
	[dreg:$0x0] =	wrdreg $0x0  }
0xb7: {  	s5 =	sshll.u32 s28, $0x1;
	[dreg:$0x2] =	wrdreg s3  }
0xb8: {  	[dreg:$0x3] =	wrdreg s5  }
0xb9: {  	[dreg:$0x4] =	wrdreg $0xC0  }
0xba: {  	_ =	task [dreg:s22], $0x5FFFF  }
0xbb: {  	[dreg:$0x1] =	wrdreg $0xFFFFFFFF  }
0xbc: {  	[dreg:$0x0] =	wrdreg $0x60  }
0xbd: {  	[dreg:$0x2] =	wrdreg s24  }
0xbe: {  	[dreg:$0x3] =	wrdreg $0xA  }
0xbf: {  	_ =	task.clear_ibuf [dreg:s22], $0x4FFFF;
	_ =	strace $0x9000004C  }
0xc0: {  	s29 =	simm.s32 $0xA;
	_ =	strace $0x8000004E  }
0xc1: {  	_ =	swait.ge [sflag:s29], $0x1  }
0xc2: {  	[sflag:s29] =	ssyncadd.s32 $0xFFFFFFFF  }
0xc3: {  	_ =	strace $0x9000004E  }
0xc4: {  	_ =	sfence  }
0xc5: {  	s30 =	sld [smem:$0x0];
	_ =	sdelay $0x2  }
0xc6: {  	s31 =	sshll.u32 s1, $0xD;
	s1 =	sshrl.u32 s1, $0x2  }
0xc7: {  	s4 =	sand.u32 $0x4000, s31;
	s1 =	sadd.s32 s1, s30  }
0xc8: {  	s0 =	sor.u32 s4, s0;
	s1 =	sshll.u32 s1, $0x11  }
0xc9: {  	s0 =	sor.u32 s1, s0  }
0xca: {  	s0 =	sadd.s32 $0x8F2B, s0  }
0xcb: {  	[sflag:s0] =	ssyncadd.remote.s32 $0x1  }
0xcc: {  	_ =	sfence.sel $0xFFFF  }
0xcd: {  	[dreg:$0x0] =	wrdreg $0xFFFFFFFF;
	(pc) =	sbr.abs _section_cstart, $3  }
0xce: {  	[dreg:$0x1] =	wrdreg $0xFFFFFFFF  }
0xcf: {  	_ =	task.clear_ibuf [dreg:s22], $0x2FFFF;
	_ =	strace $0x9FFFFFFF  }
0xd0: {  	(tm) =	ssettm $0x7FFFFFFF  }
0xd1: {  	_ =	shalt  }
tec
execute0_lowered:
.L_overlay_start_1:
0x0: {  	(tag) =	ssettag $0x1  }
0x1: {  	s1 =	srdreg.scid;
	s0 =	stileid.u32  }
0x2: {  	s19 =	sand.u32 $0x1, s1;
	s3 =	sshll.u32 s0, $0x1  }
0x3: {  	s7 =	rddreg [dreg:$0x0];
	s2 =	simm.s32 $0x0;
	s3 =	sor.u32 s19, s3  }
0x4: {  	[smem:$0x7FF] =	sst s2;
	s4 =	sshll.u32 s3, $0x7  }
0x5: {  	s1 =	rddreg [dreg:$0x1];
	_ =	strace $0x8000004D;
	s4 =	sadd.s32 s4, s7  }
0x6: {  	s5 =	smul.u32 $0x3000, s3;
	s3 =	sadd.s32 $0xC0200, s4;
	s4 =	simm.s32 $0x2  }
0x7: {  	[tilespmem:s2], [sflag:$0x2] =	stream.linear.gather [hbm4b:s3+s2], $0x300, $0x38;
	[tilespmem:$0x18400] =	vst v63  }
0x8: {  	_ =	swait.ge [sflag:s4], $0x300  }
0x9: {  	s5 =	sadd.s32 s5, s7;
	[sflag:s4] =	ssyncset.done $0x0  }
0xa: {  	s6 =	simm.s32 $0x400;
	s5 =	sadd.s32 $0xC1200, s5;
	[sflag:s4] =	ssyncadd.s32 $0xFFFFFD00  }
0xb: {  	[tilespmem:s6], [sflag:$0x2] =	stream.linear.gather [hbm4b:s5+s2], $0x18000, $0x38;
	[tilespmem:$0x18400] =	vst v63  }
0xc: {  	_ =	swait.ge [sflag:s4], $0x18000  }
0xd: {  	[sflag:s4] =	ssyncset.done $0x0  }
0xe: {  	s8 =	simm.s32 $0x80;
	s7 =	sadd.s32 $0x121200, s7;
	[sflag:s4] =	ssyncadd.s32 $0xFFFE8000  }
0xf: {  	[hbm4b:s7+s8] =	stream.indirect.scatter [tilespmem:s6], [sflag:$0x1], $0x80, s2, s8, $0xb8;
	[tilespmem:$0x18400] =	vst v63  }
0x10: {  	s9 =	simm.s32 $0x4400  }
0x11: {  	[hbm4b:s7+s8] =	stream.indirect.scatter [tilespmem:s9], [sflag:$0x1], $0x80, s8, s8, $0xb8;
	[tilespmem:$0x18400] =	vst v63  }
0x12: {  	s10 =	simm.s32 $0x100;
	s11 =	simm.s32 $0x8400  }
0x13: {  	[hbm4b:s7+s8] =	stream.indirect.scatter [tilespmem:s11], [sflag:$0x1], $0x80, s10, s8, $0xb8;
	[tilespmem:$0x18400] =	vst v63  }
0x14: {  	s12 =	simm.s32 $0x180;
	s13 =	simm.s32 $0xC400  }
0x15: {  	[hbm4b:s7+s8] =	stream.indirect.scatter [tilespmem:s13], [sflag:$0x1], $0x80, s12, s8, $0xb8;
	[tilespmem:$0x18400] =	vst v63  }
0x16: {  	s14 =	simm.s32 $0x200;
	s15 =	simm.s32 $0x10400  }
0x17: {  	[hbm4b:s7+s8] =	stream.indirect.scatter [tilespmem:s15], [sflag:$0x1], $0x80, s14, s8, $0xb8;
	[tilespmem:$0x18400] =	vst v63  }
0x18: {  	s16 =	simm.s32 $0x280;
	s18 =	simm.s32 $0x14400;
	s17 =	simm.s32 $0x1  }
0x19: {  	[hbm4b:s7+s8] =	stream.indirect.scatter [tilespmem:s18], [sflag:$0x1], $0x80, s16, s8, $0xb8;
	[tilespmem:$0x18400] =	vst v63  }
0x1a: {  	_ =	swait.ge [sflag:s17], $0x4000  }
0x1b: {  	[sflag:s17] =	ssyncset.done $0x0  }
0x1c: {  	[sflag:s17] =	ssyncadd.s32 $0xFFFFC000  }
0x1d: {  	_ =	swait.ge [sflag:s17], $0x4000  }
0x1e: {  	[sflag:s17] =	ssyncset.done $0x0  }
0x1f: {  	[sflag:s17] =	ssyncadd.s32 $0xFFFFC000  }
0x20: {  	_ =	swait.ge [sflag:s17], $0x4000  }
0x21: {  	s19 =	ssub.s32 $0x2, s19;
	[sflag:s17] =	ssyncset.done $0x0  }
0x22: {  	s20 =	sshrl.u32 s19, $0x1;
	[sflag:s17] =	ssyncadd.s32 $0xFFFFC000  }
0x23: {  	s19 =	ssub.s32 s19, s20;
	_ =	swait.ge [sflag:s17], $0x4000  }
0x24: {  	s19 =	smax.u32 s19, $0x1;
	[sflag:s17] =	ssyncset.done $0x0  }
0x25: {  	p0 =	sne.s32 s19, $0x1;
	[sflag:s17] =	ssyncadd.s32 $0xFFFFC000  }
.Ltmp0:
0x26: {  	_ =	swait.ge [sflag:s17], $0x4000;
	(pc) =	sbr.rel @!p0 .LBB2_2-.Ltmp0, $4  }
0x27: {  	[sflag:s17] =	ssyncset.done $0x0  }
0x28: {  	[sflag:s17] =	ssyncadd.s32 $0xFFFFC000  }
0x29: {  	_ =	swait.ge [sflag:s17], $0x4000  }
0x2a: {  	s19 =	sadd.s32 $0xFFFFFFFF, s19;
	[sflag:s17] =	ssyncset.done $0x0  }
.LBB2_1:
0x2b: {  	p0 =	sne.s32 s19, $0x1;
	s19 =	sadd.s32 $0xFFFFFFFF, s19;
	[sflag:s17] =	ssyncadd.s32 $0xFFFFC000  }
0x2c: {  	[tilespmem:s2], [sflag:$0x2] =	stream.linear.gather [hbm4b:s3+s2], $0x300, $0x38;
	[tilespmem:$0x18400] =	vst v63  }
0x2d: {  	_ =	swait.ge [sflag:s4], $0x300  }
0x2e: {  	[sflag:s4] =	ssyncset.done $0x0  }
0x2f: {  	[sflag:s4] =	ssyncadd.s32 $0xFFFFFD00  }
0x30: {  	[tilespmem:s6], [sflag:$0x2] =	stream.linear.gather [hbm4b:s5+s2], $0x18000, $0x38;
	[tilespmem:$0x18400] =	vst v63  }
0x31: {  	_ =	swait.ge [sflag:s4], $0x18000  }
0x32: {  	[sflag:s4] =	ssyncset.done $0x0  }
0x33: {  	[sflag:s4] =	ssyncadd.s32 $0xFFFE8000  }
0x34: {  	[hbm4b:s7+s8] =	stream.indirect.scatter [tilespmem:s6], [sflag:$0x1], $0x80, s2, s8, $0xb8;
	[tilespmem:$0x18400] =	vst v63  }
0x35: {  	_ = 	snop  }
0x36: {  	[hbm4b:s7+s8] =	stream.indirect.scatter [tilespmem:s9], [sflag:$0x1], $0x80, s8, s8, $0xb8;
	[tilespmem:$0x18400] =	vst v63  }
0x37: {  	_ = 	snop  }
0x38: {  	[hbm4b:s7+s8] =	stream.indirect.scatter [tilespmem:s11], [sflag:$0x1], $0x80, s10, s8, $0xb8;
	[tilespmem:$0x18400] =	vst v63  }
0x39: {  	_ = 	snop  }
0x3a: {  	[hbm4b:s7+s8] =	stream.indirect.scatter [tilespmem:s13], [sflag:$0x1], $0x80, s12, s8, $0xb8;
	[tilespmem:$0x18400] =	vst v63  }
0x3b: {  	_ = 	snop  }
0x3c: {  	[hbm4b:s7+s8] =	stream.indirect.scatter [tilespmem:s15], [sflag:$0x1], $0x80, s14, s8, $0xb8;
	[tilespmem:$0x18400] =	vst v63  }
0x3d: {  	_ = 	snop  }
0x3e: {  	[hbm4b:s7+s8] =	stream.indirect.scatter [tilespmem:s18], [sflag:$0x1], $0x80, s16, s8, $0xb8;
	[tilespmem:$0x18400] =	vst v63  }
0x3f: {  	_ =	swait.ge [sflag:s17], $0x4000  }
0x40: {  	[sflag:s17] =	ssyncset.done $0x0  }
0x41: {  	[sflag:s17] =	ssyncadd.s32 $0xFFFFC000  }
0x42: {  	_ =	swait.ge [sflag:s17], $0x4000  }
0x43: {  	[sflag:s17] =	ssyncset.done $0x0  }
0x44: {  	[sflag:s17] =	ssyncadd.s32 $0xFFFFC000  }
0x45: {  	_ =	swait.ge [sflag:s17], $0x4000  }
0x46: {  	[sflag:s17] =	ssyncset.done $0x0  }
0x47: {  	[sflag:s17] =	ssyncadd.s32 $0xFFFFC000  }
0x48: {  	_ =	swait.ge [sflag:s17], $0x4000  }
0x49: {  	[sflag:s17] =	ssyncset.done $0x0  }
0x4a: {  	[sflag:s17] =	ssyncadd.s32 $0xFFFFC000  }
.Ltmp1:
0x4b: {  	_ =	swait.ge [sflag:s17], $0x4000;
	(pc) =	sbr.rel @p0 .LBB2_1-.Ltmp1, $4  }
0x4c: {  	[sflag:s17] =	ssyncset.done $0x0  }
0x4d: {  	[sflag:s17] =	ssyncadd.s32 $0xFFFFC000  }
0x4e: {  	_ =	swait.ge [sflag:s17], $0x4000  }
0x4f: {  	[sflag:s17] =	ssyncset.done $0x0  }
.LBB2_2:
0x50: {  	[sflag:s17] =	ssyncadd.s32 $0xFFFFC000  }
0x51: {  	_ =	sfence.sel $0x180000  }
0x52: {  	[bflag:$0x0] =	sbarrier.arrive $0xFFFF  }
0x53: {  	p0 =	sne.s32 s0, $0x0;
	_ =	strace $0x9000004D  }
0x54: {  	s0 =	sadd.s32 @!p0 $0x100000, s1;
	[bflag:$0x2] =	sbarrier.arrive $0xFFFF  }
0x55: {  	[sflag:s0] =	ssyncadd.tile.s32 @!p0 $0x1;
	_ =	shalt  }
.Lfunc_end2:
_tile_overlayer_lowered:
.L_overlay_start_2:
0x56: {  	(tag) =	ssettag $0x2  }
0x57: {  	s0 =	rddreg [dreg:$0x0];
	s2 =	stileid.u32  }
0x58: {  	s1 =	rddreg [dreg:$0x1];
	p0 =	sne.s32 s2, $0x0  }
0x59: {  	s3 =	rddreg [dreg:$0x2];
	[bflag:$0x3] =	sbarrier.arrive $0xFFFF;
	s2 =	simm.s32 @!p0 $0x1C02  }
0x5a: {  	[timem:s3], [sflag:s2] =	dma.local @!p0 [hbm:s0], s1  }
0x5b: {  	s0 =	simm.s32 @!p0 $0x2  }
0x5c: {  	_ =	swait.ge @!p0 [sflag:s0], s1  }
0x5d: {  	s1 =	ssub.s32 @!p0 $0x0, s1;
	[sflag:s0] =	ssyncset.done @!p0 $0x0  }
0x5e: {  	[sflag:s0] =	ssyncadd.s32 @!p0 s1  }
0x5f: {  	[bflag:$0x3] =	sbarrier.arrive $0xFFFF  }
0x60: {  	_ =	shalt  }

</sc_bundles>
